<compile_context>
chip_gen: v7x
topology: tpu7x:2x2x1
jax: 0.10.2.dev20260603
libtpu: 0.0.44.dev20260713+nightly
codegen_flags: <defaults>
</compile_context>

<pallas_src>
import functools

import jax
import jax.numpy as jnp
from jax import lax
from jax.experimental import pallas as pl
from jax.experimental.pallas import tpu as pltpu
from jax.experimental.pallas import tpu_sc as plsc

B, S, H = 64, 512, 768
N = B * S
L = 16
T = 8
NS8 = 8
HC = H // L
NC, NS = 2, 16
NW = NC * NS
TPW = N // NW
CPW = TPW // T
CP2 = CPW // 2
RPT = S // NS
EPS = 1e-12


def _sc_kernel(ids_h, x0_h, y1_h, x2_h, y3_h, word_h, pos_h, x_h, y_h, h_h,
               w_h, lnw_h, lnb_h, out_h,
               idw, ix0, iy1, ix2, iy3, ih, iw,
               gA, gB, obA, obB,
               lnw_v, lnb_v, sm_v, sq_v, mu_v, rs_v,
               semA, semB, semOA, semOB):
    cid = lax.axis_index("c")
    sub = lax.axis_index("s")
    wid = sub * NC + cid
    base = wid * TPW

    pltpu.sync_copy(lnw_h, lnw_v)
    pltpu.sync_copy(lnb_h, lnb_v)

    pltpu.sync_copy(ids_h.at[pl.ds(base, TPW)], idw)
    pltpu.sync_copy(x0_h.at[pl.ds(base, TPW)], ix0)
    pltpu.sync_copy(y1_h.at[pl.ds(base, TPW)], iy1)
    pltpu.sync_copy(x2_h.at[pl.ds(base, TPW)], ix2)
    pltpu.sync_copy(y3_h.at[pl.ds(base, TPW)], iy3)

    def mk_hw(k, carry2):
        ds = pl.ds(k * L, L)
        ih[ds] = iy3[ds] - iy1[ds]
        iw[ds] = ix2[ds] - ix0[ds]
        return carry2

    lax.fori_loop(0, TPW // L, mk_hw, 0)

    def fire(c, g, sem):
        o = c * T
        t0 = base + o
        p0 = lax.rem(t0, S)
        pltpu.async_copy(pos_h.at[pl.ds(p0, T)], g.at[pl.ds(0, T)], sem)
        pltpu.async_copy(word_h.at[idw.at[pl.ds(o, T)]], g.at[pl.ds(T, T)], sem)
        pltpu.async_copy(x_h.at[ix0.at[pl.ds(o, T)]], g.at[pl.ds(2 * T, T)], sem)
        pltpu.async_copy(y_h.at[iy1.at[pl.ds(o, T)]], g.at[pl.ds(3 * T, T)], sem)
        pltpu.async_copy(x_h.at[ix2.at[pl.ds(o, T)]], g.at[pl.ds(4 * T, T)], sem)
        pltpu.async_copy(y_h.at[iy3.at[pl.ds(o, T)]], g.at[pl.ds(5 * T, T)], sem)
        pltpu.async_copy(h_h.at[ih.at[pl.ds(o, T)]], g.at[pl.ds(6 * T, T)], sem)
        pltpu.async_copy(w_h.at[iw.at[pl.ds(o, T)]], g.at[pl.ds(7 * T, T)], sem)

    def drain(n, g, sem):
        for _ in range(n):
            pltpu.make_async_copy(pos_h.at[pl.ds(0, T)], g.at[pl.ds(0, T)],
                                  sem).wait()

    lane = lax.iota(jnp.int32, L)

    def compute(c, g, ob, osem, first):

        @pl.when(jnp.logical_not(first))
        def _():
            pltpu.make_async_copy(ob, out_h.at[pl.ds(0, T)], osem).wait()

        z = jnp.zeros((L,), jnp.float32)
        HT = T // 2

        def mkcolstep(i0):
            def colstep(j, sq):
                s, q = sq
                ds = pl.ds(j * L, L)
                s2, q2 = [], []
                for ii in range(HT):
                    i = i0 + ii
                    a = (((g[i, ds] + g[T + i, ds])
                          + (g[2 * T + i, ds] + g[3 * T + i, ds]))
                         + ((g[4 * T + i, ds] + g[5 * T + i, ds])
                            + (g[6 * T + i, ds] + g[7 * T + i, ds])))
                    g[i, ds] = a
                    s2.append(s[ii] + a)
                    q2.append(q[ii] + a * a)
                return tuple(s2), tuple(q2)
            return colstep

        for i0 in (0, HT):
            s, q = lax.fori_loop(0, HC, mkcolstep(i0),
                                 ((z,) * HT, (z,) * HT))
            for ii in range(HT):
                sm_v[i0 + ii, :] = s[ii]
                sq_v[i0 + ii, :] = q[ii]

        def colsum(k, ts):
            ck = jnp.full((L,), k, jnp.int32)
            return (ts[0] + plsc.load_gather(sm_v, [lane, ck]),
                    ts[1] + plsc.load_gather(sq_v, [lane, ck]))

        z = jnp.zeros((L,), jnp.float32)
        sv, qv = lax.fori_loop(0, L, colsum, (z, z), unroll=4)
        mean = sv * (1.0 / H)
        var = qv * (1.0 / H) - mean * mean
        xe = var + EPS
        yi = 0x5F3759DF - lax.shift_right_logical(plsc.bitcast(xe, jnp.int32), 1)
        y = plsc.bitcast(yi, jnp.float32)
        xh = 0.5 * xe
        y = y * (1.5 - xh * y * y)
        y = y * (1.5 - xh * y * y)
        y = y * (1.5 - xh * y * y)
        mus = [mean[i] for i in range(T)]
        rss = [y[i] for i in range(T)]

        def normstep(j, carry2):
            ds = pl.ds(j * L, L)
            w = lnw_v[ds]
            b = lnb_v[ds]
            for i in range(T):
                ob[i, ds] = (g[i, ds] - mus[i]) * (rss[i] * w) + b
            return carry2

        lax.fori_loop(0, HC, normstep, 0)
        pltpu.async_copy(ob, out_h.at[pl.ds(base + c * T, T)], osem)

    fire(0, gA, semA)

    def pair(c2, carry):
        c = 2 * c2
        more = c2 < CP2 - 1

        fire(c + 1, gB, semB)
        drain(NS8, gA, semA)
        compute(c, gA, obA, semOA, c2 == 0)

        @pl.when(more)
        def _():
            fire(c + 2, gA, semA)

        drain(NS8, gB, semB)
        compute(c + 1, gB, obB, semOB, c2 == 0)
        return carry

    lax.fori_loop(0, CP2, pair, 0)
    pltpu.make_async_copy(obA, out_h.at[pl.ds(0, T)], semOA).wait()
    pltpu.make_async_copy(obB, out_h.at[pl.ds(0, T)], semOB).wait()


@jax.jit
def _sc_call(ids, x0, y1, x2, y3, word_emb, posc, x_emb, y_emb, h_emb,
             w_emb, ln_w, ln_b):
    mesh = plsc.VectorSubcoreMesh(core_axis_name="c", subcore_axis_name="s")
    return pl.kernel(
        _sc_kernel,
        out_type=jax.ShapeDtypeStruct((N, H), jnp.float32),
        mesh=mesh,
        compiler_params=pltpu.CompilerParams(needs_layout_passes=False),
        scratch_types=[
            pltpu.VMEM((TPW,), jnp.int32),
            pltpu.VMEM((TPW,), jnp.int32),
            pltpu.VMEM((TPW,), jnp.int32),
            pltpu.VMEM((TPW,), jnp.int32),
            pltpu.VMEM((TPW,), jnp.int32),
            pltpu.VMEM((TPW,), jnp.int32),
            pltpu.VMEM((TPW,), jnp.int32),
            pltpu.VMEM((NS8 * T, H), jnp.float32),
            pltpu.VMEM((NS8 * T, H), jnp.float32),
            pltpu.VMEM((T, H), jnp.float32),
            pltpu.VMEM((T, H), jnp.float32),
            pltpu.VMEM((H,), jnp.float32),
            pltpu.VMEM((H,), jnp.float32),
            pltpu.VMEM((L, L), jnp.float32),
            pltpu.VMEM((L, L), jnp.float32),
            pltpu.VMEM((L,), jnp.float32),
            pltpu.VMEM((L,), jnp.float32),
            pltpu.SemaphoreType.DMA,
            pltpu.SemaphoreType.DMA,
            pltpu.SemaphoreType.DMA,
            pltpu.SemaphoreType.DMA,
        ],
    )(ids, x0, y1, x2, y3, word_emb, posc, x_emb, y_emb, h_emb, w_emb,
      ln_w, ln_b)


def kernel(input_ids, bbox, word_emb, pos_emb, x_emb, y_emb, h_emb, w_emb,
           tt_emb, ln_w, ln_b):
    ids = input_ids.reshape(N)
    x0 = bbox[:, :, 0].reshape(N)
    y1 = bbox[:, :, 1].reshape(N)
    x2 = bbox[:, :, 2].reshape(N)
    y3 = bbox[:, :, 3].reshape(N)
    posc = pos_emb + tt_emb[0][None, :]
    out = _sc_call(ids, x0, y1, x2, y3, word_emb, posc, x_emb, y_emb,
                   h_emb, w_emb, ln_w, ln_b)
    return out.reshape(B, S, H)

# --- scband reference (transcript-rebuilt; emitter-appended) ---
"""Pipeline reference for scband-layout-lmembeddings-4595615006759 (READ-ONLY COPY).

The authoritative reference and input builder live on the scoring server;
editing this copy changes nothing except your own understanding.
"""

import jax, jax.numpy as jnp
import numpy as np

B, S, H = 64, 512, 768
VOCAB = 30522
MAXPOS = 512
MAX2D = 1024
TYPES = 2
EPS = 1e-12


def setup_inputs(seed: int = 0) -> dict:
    key = jax.random.key(seed)
    ks = jax.random.split(key, 12)
    input_ids = jax.random.randint(ks[0], (B, S), 0, VOCAB, dtype=jnp.int32)
    # sorted along last axis so bbox = (x0, y0, x1, y1)-like with x1>=x0? LayoutLM layout:
    # sorted guarantees bbox[...,3] >= bbox[...,1] and bbox[...,2] >= bbox[...,0], keeping h/w indices in range
    bbox = jnp.sort(jax.random.randint(ks[1], (B, S, 4), 0, MAX2D, dtype=jnp.int32), axis=-1)
    word_emb = jax.random.normal(ks[2], (VOCAB, H), dtype=jnp.float32) * 0.02
    word_emb = word_emb.at[0].set(0.0)  # padding_idx=0
    pos_emb = jax.random.normal(ks[3], (MAXPOS, H), dtype=jnp.float32) * 0.02
    x_emb = jax.random.normal(ks[4], (MAX2D, H), dtype=jnp.float32) * 0.02
    y_emb = jax.random.normal(ks[5], (MAX2D, H), dtype=jnp.float32) * 0.02
    h_emb = jax.random.normal(ks[6], (MAX2D, H), dtype=jnp.float32) * 0.02
    w_emb = jax.random.normal(ks[7], (MAX2D, H), dtype=jnp.float32) * 0.02
    tt_emb = jax.random.normal(ks[8], (TYPES, H), dtype=jnp.float32) * 0.02
    ln_w = jnp.ones((H,), dtype=jnp.float32)
    ln_b = jnp.zeros((H,), dtype=jnp.float32)
    return {
        "input_ids": input_ids,
        "bbox": bbox,
        "word_emb": word_emb,
        "pos_emb": pos_emb,
        "x_emb": x_emb,
        "y_emb": y_emb,
        "h_emb": h_emb,
        "w_emb": w_emb,
        "tt_emb": tt_emb,
        "ln_w": ln_w,
        "ln_b": ln_b,
    }


def reference(input_ids, bbox, word_emb, pos_emb, x_emb, y_emb, h_emb, w_emb, tt_emb, ln_w, ln_b):
    seq_length = input_ids.shape[1]
    position_ids = jnp.broadcast_to(
        jnp.arange(seq_length, dtype=input_ids.dtype)[None, :], input_ids.shape
    )
    token_type_ids = jnp.zeros_like(input_ids)

    words_embeddings = jnp.take(word_emb, input_ids, axis=0)
    position_embeddings = jnp.take(pos_emb, position_ids, axis=0)
    left_position_embeddings = jnp.take(x_emb, bbox[:, :, 0], axis=0)
    upper_position_embeddings = jnp.take(y_emb, bbox[:, :, 1], axis=0)
    right_position_embeddings = jnp.take(x_emb, bbox[:, :, 2], axis=0)
    lower_position_embeddings = jnp.take(y_emb, bbox[:, :, 3], axis=0)
    h_position_embeddings = jnp.take(h_emb, bbox[:, :, 3] - bbox[:, :, 1], axis=0)
    w_position_embeddings = jnp.take(w_emb, bbox[:, :, 2] - bbox[:, :, 0], axis=0)
    token_type_embeddings = jnp.take(tt_emb, token_type_ids, axis=0)

    embeddings = (
        words_embeddings
        + position_embeddings
        + left_position_embeddings
        + upper_position_embeddings
        + right_position_embeddings
        + lower_position_embeddings
        + h_position_embeddings
        + w_position_embeddings
        + token_type_embeddings
    )
    # LayerNorm (biased variance, like torch.nn.LayerNorm), eps=1e-12
    mu = jnp.mean(embeddings, axis=-1, keepdims=True)
    var = jnp.mean(jnp.square(embeddings - mu), axis=-1, keepdims=True)
    embeddings = (embeddings - mu) / jnp.sqrt(var + EPS) * ln_w + ln_b
    # dropout is identity in eval mode
    return embeddings

if __name__ == "__main__":
    import jax
    _d = setup_inputs()
    print(jax.jit(kernel)(*tuple(_d.values())))

</pallas_src>

<mosaic_0001>
#map = affine_map<(d0, d1) -> (0)>
#map1 = affine_map<(d0, d1) -> (0, 0)>
module attributes {stable_mosaic.version = 14 : i64} {
  func.func @_sc_kernel(%arg0: i32, %arg1: i32, %arg2: memref<32768xi32, #tpu.memory_space<hbm>>, %arg3: memref<32768xi32, #tpu.memory_space<hbm>>, %arg4: memref<32768xi32, #tpu.memory_space<hbm>>, %arg5: memref<32768xi32, #tpu.memory_space<hbm>>, %arg6: memref<32768xi32, #tpu.memory_space<hbm>>, %arg7: memref<30522x768xf32, #tpu.memory_space<hbm>>, %arg8: memref<512x768xf32, #tpu.memory_space<hbm>>, %arg9: memref<1024x768xf32, #tpu.memory_space<hbm>>, %arg10: memref<1024x768xf32, #tpu.memory_space<hbm>>, %arg11: memref<1024x768xf32, #tpu.memory_space<hbm>>, %arg12: memref<1024x768xf32, #tpu.memory_space<hbm>>, %arg13: memref<768xf32, #tpu.memory_space<hbm>>, %arg14: memref<768xf32, #tpu.memory_space<hbm>>, %arg15: memref<32768x768xf32, #tpu.memory_space<hbm>>, %arg16: memref<1024xi32, #tpu.memory_space<vmem>>, %arg17: memref<1024xi32, #tpu.memory_space<vmem>>, %arg18: memref<1024xi32, #tpu.memory_space<vmem>>, %arg19: memref<1024xi32, #tpu.memory_space<vmem>>, %arg20: memref<1024xi32, #tpu.memory_space<vmem>>, %arg21: memref<1024xi32, #tpu.memory_space<vmem>>, %arg22: memref<1024xi32, #tpu.memory_space<vmem>>, %arg23: memref<64x768xf32, #tpu.memory_space<vmem>>, %arg24: memref<64x768xf32, #tpu.memory_space<vmem>>, %arg25: memref<8x768xf32, #tpu.memory_space<vmem>>, %arg26: memref<8x768xf32, #tpu.memory_space<vmem>>, %arg27: memref<768xf32, #tpu.memory_space<vmem>>, %arg28: memref<768xf32, #tpu.memory_space<vmem>>, %arg29: memref<16x16xf32, #tpu.memory_space<vmem>>, %arg30: memref<16x16xf32, #tpu.memory_space<vmem>>, %arg31: memref<16xf32, #tpu.memory_space<vmem>>, %arg32: memref<16xf32, #tpu.memory_space<vmem>>, %arg33: memref<!tpu.dma_semaphore, #tpu.memory_space<semaphore_mem>>, %arg34: memref<!tpu.dma_semaphore, #tpu.memory_space<semaphore_mem>>, %arg35: memref<!tpu.dma_semaphore, #tpu.memory_space<semaphore_mem>>, %arg36: memref<!tpu.dma_semaphore, #tpu.memory_space<semaphore_mem>>) attributes {dimension_semantics = [#tpu.dimension_semantics<core_parallel>, #tpu.dimension_semantics<subcore_parallel>], iteration_bounds = array<i64: 2, 16>, scalar_prefetch = 0 : i64, scratch_operands = 21 : i64, tpu.core_type = #tpu.core_type<sc_vector_subcore>, window_params = [{transform_indices = #map}, {transform_indices = #map}, {transform_indices = #map}, {transform_indices = #map}, {transform_indices = #map}, {transform_indices = #map1}, {transform_indices = #map1}, {transform_indices = #map1}, {transform_indices = #map1}, {transform_indices = #map1}, {transform_indices = #map1}, {transform_indices = #map}, {transform_indices = #map}, {transform_indices = #map1}]} {
    %mul3A = arith.constant 2 : i32
    %mul3A_0 = arith.muli %arg1, %mul3A : i32
    %add3A = arith.addi %mul3A_0, %arg0 : i32
    %mul3A_1 = arith.constant 1024 : i32
    %mul3A_2 = arith.muli %add3A, %mul3A_1 : i32
    "tpu.region"() ({
      %run_scoped3A = tpu.sem_alloc : memref<!tpu.dma_semaphore, #tpu.memory_space<semaphore_mem>>
      tpu.enqueue_dma source(%arg13 : memref<768xf32, #tpu.memory_space<hbm>>) target(%arg27 : memref<768xf32, #tpu.memory_space<vmem>>) target_semaphore(%run_scoped3A : memref<!tpu.dma_semaphore, #tpu.memory_space<semaphore_mem>>)
      tpu.wait_dma2 semaphore(%run_scoped3A : memref<!tpu.dma_semaphore, #tpu.memory_space<semaphore_mem>>) src(%arg13 : memref<768xf32, #tpu.memory_space<hbm>>) dst(%arg27 : memref<768xf32, #tpu.memory_space<vmem>>)
      tpu.yield
    }) : () -> ()
    "tpu.region"() ({
      %run_scoped3A = tpu.sem_alloc : memref<!tpu.dma_semaphore, #tpu.memory_space<semaphore_mem>>
      tpu.enqueue_dma source(%arg14 : memref<768xf32, #tpu.memory_space<hbm>>) target(%arg28 : memref<768xf32, #tpu.memory_space<vmem>>) target_semaphore(%run_scoped3A : memref<!tpu.dma_semaphore, #tpu.memory_space<semaphore_mem>>)
      tpu.wait_dma2 semaphore(%run_scoped3A : memref<!tpu.dma_semaphore, #tpu.memory_space<semaphore_mem>>) src(%arg14 : memref<768xf32, #tpu.memory_space<hbm>>) dst(%arg28 : memref<768xf32, #tpu.memory_space<vmem>>)
      tpu.yield
    }) : () -> ()
    "tpu.region"() ({
      %run_scoped3A = tpu.sem_alloc : memref<!tpu.dma_semaphore, #tpu.memory_space<semaphore_mem>>
      %dma_start3A_93 = tpu.memref_slice %arg2[%mul3A_2] : memref<32768xi32, #tpu.memory_space<hbm>> -> memref<1024xi32, #tpu.memory_space<hbm>>
      %dma_start3A_94 = tpu.memref_slice %arg2[%mul3A_2] : memref<32768xi32, #tpu.memory_space<hbm>> -> memref<1024xi32, #tpu.memory_space<hbm>>
      tpu.enqueue_dma source(%dma_start3A_94 : memref<1024xi32, #tpu.memory_space<hbm>>) target(%arg16 : memref<1024xi32, #tpu.memory_space<vmem>>) target_semaphore(%run_scoped3A : memref<!tpu.dma_semaphore, #tpu.memory_space<semaphore_mem>>)
      %dma_wait3A_95 = tpu.memref_slice %arg2[%mul3A_2] : memref<32768xi32, #tpu.memory_space<hbm>> -> memref<1024xi32, #tpu.memory_space<hbm>>
      %dma_wait3A_96 = tpu.memref_slice %arg2[%mul3A_2] : memref<32768xi32, #tpu.memory_space<hbm>> -> memref<1024xi32, #tpu.memory_space<hbm>>
      tpu.wait_dma2 semaphore(%run_scoped3A : memref<!tpu.dma_semaphore, #tpu.memory_space<semaphore_mem>>) src(%dma_wait3A_96 : memref<1024xi32, #tpu.memory_space<hbm>>) dst(%arg16 : memref<1024xi32, #tpu.memory_space<vmem>>)
      tpu.yield
    }) : () -> ()
    "tpu.region"() ({
      %run_scoped3A = tpu.sem_alloc : memref<!tpu.dma_semaphore, #tpu.memory_space<semaphore_mem>>
      %dma_start3A_93 = tpu.memref_slice %arg3[%mul3A_2] : memref<32768xi32, #tpu.memory_space<hbm>> -> memref<1024xi32, #tpu.memory_space<hbm>>
      %dma_start3A_94 = tpu.memref_slice %arg3[%mul3A_2] : memref<32768xi32, #tpu.memory_space<hbm>> -> memref<1024xi32, #tpu.memory_space<hbm>>
      tpu.enqueue_dma source(%dma_start3A_94 : memref<1024xi32, #tpu.memory_space<hbm>>) target(%arg17 : memref<1024xi32, #tpu.memory_space<vmem>>) target_semaphore(%run_scoped3A : memref<!tpu.dma_semaphore, #tpu.memory_space<semaphore_mem>>)
      %dma_wait3A_95 = tpu.memref_slice %arg3[%mul3A_2] : memref<32768xi32, #tpu.memory_space<hbm>> -> memref<1024xi32, #tpu.memory_space<hbm>>
      %dma_wait3A_96 = tpu.memref_slice %arg3[%mul3A_2] : memref<32768xi32, #tpu.memory_space<hbm>> -> memref<1024xi32, #tpu.memory_space<hbm>>
      tpu.wait_dma2 semaphore(%run_scoped3A : memref<!tpu.dma_semaphore, #tpu.memory_space<semaphore_mem>>) src(%dma_wait3A_96 : memref<1024xi32, #tpu.memory_space<hbm>>) dst(%arg17 : memref<1024xi32, #tpu.memory_space<vmem>>)
      tpu.yield
    }) : () -> ()
    "tpu.region"() ({
      %run_scoped3A = tpu.sem_alloc : memref<!tpu.dma_semaphore, #tpu.memory_space<semaphore_mem>>
      %dma_start3A_93 = tpu.memref_slice %arg4[%mul3A_2] : memref<32768xi32, #tpu.memory_space<hbm>> -> memref<1024xi32, #tpu.memory_space<hbm>>
      %dma_start3A_94 = tpu.memref_slice %arg4[%mul3A_2] : memref<32768xi32, #tpu.memory_space<hbm>> -> memref<1024xi32, #tpu.memory_space<hbm>>
      tpu.enqueue_dma source(%dma_start3A_94 : memref<1024xi32, #tpu.memory_space<hbm>>) target(%arg18 : memref<1024xi32, #tpu.memory_space<vmem>>) target_semaphore(%run_scoped3A : memref<!tpu.dma_semaphore, #tpu.memory_space<semaphore_mem>>)
      %dma_wait3A_95 = tpu.memref_slice %arg4[%mul3A_2] : memref<32768xi32, #tpu.memory_space<hbm>> -> memref<1024xi32, #tpu.memory_space<hbm>>
      %dma_wait3A_96 = tpu.memref_slice %arg4[%mul3A_2] : memref<32768xi32, #tpu.memory_space<hbm>> -> memref<1024xi32, #tpu.memory_space<hbm>>
      tpu.wait_dma2 semaphore(%run_scoped3A : memref<!tpu.dma_semaphore, #tpu.memory_space<semaphore_mem>>) src(%dma_wait3A_96 : memref<1024xi32, #tpu.memory_space<hbm>>) dst(%arg18 : memref<1024xi32, #tpu.memory_space<vmem>>)
      tpu.yield
    }) : () -> ()
    "tpu.region"() ({
      %run_scoped3A = tpu.sem_alloc : memref<!tpu.dma_semaphore, #tpu.memory_space<semaphore_mem>>
      %dma_start3A_93 = tpu.memref_slice %arg5[%mul3A_2] : memref<32768xi32, #tpu.memory_space<hbm>> -> memref<1024xi32, #tpu.memory_space<hbm>>
      %dma_start3A_94 = tpu.memref_slice %arg5[%mul3A_2] : memref<32768xi32, #tpu.memory_space<hbm>> -> memref<1024xi32, #tpu.memory_space<hbm>>
      tpu.enqueue_dma source(%dma_start3A_94 : memref<1024xi32, #tpu.memory_space<hbm>>) target(%arg19 : memref<1024xi32, #tpu.memory_space<vmem>>) target_semaphore(%run_scoped3A : memref<!tpu.dma_semaphore, #tpu.memory_space<semaphore_mem>>)
      %dma_wait3A_95 = tpu.memref_slice %arg5[%mul3A_2] : memref<32768xi32, #tpu.memory_space<hbm>> -> memref<1024xi32, #tpu.memory_space<hbm>>
      %dma_wait3A_96 = tpu.memref_slice %arg5[%mul3A_2] : memref<32768xi32, #tpu.memory_space<hbm>> -> memref<1024xi32, #tpu.memory_space<hbm>>
      tpu.wait_dma2 semaphore(%run_scoped3A : memref<!tpu.dma_semaphore, #tpu.memory_space<semaphore_mem>>) src(%dma_wait3A_96 : memref<1024xi32, #tpu.memory_space<hbm>>) dst(%arg19 : memref<1024xi32, #tpu.memory_space<vmem>>)
      tpu.yield
    }) : () -> ()
    "tpu.region"() ({
      %run_scoped3A = tpu.sem_alloc : memref<!tpu.dma_semaphore, #tpu.memory_space<semaphore_mem>>
      %dma_start3A_93 = tpu.memref_slice %arg6[%mul3A_2] : memref<32768xi32, #tpu.memory_space<hbm>> -> memref<1024xi32, #tpu.memory_space<hbm>>
      %dma_start3A_94 = tpu.memref_slice %arg6[%mul3A_2] : memref<32768xi32, #tpu.memory_space<hbm>> -> memref<1024xi32, #tpu.memory_space<hbm>>
      tpu.enqueue_dma source(%dma_start3A_94 : memref<1024xi32, #tpu.memory_space<hbm>>) target(%arg20 : memref<1024xi32, #tpu.memory_space<vmem>>) target_semaphore(%run_scoped3A : memref<!tpu.dma_semaphore, #tpu.memory_space<semaphore_mem>>)
      %dma_wait3A_95 = tpu.memref_slice %arg6[%mul3A_2] : memref<32768xi32, #tpu.memory_space<hbm>> -> memref<1024xi32, #tpu.memory_space<hbm>>
      %dma_wait3A_96 = tpu.memref_slice %arg6[%mul3A_2] : memref<32768xi32, #tpu.memory_space<hbm>> -> memref<1024xi32, #tpu.memory_space<hbm>>
      tpu.wait_dma2 semaphore(%run_scoped3A : memref<!tpu.dma_semaphore, #tpu.memory_space<semaphore_mem>>) src(%dma_wait3A_96 : memref<1024xi32, #tpu.memory_space<hbm>>) dst(%arg20 : memref<1024xi32, #tpu.memory_space<vmem>>)
      tpu.yield
    }) : () -> ()
    %scan3A = arith.constant 0 : i32
    %scan3A_3 = arith.constant 0 : i32
    %scan3A_4 = arith.constant 64 : i32
    %scan3A_5 = arith.addi %scan3A_3, %scan3A_4 : i32
    %scan3A_6 = arith.constant 1 : i32
    scf.for %scan3A_93 = %scan3A_3 to %scan3A_5 step %scan3A_6  : i32 {
      %mul3A_94 = arith.constant 16 : i32
      %mul3A_95 = arith.muli %scan3A_93, %mul3A_94 : i32
      %get3A = arith.index_cast %mul3A_95 : i32 to index
      %get3A_96 = tpu.vector_load %arg20[%get3A] {strides = array<i32>} : memref<1024xi32, #tpu.memory_space<vmem>>, vector<16xi32>,
      %get3A_97 = arith.index_cast %mul3A_95 : i32 to index
      %get3A_98 = tpu.vector_load %arg18[%get3A_97] {strides = array<i32>} : memref<1024xi32, #tpu.memory_space<vmem>>, vector<16xi32>,
      %sub3A = arith.subi %get3A_96, %get3A_98 : vector<16xi32>
      %swap3A = arith.index_cast %mul3A_95 : i32 to index
      %swap3A_99 = tpu.vector_load %arg21[%swap3A] {strides = array<i32>} : memref<1024xi32, #tpu.memory_space<vmem>>, vector<16xi32>,
      tpu.vector_store %arg21[%swap3A], %sub3A {strides = array<i32>} : memref<1024xi32, #tpu.memory_space<vmem>>, vector<16xi32>,
      %get3A_100 = arith.index_cast %mul3A_95 : i32 to index
      %get3A_101 = tpu.vector_load %arg19[%get3A_100] {strides = array<i32>} : memref<1024xi32, #tpu.memory_space<vmem>>, vector<16xi32>,
      %get3A_102 = arith.index_cast %mul3A_95 : i32 to index
      %get3A_103 = tpu.vector_load %arg17[%get3A_102] {strides = array<i32>} : memref<1024xi32, #tpu.memory_space<vmem>>, vector<16xi32>,
      %sub3A_104 = arith.subi %get3A_101, %get3A_103 : vector<16xi32>
      %swap3A_105 = arith.index_cast %mul3A_95 : i32 to index
      %swap3A_106 = tpu.vector_load %arg22[%swap3A_105] {strides = array<i32>} : memref<1024xi32, #tpu.memory_space<vmem>>, vector<16xi32>,
      tpu.vector_store %arg22[%swap3A_105], %sub3A_104 {strides = array<i32>} : memref<1024xi32, #tpu.memory_space<vmem>>, vector<16xi32>,
    }
    %scan3A_7 = arith.constant 64 : i32
    %iota3A = tpu.iota {dimensions = array<i32: 0>} : vector<16xi32>
    %add3A_8 = arith.constant 0 : i32
    %add3A_9 = arith.addi %mul3A_2, %add3A_8 : i32
    %rem3A = arith.constant 512 : i32
    %rem3A_10 = arith.remsi %add3A_9, %rem3A : i32
    %dma_start3A = arith.constant 0 : i32
    %dma_start3A_11 = arith.constant 0 : i32
    %dma_start3A_12 = tpu.memref_slice %arg23[%dma_start3A, %dma_start3A_11] : memref<64x768xf32, #tpu.memory_space<vmem>> -> memref<8x768xf32, #tpu.memory_space<vmem>>
    %dma_start3A_13 = arith.constant 0 : i32
    %dma_start3A_14 = tpu.memref_slice %arg8[%rem3A_10, %dma_start3A_13] : memref<512x768xf32, #tpu.memory_space<hbm>> -> memref<8x768xf32, #tpu.memory_space<hbm>>
    %dma_start3A_15 = arith.constant 0 : i32
    %dma_start3A_16 = arith.constant 0 : i32
    %dma_start3A_17 = tpu.memref_slice %arg23[%dma_start3A_15, %dma_start3A_16] : memref<64x768xf32, #tpu.memory_space<vmem>> -> memref<8x768xf32, #tpu.memory_space<vmem>>
    %dma_start3A_18 = arith.constant 0 : i32
    %dma_start3A_19 = tpu.memref_slice %arg8[%rem3A_10, %dma_start3A_18] : memref<512x768xf32, #tpu.memory_space<hbm>> -> memref<8x768xf32, #tpu.memory_space<hbm>>
    tpu.enqueue_dma source(%dma_start3A_19 : memref<8x768xf32, #tpu.memory_space<hbm>>) target(%dma_start3A_17 : memref<8x768xf32, #tpu.memory_space<vmem>>) target_semaphore(%arg33 : memref<!tpu.dma_semaphore, #tpu.memory_space<semaphore_mem>>)
    %dma_start3A_20 = arith.constant 8 : i32
    %dma_start3A_21 = arith.constant 0 : i32
    %dma_start3A_22 = tpu.memref_slice %arg23[%dma_start3A_20, %dma_start3A_21] : memref<64x768xf32, #tpu.memory_space<vmem>> -> memref<8x768xf32, #tpu.memory_space<vmem>>
    %dma_start3A_23 = arith.constant 0 : i32
    %dma_start3A_24 = tpu.memref_slice %arg16[%dma_start3A_23] : memref<1024xi32, #tpu.memory_space<vmem>> -> memref<8xi32, #tpu.memory_space<vmem>>
    %dma_start3A_25 = arith.constant 0 : i32
    %dma_start3A_26 = arith.constant 0 : i32
    %dma_start3A_27 = tpu.memref_slice %arg7[%dma_start3A_25, %dma_start3A_26] : memref<30522x768xf32, #tpu.memory_space<hbm>> -> memref<30522x768xf32, #tpu.memory_space<hbm>>
    tpu.enqueue_indirect_dma source(%dma_start3A_27 : memref<30522x768xf32, #tpu.memory_space<hbm>>) target(%dma_start3A_22 : memref<8x768xf32, #tpu.memory_space<vmem>>) offsets(%dma_start3A_24 : memref<8xi32, #tpu.memory_space<vmem>>) semaphore(%arg33 : memref<!tpu.dma_semaphore, #tpu.memory_space<semaphore_mem>>)
    %dma_start3A_28 = arith.constant 16 : i32
    %dma_start3A_29 = arith.constant 0 : i32
    %dma_start3A_30 = tpu.memref_slice %arg23[%dma_start3A_28, %dma_start3A_29] : memref<64x768xf32, #tpu.memory_space<vmem>> -> memref<8x768xf32, #tpu.memory_space<vmem>>
    %dma_start3A_31 = arith.constant 0 : i32
    %dma_start3A_32 = tpu.memref_slice %arg17[%dma_start3A_31] : memref<1024xi32, #tpu.memory_space<vmem>> -> memref<8xi32, #tpu.memory_space<vmem>>
    %dma_start3A_33 = arith.constant 0 : i32
    %dma_start3A_34 = arith.constant 0 : i32
    %dma_start3A_35 = tpu.memref_slice %arg9[%dma_start3A_33, %dma_start3A_34] : memref<1024x768xf32, #tpu.memory_space<hbm>> -> memref<1024x768xf32, #tpu.memory_space<hbm>>
    tpu.enqueue_indirect_dma source(%dma_start3A_35 : memref<1024x768xf32, #tpu.memory_space<hbm>>) target(%dma_start3A_30 : memref<8x768xf32, #tpu.memory_space<vmem>>) offsets(%dma_start3A_32 : memref<8xi32, #tpu.memory_space<vmem>>) semaphore(%arg33 : memref<!tpu.dma_semaphore, #tpu.memory_space<semaphore_mem>>)
    %dma_start3A_36 = arith.constant 24 : i32
    %dma_start3A_37 = arith.constant 0 : i32
    %dma_start3A_38 = tpu.memref_slice %arg23[%dma_start3A_36, %dma_start3A_37] : memref<64x768xf32, #tpu.memory_space<vmem>> -> memref<8x768xf32, #tpu.memory_space<vmem>>
    %dma_start3A_39 = arith.constant 0 : i32
    %dma_start3A_40 = tpu.memref_slice %arg18[%dma_start3A_39] : memref<1024xi32, #tpu.memory_space<vmem>> -> memref<8xi32, #tpu.memory_space<vmem>>
    %dma_start3A_41 = arith.constant 0 : i32
    %dma_start3A_42 = arith.constant 0 : i32
    %dma_start3A_43 = tpu.memref_slice %arg10[%dma_start3A_41, %dma_start3A_42] : memref<1024x768xf32, #tpu.memory_space<hbm>> -> memref<1024x768xf32, #tpu.memory_space<hbm>>
    tpu.enqueue_indirect_dma source(%dma_start3A_43 : memref<1024x768xf32, #tpu.memory_space<hbm>>) target(%dma_start3A_38 : memref<8x768xf32, #tpu.memory_space<vmem>>) offsets(%dma_start3A_40 : memref<8xi32, #tpu.memory_space<vmem>>) semaphore(%arg33 : memref<!tpu.dma_semaphore, #tpu.memory_space<semaphore_mem>>)
    %dma_start3A_44 = arith.constant 32 : i32
    %dma_start3A_45 = arith.constant 0 : i32
    %dma_start3A_46 = tpu.memref_slice %arg23[%dma_start3A_44, %dma_start3A_45] : memref<64x768xf32, #tpu.memory_space<vmem>> -> memref<8x768xf32, #tpu.memory_space<vmem>>
    %dma_start3A_47 = arith.constant 0 : i32
    %dma_start3A_48 = tpu.memref_slice %arg19[%dma_start3A_47] : memref<1024xi32, #tpu.memory_space<vmem>> -> memref<8xi32, #tpu.memory_space<vmem>>
    %dma_start3A_49 = arith.constant 0 : i32
    %dma_start3A_50 = arith.constant 0 : i32
    %dma_start3A_51 = tpu.memref_slice %arg9[%dma_start3A_49, %dma_start3A_50] : memref<1024x768xf32, #tpu.memory_space<hbm>> -> memref<1024x768xf32, #tpu.memory_space<hbm>>
    tpu.enqueue_indirect_dma source(%dma_start3A_51 : memref<1024x768xf32, #tpu.memory_space<hbm>>) target(%dma_start3A_46 : memref<8x768xf32, #tpu.memory_space<vmem>>) offsets(%dma_start3A_48 : memref<8xi32, #tpu.memory_space<vmem>>) semaphore(%arg33 : memref<!tpu.dma_semaphore, #tpu.memory_space<semaphore_mem>>)
    %dma_start3A_52 = arith.constant 40 : i32
    %dma_start3A_53 = arith.constant 0 : i32
    %dma_start3A_54 = tpu.memref_slice %arg23[%dma_start3A_52, %dma_start3A_53] : memref<64x768xf32, #tpu.memory_space<vmem>> -> memref<8x768xf32, #tpu.memory_space<vmem>>
    %dma_start3A_55 = arith.constant 0 : i32
    %dma_start3A_56 = tpu.memref_slice %arg20[%dma_start3A_55] : memref<1024xi32, #tpu.memory_space<vmem>> -> memref<8xi32, #tpu.memory_space<vmem>>
    %dma_start3A_57 = arith.constant 0 : i32
    %dma_start3A_58 = arith.constant 0 : i32
    %dma_start3A_59 = tpu.memref_slice %arg10[%dma_start3A_57, %dma_start3A_58] : memref<1024x768xf32, #tpu.memory_space<hbm>> -> memref<1024x768xf32, #tpu.memory_space<hbm>>
    tpu.enqueue_indirect_dma source(%dma_start3A_59 : memref<1024x768xf32, #tpu.memory_space<hbm>>) target(%dma_start3A_54 : memref<8x768xf32, #tpu.memory_space<vmem>>) offsets(%dma_start3A_56 : memref<8xi32, #tpu.memory_space<vmem>>) semaphore(%arg33 : memref<!tpu.dma_semaphore, #tpu.memory_space<semaphore_mem>>)
    %dma_start3A_60 = arith.constant 48 : i32
    %dma_start3A_61 = arith.constant 0 : i32
    %dma_start3A_62 = tpu.memref_slice %arg23[%dma_start3A_60, %dma_start3A_61] : memref<64x768xf32, #tpu.memory_space<vmem>> -> memref<8x768xf32, #tpu.memory_space<vmem>>
    %dma_start3A_63 = arith.constant 0 : i32
    %dma_start3A_64 = tpu.memref_slice %arg21[%dma_start3A_63] : memref<1024xi32, #tpu.memory_space<vmem>> -> memref<8xi32, #tpu.memory_space<vmem>>
    %dma_start3A_65 = arith.constant 0 : i32
    %dma_start3A_66 = arith.constant 0 : i32
    %dma_start3A_67 = tpu.memref_slice %arg11[%dma_start3A_65, %dma_start3A_66] : memref<1024x768xf32, #tpu.memory_space<hbm>> -> memref<1024x768xf32, #tpu.memory_space<hbm>>
    tpu.enqueue_indirect_dma source(%dma_start3A_67 : memref<1024x768xf32, #tpu.memory_space<hbm>>) target(%dma_start3A_62 : memref<8x768xf32, #tpu.memory_space<vmem>>) offsets(%dma_start3A_64 : memref<8xi32, #tpu.memory_space<vmem>>) semaphore(%arg33 : memref<!tpu.dma_semaphore, #tpu.memory_space<semaphore_mem>>)
    %dma_start3A_68 = arith.constant 56 : i32
    %dma_start3A_69 = arith.constant 0 : i32
    %dma_start3A_70 = tpu.memref_slice %arg23[%dma_start3A_68, %dma_start3A_69] : memref<64x768xf32, #tpu.memory_space<vmem>> -> memref<8x768xf32, #tpu.memory_space<vmem>>
    %dma_start3A_71 = arith.constant 0 : i32
    %dma_start3A_72 = tpu.memref_slice %arg22[%dma_start3A_71] : memref<1024xi32, #tpu.memory_space<vmem>> -> memref<8xi32, #tpu.memory_space<vmem>>
    %dma_start3A_73 = arith.constant 0 : i32
    %dma_start3A_74 = arith.constant 0 : i32
    %dma_start3A_75 = tpu.memref_slice %arg12[%dma_start3A_73, %dma_start3A_74] : memref<1024x768xf32, #tpu.memory_space<hbm>> -> memref<1024x768xf32, #tpu.memory_space<hbm>>
    tpu.enqueue_indirect_dma source(%dma_start3A_75 : memref<1024x768xf32, #tpu.memory_space<hbm>>) target(%dma_start3A_70 : memref<8x768xf32, #tpu.memory_space<vmem>>) offsets(%dma_start3A_72 : memref<8xi32, #tpu.memory_space<vmem>>) semaphore(%arg33 : memref<!tpu.dma_semaphore, #tpu.memory_space<semaphore_mem>>)
    %scan3A_76 = arith.constant 0 : i32
    %scan3A_77 = arith.constant 0 : i32
    %scan3A_78 = arith.constant 64 : i32
    %scan3A_79 = arith.addi %scan3A_77, %scan3A_78 : i32
    %scan3A_80 = arith.constant 1 : i32
    scf.for %scan3A_93 = %scan3A_77 to %scan3A_79 step %scan3A_80  : i32 {
      %mul3A_94 = arith.constant 2 : i32
      %mul3A_95 = arith.muli %mul3A_94, %scan3A_93 : i32
      %lt3A = arith.constant 63 : i32
      %lt3A_96 = arith.cmpi slt, %scan3A_93, %lt3A : i32
      %add3A_97 = arith.constant 1 : i32
      %add3A_98 = arith.addi %mul3A_95, %add3A_97 : i32
      %mul3A_99 = arith.constant 8 : i32
      %mul3A_100 = arith.muli %add3A_98, %mul3A_99 : i32
      %add3A_101 = arith.addi %mul3A_2, %mul3A_100 : i32
      %rem3A_102 = arith.constant 512 : i32
      %rem3A_103 = arith.remsi %add3A_101, %rem3A_102 : i32
      %dma_start3A_104 = arith.constant 0 : i32
      %dma_start3A_105 = arith.constant 0 : i32
      %dma_start3A_106 = tpu.memref_slice %arg24[%dma_start3A_104, %dma_start3A_105] : memref<64x768xf32, #tpu.memory_space<vmem>> -> memref<8x768xf32, #tpu.memory_space<vmem>>
      %dma_start3A_107 = arith.constant 0 : i32
      %dma_start3A_108 = tpu.memref_slice %arg8[%rem3A_103, %dma_start3A_107] : memref<512x768xf32, #tpu.memory_space<hbm>> -> memref<8x768xf32, #tpu.memory_space<hbm>>
      %dma_start3A_109 = arith.constant 0 : i32
      %dma_start3A_110 = arith.constant 0 : i32
      %dma_start3A_111 = tpu.memref_slice %arg24[%dma_start3A_109, %dma_start3A_110] : memref<64x768xf32, #tpu.memory_space<vmem>> -> memref<8x768xf32, #tpu.memory_space<vmem>>
      %dma_start3A_112 = arith.constant 0 : i32
      %dma_start3A_113 = tpu.memref_slice %arg8[%rem3A_103, %dma_start3A_112] : memref<512x768xf32, #tpu.memory_space<hbm>> -> memref<8x768xf32, #tpu.memory_space<hbm>>
      tpu.enqueue_dma source(%dma_start3A_113 : memref<8x768xf32, #tpu.memory_space<hbm>>) target(%dma_start3A_111 : memref<8x768xf32, #tpu.memory_space<vmem>>) target_semaphore(%arg34 : memref<!tpu.dma_semaphore, #tpu.memory_space<semaphore_mem>>)
      %dma_start3A_114 = arith.constant 8 : i32
      %dma_start3A_115 = arith.constant 0 : i32
      %dma_start3A_116 = tpu.memref_slice %arg24[%dma_start3A_114, %dma_start3A_115] : memref<64x768xf32, #tpu.memory_space<vmem>> -> memref<8x768xf32, #tpu.memory_space<vmem>>
      %dma_start3A_117 = tpu.memref_slice %arg16[%mul3A_100] : memref<1024xi32, #tpu.memory_space<vmem>> -> memref<8xi32, #tpu.memory_space<vmem>>
      %dma_start3A_118 = arith.constant 0 : i32
      %dma_start3A_119 = arith.constant 0 : i32
      %dma_start3A_120 = tpu.memref_slice %arg7[%dma_start3A_118, %dma_start3A_119] : memref<30522x768xf32, #tpu.memory_space<hbm>> -> memref<30522x768xf32, #tpu.memory_space<hbm>>
      tpu.enqueue_indirect_dma source(%dma_start3A_120 : memref<30522x768xf32, #tpu.memory_space<hbm>>) target(%dma_start3A_116 : memref<8x768xf32, #tpu.memory_space<vmem>>) offsets(%dma_start3A_117 : memref<8xi32, #tpu.memory_space<vmem>>) semaphore(%arg34 : memref<!tpu.dma_semaphore, #tpu.memory_space<semaphore_mem>>)
      %dma_start3A_121 = arith.constant 16 : i32
      %dma_start3A_122 = arith.constant 0 : i32
      %dma_start3A_123 = tpu.memref_slice %arg24[%dma_start3A_121, %dma_start3A_122] : memref<64x768xf32, #tpu.memory_space<vmem>> -> memref<8x768xf32, #tpu.memory_space<vmem>>
      %dma_start3A_124 = tpu.memref_slice %arg17[%mul3A_100] : memref<1024xi32, #tpu.memory_space<vmem>> -> memref<8xi32, #tpu.memory_space<vmem>>
      %dma_start3A_125 = arith.constant 0 : i32
      %dma_start3A_126 = arith.constant 0 : i32
      %dma_start3A_127 = tpu.memref_slice %arg9[%dma_start3A_125, %dma_start3A_126] : memref<1024x768xf32, #tpu.memory_space<hbm>> -> memref<1024x768xf32, #tpu.memory_space<hbm>>
      tpu.enqueue_indirect_dma source(%dma_start3A_127 : memref<1024x768xf32, #tpu.memory_space<hbm>>) target(%dma_start3A_123 : memref<8x768xf32, #tpu.memory_space<vmem>>) offsets(%dma_start3A_124 : memref<8xi32, #tpu.memory_space<vmem>>) semaphore(%arg34 : memref<!tpu.dma_semaphore, #tpu.memory_space<semaphore_mem>>)
      %dma_start3A_128 = arith.constant 24 : i32
      %dma_start3A_129 = arith.constant 0 : i32
      %dma_start3A_130 = tpu.memref_slice %arg24[%dma_start3A_128, %dma_start3A_129] : memref<64x768xf32, #tpu.memory_space<vmem>> -> memref<8x768xf32, #tpu.memory_space<vmem>>
      %dma_start3A_131 = tpu.memref_slice %arg18[%mul3A_100] : memref<1024xi32, #tpu.memory_space<vmem>> -> memref<8xi32, #tpu.memory_space<vmem>>
      %dma_start3A_132 = arith.constant 0 : i32
      %dma_start3A_133 = arith.constant 0 : i32
      %dma_start3A_134 = tpu.memref_slice %arg10[%dma_start3A_132, %dma_start3A_133] : memref<1024x768xf32, #tpu.memory_space<hbm>> -> memref<1024x768xf32, #tpu.memory_space<hbm>>
      tpu.enqueue_indirect_dma source(%dma_start3A_134 : memref<1024x768xf32, #tpu.memory_space<hbm>>) target(%dma_start3A_130 : memref<8x768xf32, #tpu.memory_space<vmem>>) offsets(%dma_start3A_131 : memref<8xi32, #tpu.memory_space<vmem>>) semaphore(%arg34 : memref<!tpu.dma_semaphore, #tpu.memory_space<semaphore_mem>>)
      %dma_start3A_135 = arith.constant 32 : i32
      %dma_start3A_136 = arith.constant 0 : i32
      %dma_start3A_137 = tpu.memref_slice %arg24[%dma_start3A_135, %dma_start3A_136] : memref<64x768xf32, #tpu.memory_space<vmem>> -> memref<8x768xf32, #tpu.memory_space<vmem>>
      %dma_start3A_138 = tpu.memref_slice %arg19[%mul3A_100] : memref<1024xi32, #tpu.memory_space<vmem>> -> memref<8xi32, #tpu.memory_space<vmem>>
      %dma_start3A_139 = arith.constant 0 : i32
      %dma_start3A_140 = arith.constant 0 : i32
      %dma_start3A_141 = tpu.memref_slice %arg9[%dma_start3A_139, %dma_start3A_140] : memref<1024x768xf32, #tpu.memory_space<hbm>> -> memref<1024x768xf32, #tpu.memory_space<hbm>>
      tpu.enqueue_indirect_dma source(%dma_start3A_141 : memref<1024x768xf32, #tpu.memory_space<hbm>>) target(%dma_start3A_137 : memref<8x768xf32, #tpu.memory_space<vmem>>) offsets(%dma_start3A_138 : memref<8xi32, #tpu.memory_space<vmem>>) semaphore(%arg34 : memref<!tpu.dma_semaphore, #tpu.memory_space<semaphore_mem>>)
      %dma_start3A_142 = arith.constant 40 : i32
      %dma_start3A_143 = arith.constant 0 : i32
      %dma_start3A_144 = tpu.memref_slice %arg24[%dma_start3A_142, %dma_start3A_143] : memref<64x768xf32, #tpu.memory_space<vmem>> -> memref<8x768xf32, #tpu.memory_space<vmem>>
      %dma_start3A_145 = tpu.memref_slice %arg20[%mul3A_100] : memref<1024xi32, #tpu.memory_space<vmem>> -> memref<8xi32, #tpu.memory_space<vmem>>
      %dma_start3A_146 = arith.constant 0 : i32
      %dma_start3A_147 = arith.constant 0 : i32
      %dma_start3A_148 = tpu.memref_slice %arg10[%dma_start3A_146, %dma_start3A_147] : memref<1024x768xf32, #tpu.memory_space<hbm>> -> memref<1024x768xf32, #tpu.memory_space<hbm>>
      tpu.enqueue_indirect_dma source(%dma_start3A_148 : memref<1024x768xf32, #tpu.memory_space<hbm>>) target(%dma_start3A_144 : memref<8x768xf32, #tpu.memory_space<vmem>>) offsets(%dma_start3A_145 : memref<8xi32, #tpu.memory_space<vmem>>) semaphore(%arg34 : memref<!tpu.dma_semaphore, #tpu.memory_space<semaphore_mem>>)
      %dma_start3A_149 = arith.constant 48 : i32
      %dma_start3A_150 = arith.constant 0 : i32
      %dma_start3A_151 = tpu.memref_slice %arg24[%dma_start3A_149, %dma_start3A_150] : memref<64x768xf32, #tpu.memory_space<vmem>> -> memref<8x768xf32, #tpu.memory_space<vmem>>
      %dma_start3A_152 = tpu.memref_slice %arg21[%mul3A_100] : memref<1024xi32, #tpu.memory_space<vmem>> -> memref<8xi32, #tpu.memory_space<vmem>>
      %dma_start3A_153 = arith.constant 0 : i32
      %dma_start3A_154 = arith.constant 0 : i32
      %dma_start3A_155 = tpu.memref_slice %arg11[%dma_start3A_153, %dma_start3A_154] : memref<1024x768xf32, #tpu.memory_space<hbm>> -> memref<1024x768xf32, #tpu.memory_space<hbm>>
      tpu.enqueue_indirect_dma source(%dma_start3A_155 : memref<1024x768xf32, #tpu.memory_space<hbm>>) target(%dma_start3A_151 : memref<8x768xf32, #tpu.memory_space<vmem>>) offsets(%dma_start3A_152 : memref<8xi32, #tpu.memory_space<vmem>>) semaphore(%arg34 : memref<!tpu.dma_semaphore, #tpu.memory_space<semaphore_mem>>)
      %dma_start3A_156 = arith.constant 56 : i32
      %dma_start3A_157 = arith.constant 0 : i32
      %dma_start3A_158 = tpu.memref_slice %arg24[%dma_start3A_156, %dma_start3A_157] : memref<64x768xf32, #tpu.memory_space<vmem>> -> memref<8x768xf32, #tpu.memory_space<vmem>>
      %dma_start3A_159 = tpu.memref_slice %arg22[%mul3A_100] : memref<1024xi32, #tpu.memory_space<vmem>> -> memref<8xi32, #tpu.memory_space<vmem>>
      %dma_start3A_160 = arith.constant 0 : i32
      %dma_start3A_161 = arith.constant 0 : i32
      %dma_start3A_162 = tpu.memref_slice %arg12[%dma_start3A_160, %dma_start3A_161] : memref<1024x768xf32, #tpu.memory_space<hbm>> -> memref<1024x768xf32, #tpu.memory_space<hbm>>
      tpu.enqueue_indirect_dma source(%dma_start3A_162 : memref<1024x768xf32, #tpu.memory_space<hbm>>) target(%dma_start3A_158 : memref<8x768xf32, #tpu.memory_space<vmem>>) offsets(%dma_start3A_159 : memref<8xi32, #tpu.memory_space<vmem>>) semaphore(%arg34 : memref<!tpu.dma_semaphore, #tpu.memory_space<semaphore_mem>>)
      %dma_wait3A_163 = arith.constant 0 : i32
      %dma_wait3A_164 = arith.constant 0 : i32
      %dma_wait3A_165 = tpu.memref_slice %arg23[%dma_wait3A_163, %dma_wait3A_164] : memref<64x768xf32, #tpu.memory_space<vmem>> -> memref<8x768xf32, #tpu.memory_space<vmem>>
      %dma_wait3A_166 = arith.constant 0 : i32
      %dma_wait3A_167 = arith.constant 0 : i32
      %dma_wait3A_168 = tpu.memref_slice %arg8[%dma_wait3A_166, %dma_wait3A_167] : memref<512x768xf32, #tpu.memory_space<hbm>> -> memref<8x768xf32, #tpu.memory_space<hbm>>
      %dma_wait3A_169 = arith.constant 0 : i32
      %dma_wait3A_170 = arith.constant 0 : i32
      %dma_wait3A_171 = tpu.memref_slice %arg23[%dma_wait3A_169, %dma_wait3A_170] : memref<64x768xf32, #tpu.memory_space<vmem>> -> memref<8x768xf32, #tpu.memory_space<vmem>>
      %dma_wait3A_172 = arith.constant 0 : i32
      %dma_wait3A_173 = arith.constant 0 : i32
      %dma_wait3A_174 = tpu.memref_slice %arg8[%dma_wait3A_172, %dma_wait3A_173] : memref<512x768xf32, #tpu.memory_space<hbm>> -> memref<8x768xf32, #tpu.memory_space<hbm>>
      tpu.wait_dma2 semaphore(%arg33 : memref<!tpu.dma_semaphore, #tpu.memory_space<semaphore_mem>>) src(%dma_wait3A_174 : memref<8x768xf32, #tpu.memory_space<hbm>>) dst(%dma_wait3A_171 : memref<8x768xf32, #tpu.memory_space<vmem>>)
      %dma_wait3A_175 = arith.constant 0 : i32
      %dma_wait3A_176 = arith.constant 0 : i32
      %dma_wait3A_177 = tpu.memref_slice %arg23[%dma_wait3A_175, %dma_wait3A_176] : memref<64x768xf32, #tpu.memory_space<vmem>> -> memref<8x768xf32, #tpu.memory_space<vmem>>
      %dma_wait3A_178 = arith.constant 0 : i32
      %dma_wait3A_179 = arith.constant 0 : i32
      %dma_wait3A_180 = tpu.memref_slice %arg8[%dma_wait3A_178, %dma_wait3A_179] : memref<512x768xf32, #tpu.memory_space<hbm>> -> memref<8x768xf32, #tpu.memory_space<hbm>>
      %dma_wait3A_181 = arith.constant 0 : i32
      %dma_wait3A_182 = arith.constant 0 : i32
      %dma_wait3A_183 = tpu.memref_slice %arg23[%dma_wait3A_181, %dma_wait3A_182] : memref<64x768xf32, #tpu.memory_space<vmem>> -> memref<8x768xf32, #tpu.memory_space<vmem>>
      %dma_wait3A_184 = arith.constant 0 : i32
      %dma_wait3A_185 = arith.constant 0 : i32
      %dma_wait3A_186 = tpu.memref_slice %arg8[%dma_wait3A_184, %dma_wait3A_185] : memref<512x768xf32, #tpu.memory_space<hbm>> -> memref<8x768xf32, #tpu.memory_space<hbm>>
      tpu.wait_dma2 semaphore(%arg33 : memref<!tpu.dma_semaphore, #tpu.memory_space<semaphore_mem>>) src(%dma_wait3A_186 : memref<8x768xf32, #tpu.memory_space<hbm>>) dst(%dma_wait3A_183 : memref<8x768xf32, #tpu.memory_space<vmem>>)
      %dma_wait3A_187 = arith.constant 0 : i32
      %dma_wait3A_188 = arith.constant 0 : i32
      %dma_wait3A_189 = tpu.memref_slice %arg23[%dma_wait3A_187, %dma_wait3A_188] : memref<64x768xf32, #tpu.memory_space<vmem>> -> memref<8x768xf32, #tpu.memory_space<vmem>>
      %dma_wait3A_190 = arith.constant 0 : i32
      %dma_wait3A_191 = arith.constant 0 : i32
      %dma_wait3A_192 = tpu.memref_slice %arg8[%dma_wait3A_190, %dma_wait3A_191] : memref<512x768xf32, #tpu.memory_space<hbm>> -> memref<8x768xf32, #tpu.memory_space<hbm>>
      %dma_wait3A_193 = arith.constant 0 : i32
      %dma_wait3A_194 = arith.constant 0 : i32
      %dma_wait3A_195 = tpu.memref_slice %arg23[%dma_wait3A_193, %dma_wait3A_194] : memref<64x768xf32, #tpu.memory_space<vmem>> -> memref<8x768xf32, #tpu.memory_space<vmem>>
      %dma_wait3A_196 = arith.constant 0 : i32
      %dma_wait3A_197 = arith.constant 0 : i32
      %dma_wait3A_198 = tpu.memref_slice %arg8[%dma_wait3A_196, %dma_wait3A_197] : memref<512x768xf32, #tpu.memory_space<hbm>> -> memref<8x768xf32, #tpu.memory_space<hbm>>
      tpu.wait_dma2 semaphore(%arg33 : memref<!tpu.dma_semaphore, #tpu.memory_space<semaphore_mem>>) src(%dma_wait3A_198 : memref<8x768xf32, #tpu.memory_space<hbm>>) dst(%dma_wait3A_195 : memref<8x768xf32, #tpu.memory_space<vmem>>)
      %dma_wait3A_199 = arith.constant 0 : i32
      %dma_wait3A_200 = arith.constant 0 : i32
      %dma_wait3A_201 = tpu.memref_slice %arg23[%dma_wait3A_199, %dma_wait3A_200] : memref<64x768xf32, #tpu.memory_space<vmem>> -> memref<8x768xf32, #tpu.memory_space<vmem>>
      %dma_wait3A_202 = arith.constant 0 : i32
      %dma_wait3A_203 = arith.constant 0 : i32
      %dma_wait3A_204 = tpu.memref_slice %arg8[%dma_wait3A_202, %dma_wait3A_203] : memref<512x768xf32, #tpu.memory_space<hbm>> -> memref<8x768xf32, #tpu.memory_space<hbm>>
      %dma_wait3A_205 = arith.constant 0 : i32
      %dma_wait3A_206 = arith.constant 0 : i32
      %dma_wait3A_207 = tpu.memref_slice %arg23[%dma_wait3A_205, %dma_wait3A_206] : memref<64x768xf32, #tpu.memory_space<vmem>> -> memref<8x768xf32, #tpu.memory_space<vmem>>
      %dma_wait3A_208 = arith.constant 0 : i32
      %dma_wait3A_209 = arith.constant 0 : i32
      %dma_wait3A_210 = tpu.memref_slice %arg8[%dma_wait3A_208, %dma_wait3A_209] : memref<512x768xf32, #tpu.memory_space<hbm>> -> memref<8x768xf32, #tpu.memory_space<hbm>>
      tpu.wait_dma2 semaphore(%arg33 : memref<!tpu.dma_semaphore, #tpu.memory_space<semaphore_mem>>) src(%dma_wait3A_210 : memref<8x768xf32, #tpu.memory_space<hbm>>) dst(%dma_wait3A_207 : memref<8x768xf32, #tpu.memory_space<vmem>>)
      %dma_wait3A_211 = arith.constant 0 : i32
      %dma_wait3A_212 = arith.constant 0 : i32
      %dma_wait3A_213 = tpu.memref_slice %arg23[%dma_wait3A_211, %dma_wait3A_212] : memref<64x768xf32, #tpu.memory_space<vmem>> -> memref<8x768xf32, #tpu.memory_space<vmem>>
      %dma_wait3A_214 = arith.constant 0 : i32
      %dma_wait3A_215 = arith.constant 0 : i32
      %dma_wait3A_216 = tpu.memref_slice %arg8[%dma_wait3A_214, %dma_wait3A_215] : memref<512x768xf32, #tpu.memory_space<hbm>> -> memref<8x768xf32, #tpu.memory_space<hbm>>
      %dma_wait3A_217 = arith.constant 0 : i32
      %dma_wait3A_218 = arith.constant 0 : i32
      %dma_wait3A_219 = tpu.memref_slice %arg23[%dma_wait3A_217, %dma_wait3A_218] : memref<64x768xf32, #tpu.memory_space<vmem>> -> memref<8x768xf32, #tpu.memory_space<vmem>>
      %dma_wait3A_220 = arith.constant 0 : i32
      %dma_wait3A_221 = arith.constant 0 : i32
      %dma_wait3A_222 = tpu.memref_slice %arg8[%dma_wait3A_220, %dma_wait3A_221] : memref<512x768xf32, #tpu.memory_space<hbm>> -> memref<8x768xf32, #tpu.memory_space<hbm>>
      tpu.wait_dma2 semaphore(%arg33 : memref<!tpu.dma_semaphore, #tpu.memory_space<semaphore_mem>>) src(%dma_wait3A_222 : memref<8x768xf32, #tpu.memory_space<hbm>>) dst(%dma_wait3A_219 : memref<8x768xf32, #tpu.memory_space<vmem>>)
      %dma_wait3A_223 = arith.constant 0 : i32
      %dma_wait3A_224 = arith.constant 0 : i32
      %dma_wait3A_225 = tpu.memref_slice %arg23[%dma_wait3A_223, %dma_wait3A_224] : memref<64x768xf32, #tpu.memory_space<vmem>> -> memref<8x768xf32, #tpu.memory_space<vmem>>
      %dma_wait3A_226 = arith.constant 0 : i32
      %dma_wait3A_227 = arith.constant 0 : i32
      %dma_wait3A_228 = tpu.memref_slice %arg8[%dma_wait3A_226, %dma_wait3A_227] : memref<512x768xf32, #tpu.memory_space<hbm>> -> memref<8x768xf32, #tpu.memory_space<hbm>>
      %dma_wait3A_229 = arith.constant 0 : i32
      %dma_wait3A_230 = arith.constant 0 : i32
      %dma_wait3A_231 = tpu.memref_slice %arg23[%dma_wait3A_229, %dma_wait3A_230] : memref<64x768xf32, #tpu.memory_space<vmem>> -> memref<8x768xf32, #tpu.memory_space<vmem>>
      %dma_wait3A_232 = arith.constant 0 : i32
      %dma_wait3A_233 = arith.constant 0 : i32
      %dma_wait3A_234 = tpu.memref_slice %arg8[%dma_wait3A_232, %dma_wait3A_233] : memref<512x768xf32, #tpu.memory_space<hbm>> -> memref<8x768xf32, #tpu.memory_space<hbm>>
      tpu.wait_dma2 semaphore(%arg33 : memref<!tpu.dma_semaphore, #tpu.memory_space<semaphore_mem>>) src(%dma_wait3A_234 : memref<8x768xf32, #tpu.memory_space<hbm>>) dst(%dma_wait3A_231 : memref<8x768xf32, #tpu.memory_space<vmem>>)
      %dma_wait3A_235 = arith.constant 0 : i32
      %dma_wait3A_236 = arith.constant 0 : i32
      %dma_wait3A_237 = tpu.memref_slice %arg23[%dma_wait3A_235, %dma_wait3A_236] : memref<64x768xf32, #tpu.memory_space<vmem>> -> memref<8x768xf32, #tpu.memory_space<vmem>>
      %dma_wait3A_238 = arith.constant 0 : i32
      %dma_wait3A_239 = arith.constant 0 : i32
      %dma_wait3A_240 = tpu.memref_slice %arg8[%dma_wait3A_238, %dma_wait3A_239] : memref<512x768xf32, #tpu.memory_space<hbm>> -> memref<8x768xf32, #tpu.memory_space<hbm>>
      %dma_wait3A_241 = arith.constant 0 : i32
      %dma_wait3A_242 = arith.constant 0 : i32
      %dma_wait3A_243 = tpu.memref_slice %arg23[%dma_wait3A_241, %dma_wait3A_242] : memref<64x768xf32, #tpu.memory_space<vmem>> -> memref<8x768xf32, #tpu.memory_space<vmem>>
      %dma_wait3A_244 = arith.constant 0 : i32
      %dma_wait3A_245 = arith.constant 0 : i32
      %dma_wait3A_246 = tpu.memref_slice %arg8[%dma_wait3A_244, %dma_wait3A_245] : memref<512x768xf32, #tpu.memory_space<hbm>> -> memref<8x768xf32, #tpu.memory_space<hbm>>
      tpu.wait_dma2 semaphore(%arg33 : memref<!tpu.dma_semaphore, #tpu.memory_space<semaphore_mem>>) src(%dma_wait3A_246 : memref<8x768xf32, #tpu.memory_space<hbm>>) dst(%dma_wait3A_243 : memref<8x768xf32, #tpu.memory_space<vmem>>)
      %dma_wait3A_247 = arith.constant 0 : i32
      %dma_wait3A_248 = arith.constant 0 : i32
      %dma_wait3A_249 = tpu.memref_slice %arg23[%dma_wait3A_247, %dma_wait3A_248] : memref<64x768xf32, #tpu.memory_space<vmem>> -> memref<8x768xf32, #tpu.memory_space<vmem>>
      %dma_wait3A_250 = arith.constant 0 : i32
      %dma_wait3A_251 = arith.constant 0 : i32
      %dma_wait3A_252 = tpu.memref_slice %arg8[%dma_wait3A_250, %dma_wait3A_251] : memref<512x768xf32, #tpu.memory_space<hbm>> -> memref<8x768xf32, #tpu.memory_space<hbm>>
      %dma_wait3A_253 = arith.constant 0 : i32
      %dma_wait3A_254 = arith.constant 0 : i32
      %dma_wait3A_255 = tpu.memref_slice %arg23[%dma_wait3A_253, %dma_wait3A_254] : memref<64x768xf32, #tpu.memory_space<vmem>> -> memref<8x768xf32, #tpu.memory_space<vmem>>
      %dma_wait3A_256 = arith.constant 0 : i32
      %dma_wait3A_257 = arith.constant 0 : i32
      %dma_wait3A_258 = tpu.memref_slice %arg8[%dma_wait3A_256, %dma_wait3A_257] : memref<512x768xf32, #tpu.memory_space<hbm>> -> memref<8x768xf32, #tpu.memory_space<hbm>>
      tpu.wait_dma2 semaphore(%arg33 : memref<!tpu.dma_semaphore, #tpu.memory_space<semaphore_mem>>) src(%dma_wait3A_258 : memref<8x768xf32, #tpu.memory_space<hbm>>) dst(%dma_wait3A_255 : memref<8x768xf32, #tpu.memory_space<vmem>>)
      %eq3A = arith.constant 0 : i32
      %eq3A_259 = arith.cmpi eq, %scan3A_93, %eq3A : i32
      %not3A = arith.constant true
      %not3A_260 = arith.xori %eq3A_259, %not3A : i1
      %convert_element_type3A = arith.extui %not3A_260 : i1 to i32
      %cond3A = arith.constant 0 : i32
      %cond3A_261 = arith.cmpi ne, %convert_element_type3A, %cond3A : i32
      scf.if %cond3A_261 {
        %dma_wait3A_705 = arith.constant 0 : i32
        %dma_wait3A_706 = arith.constant 0 : i32
        %dma_wait3A_707 = tpu.memref_slice %arg15[%dma_wait3A_705, %dma_wait3A_706] : memref<32768x768xf32, #tpu.memory_space<hbm>> -> memref<8x768xf32, #tpu.memory_space<hbm>>
        %dma_wait3A_708 = arith.constant 0 : i32
        %dma_wait3A_709 = arith.constant 0 : i32
        %dma_wait3A_710 = tpu.memref_slice %arg15[%dma_wait3A_708, %dma_wait3A_709] : memref<32768x768xf32, #tpu.memory_space<hbm>> -> memref<8x768xf32, #tpu.memory_space<hbm>>
        tpu.wait_dma2 semaphore(%arg35 : memref<!tpu.dma_semaphore, #tpu.memory_space<semaphore_mem>>) src(%arg25 : memref<8x768xf32, #tpu.memory_space<vmem>>) dst(%dma_wait3A_710 : memref<8x768xf32, #tpu.memory_space<hbm>>)
      } else {
      }
      %broadcast_in_dim3A = arith.constant 0.000000e+00 : f32
      %broadcast_in_dim3A_262 = vector.broadcast %broadcast_in_dim3A : f32 to vector<16xf32>
      %scan3A_263 = arith.constant 0 : i32
      %scan3A_264 = arith.constant 48 : i32
      %scan3A_265 = arith.addi %scan3A_263, %scan3A_264 : i32
      %scan3A_266 = arith.constant 1 : i32
      %scan3A_267:8 = scf.for %scan3A_705 = %scan3A_263 to %scan3A_265 step %scan3A_266 iter_args(%scan3A_706 = %broadcast_in_dim3A_262, %scan3A_707 = %broadcast_in_dim3A_262, %scan3A_708 = %broadcast_in_dim3A_262, %scan3A_709 = %broadcast_in_dim3A_262, %scan3A_710 = %broadcast_in_dim3A_262, %scan3A_711 = %broadcast_in_dim3A_262, %scan3A_712 = %broadcast_in_dim3A_262, %scan3A_713 = %broadcast_in_dim3A_262) -> (vector<16xf32>, vector<16xf32>, vector<16xf32>, vector<16xf32>, vector<16xf32>, vector<16xf32>, vector<16xf32>, vector<16xf32>)  : i32 {
        %mul3A_714 = arith.constant 16 : i32
        %mul3A_715 = arith.muli %scan3A_705, %mul3A_714 : i32
        %get3A = arith.constant 0 : i32
        %get3A_716 = arith.index_cast %get3A : i32 to index
        %get3A_717 = arith.index_cast %mul3A_715 : i32 to index
        %get3A_718 = tpu.vector_load %arg23[%get3A_716, %get3A_717] {strides = array<i32>} : memref<64x768xf32, #tpu.memory_space<vmem>>, vector<16xf32>,
        %get3A_719 = arith.constant 8 : i32
        %get3A_720 = arith.index_cast %get3A_719 : i32 to index
        %get3A_721 = arith.index_cast %mul3A_715 : i32 to index
        %get3A_722 = tpu.vector_load %arg23[%get3A_720, %get3A_721] {strides = array<i32>} : memref<64x768xf32, #tpu.memory_space<vmem>>, vector<16xf32>,
        %add3A_723 = arith.addf %get3A_718, %get3A_722 : vector<16xf32>
        %get3A_724 = arith.constant 16 : i32
        %get3A_725 = arith.index_cast %get3A_724 : i32 to index
        %get3A_726 = arith.index_cast %mul3A_715 : i32 to index
        %get3A_727 = tpu.vector_load %arg23[%get3A_725, %get3A_726] {strides = array<i32>} : memref<64x768xf32, #tpu.memory_space<vmem>>, vector<16xf32>,
        %get3A_728 = arith.constant 24 : i32
        %get3A_729 = arith.index_cast %get3A_728 : i32 to index
        %get3A_730 = arith.index_cast %mul3A_715 : i32 to index
        %get3A_731 = tpu.vector_load %arg23[%get3A_729, %get3A_730] {strides = array<i32>} : memref<64x768xf32, #tpu.memory_space<vmem>>, vector<16xf32>,
        %add3A_732 = arith.addf %get3A_727, %get3A_731 : vector<16xf32>
        %add3A_733 = arith.addf %add3A_723, %add3A_732 : vector<16xf32>
        %get3A_734 = arith.constant 32 : i32
        %get3A_735 = arith.index_cast %get3A_734 : i32 to index
        %get3A_736 = arith.index_cast %mul3A_715 : i32 to index
        %get3A_737 = tpu.vector_load %arg23[%get3A_735, %get3A_736] {strides = array<i32>} : memref<64x768xf32, #tpu.memory_space<vmem>>, vector<16xf32>,
        %get3A_738 = arith.constant 40 : i32
        %get3A_739 = arith.index_cast %get3A_738 : i32 to index
        %get3A_740 = arith.index_cast %mul3A_715 : i32 to index
        %get3A_741 = tpu.vector_load %arg23[%get3A_739, %get3A_740] {strides = array<i32>} : memref<64x768xf32, #tpu.memory_space<vmem>>, vector<16xf32>,
        %add3A_742 = arith.addf %get3A_737, %get3A_741 : vector<16xf32>
        %get3A_743 = arith.constant 48 : i32
        %get3A_744 = arith.index_cast %get3A_743 : i32 to index
        %get3A_745 = arith.index_cast %mul3A_715 : i32 to index
        %get3A_746 = tpu.vector_load %arg23[%get3A_744, %get3A_745] {strides = array<i32>} : memref<64x768xf32, #tpu.memory_space<vmem>>, vector<16xf32>,
        %get3A_747 = arith.constant 56 : i32
        %get3A_748 = arith.index_cast %get3A_747 : i32 to index
        %get3A_749 = arith.index_cast %mul3A_715 : i32 to index
        %get3A_750 = tpu.vector_load %arg23[%get3A_748, %get3A_749] {strides = array<i32>} : memref<64x768xf32, #tpu.memory_space<vmem>>, vector<16xf32>,
        %add3A_751 = arith.addf %get3A_746, %get3A_750 : vector<16xf32>
        %add3A_752 = arith.addf %add3A_742, %add3A_751 : vector<16xf32>
        %add3A_753 = arith.addf %add3A_733, %add3A_752 : vector<16xf32>
        %swap3A_754 = arith.constant 0 : i32
        %swap3A_755 = arith.index_cast %swap3A_754 : i32 to index
        %swap3A_756 = arith.index_cast %mul3A_715 : i32 to index
        %swap3A_757 = tpu.vector_load %arg23[%swap3A_755, %swap3A_756] {strides = array<i32>} : memref<64x768xf32, #tpu.memory_space<vmem>>, vector<16xf32>,
        tpu.vector_store %arg23[%swap3A_755, %swap3A_756], %add3A_753 {strides = array<i32>} : memref<64x768xf32, #tpu.memory_space<vmem>>, vector<16xf32>,
        %add3A_758 = arith.addf %scan3A_706, %add3A_753 : vector<16xf32>
        %mul3A_759 = arith.mulf %add3A_753, %add3A_753 : vector<16xf32>
        %add3A_760 = arith.addf %scan3A_710, %mul3A_759 : vector<16xf32>
        %get3A_761 = arith.constant 1 : i32
        %get3A_762 = arith.index_cast %get3A_761 : i32 to index
        %get3A_763 = arith.index_cast %mul3A_715 : i32 to index
        %get3A_764 = tpu.vector_load %arg23[%get3A_762, %get3A_763] {strides = array<i32>} : memref<64x768xf32, #tpu.memory_space<vmem>>, vector<16xf32>,
        %get3A_765 = arith.constant 9 : i32
        %get3A_766 = arith.index_cast %get3A_765 : i32 to index
        %get3A_767 = arith.index_cast %mul3A_715 : i32 to index
        %get3A_768 = tpu.vector_load %arg23[%get3A_766, %get3A_767] {strides = array<i32>} : memref<64x768xf32, #tpu.memory_space<vmem>>, vector<16xf32>,
        %add3A_769 = arith.addf %get3A_764, %get3A_768 : vector<16xf32>
        %get3A_770 = arith.constant 17 : i32
        %get3A_771 = arith.index_cast %get3A_770 : i32 to index
        %get3A_772 = arith.index_cast %mul3A_715 : i32 to index
        %get3A_773 = tpu.vector_load %arg23[%get3A_771, %get3A_772] {strides = array<i32>} : memref<64x768xf32, #tpu.memory_space<vmem>>, vector<16xf32>,
        %get3A_774 = arith.constant 25 : i32
        %get3A_775 = arith.index_cast %get3A_774 : i32 to index
        %get3A_776 = arith.index_cast %mul3A_715 : i32 to index
        %get3A_777 = tpu.vector_load %arg23[%get3A_775, %get3A_776] {strides = array<i32>} : memref<64x768xf32, #tpu.memory_space<vmem>>, vector<16xf32>,
        %add3A_778 = arith.addf %get3A_773, %get3A_777 : vector<16xf32>
        %add3A_779 = arith.addf %add3A_769, %add3A_778 : vector<16xf32>
        %get3A_780 = arith.constant 33 : i32
        %get3A_781 = arith.index_cast %get3A_780 : i32 to index
        %get3A_782 = arith.index_cast %mul3A_715 : i32 to index
        %get3A_783 = tpu.vector_load %arg23[%get3A_781, %get3A_782] {strides = array<i32>} : memref<64x768xf32, #tpu.memory_space<vmem>>, vector<16xf32>,
        %get3A_784 = arith.constant 41 : i32
        %get3A_785 = arith.index_cast %get3A_784 : i32 to index
        %get3A_786 = arith.index_cast %mul3A_715 : i32 to index
        %get3A_787 = tpu.vector_load %arg23[%get3A_785, %get3A_786] {strides = array<i32>} : memref<64x768xf32, #tpu.memory_space<vmem>>, vector<16xf32>,
        %add3A_788 = arith.addf %get3A_783, %get3A_787 : vector<16xf32>
        %get3A_789 = arith.constant 49 : i32
        %get3A_790 = arith.index_cast %get3A_789 : i32 to index
        %get3A_791 = arith.index_cast %mul3A_715 : i32 to index
        %get3A_792 = tpu.vector_load %arg23[%get3A_790, %get3A_791] {strides = array<i32>} : memref<64x768xf32, #tpu.memory_space<vmem>>, vector<16xf32>,
        %get3A_793 = arith.constant 57 : i32
        %get3A_794 = arith.index_cast %get3A_793 : i32 to index
        %get3A_795 = arith.index_cast %mul3A_715 : i32 to index
        %get3A_796 = tpu.vector_load %arg23[%get3A_794, %get3A_795] {strides = array<i32>} : memref<64x768xf32, #tpu.memory_space<vmem>>, vector<16xf32>,
        %add3A_797 = arith.addf %get3A_792, %get3A_796 : vector<16xf32>
        %add3A_798 = arith.addf %add3A_788, %add3A_797 : vector<16xf32>
        %add3A_799 = arith.addf %add3A_779, %add3A_798 : vector<16xf32>
        %swap3A_800 = arith.constant 1 : i32
        %swap3A_801 = arith.index_cast %swap3A_800 : i32 to index
        %swap3A_802 = arith.index_cast %mul3A_715 : i32 to index
        %swap3A_803 = tpu.vector_load %arg23[%swap3A_801, %swap3A_802] {strides = array<i32>} : memref<64x768xf32, #tpu.memory_space<vmem>>, vector<16xf32>,
        tpu.vector_store %arg23[%swap3A_801, %swap3A_802], %add3A_799 {strides = array<i32>} : memref<64x768xf32, #tpu.memory_space<vmem>>, vector<16xf32>,
        %add3A_804 = arith.addf %scan3A_707, %add3A_799 : vector<16xf32>
        %mul3A_805 = arith.mulf %add3A_799, %add3A_799 : vector<16xf32>
        %add3A_806 = arith.addf %scan3A_711, %mul3A_805 : vector<16xf32>
        %get3A_807 = arith.constant 2 : i32
        %get3A_808 = arith.index_cast %get3A_807 : i32 to index
        %get3A_809 = arith.index_cast %mul3A_715 : i32 to index
        %get3A_810 = tpu.vector_load %arg23[%get3A_808, %get3A_809] {strides = array<i32>} : memref<64x768xf32, #tpu.memory_space<vmem>>, vector<16xf32>,
        %get3A_811 = arith.constant 10 : i32
        %get3A_812 = arith.index_cast %get3A_811 : i32 to index
        %get3A_813 = arith.index_cast %mul3A_715 : i32 to index
        %get3A_814 = tpu.vector_load %arg23[%get3A_812, %get3A_813] {strides = array<i32>} : memref<64x768xf32, #tpu.memory_space<vmem>>, vector<16xf32>,
        %add3A_815 = arith.addf %get3A_810, %get3A_814 : vector<16xf32>
        %get3A_816 = arith.constant 18 : i32
        %get3A_817 = arith.index_cast %get3A_816 : i32 to index
        %get3A_818 = arith.index_cast %mul3A_715 : i32 to index
        %get3A_819 = tpu.vector_load %arg23[%get3A_817, %get3A_818] {strides = array<i32>} : memref<64x768xf32, #tpu.memory_space<vmem>>, vector<16xf32>,
        %get3A_820 = arith.constant 26 : i32
        %get3A_821 = arith.index_cast %get3A_820 : i32 to index
        %get3A_822 = arith.index_cast %mul3A_715 : i32 to index
        %get3A_823 = tpu.vector_load %arg23[%get3A_821, %get3A_822] {strides = array<i32>} : memref<64x768xf32, #tpu.memory_space<vmem>>, vector<16xf32>,
        %add3A_824 = arith.addf %get3A_819, %get3A_823 : vector<16xf32>
        %add3A_825 = arith.addf %add3A_815, %add3A_824 : vector<16xf32>
        %get3A_826 = arith.constant 34 : i32
        %get3A_827 = arith.index_cast %get3A_826 : i32 to index
        %get3A_828 = arith.index_cast %mul3A_715 : i32 to index
        %get3A_829 = tpu.vector_load %arg23[%get3A_827, %get3A_828] {strides = array<i32>} : memref<64x768xf32, #tpu.memory_space<vmem>>, vector<16xf32>,
        %get3A_830 = arith.constant 42 : i32
        %get3A_831 = arith.index_cast %get3A_830 : i32 to index
        %get3A_832 = arith.index_cast %mul3A_715 : i32 to index
        %get3A_833 = tpu.vector_load %arg23[%get3A_831, %get3A_832] {strides = array<i32>} : memref<64x768xf32, #tpu.memory_space<vmem>>, vector<16xf32>,
        %add3A_834 = arith.addf %get3A_829, %get3A_833 : vector<16xf32>
        %get3A_835 = arith.constant 50 : i32
        %get3A_836 = arith.index_cast %get3A_835 : i32 to index
        %get3A_837 = arith.index_cast %mul3A_715 : i32 to index
        %get3A_838 = tpu.vector_load %arg23[%get3A_836, %get3A_837] {strides = array<i32>} : memref<64x768xf32, #tpu.memory_space<vmem>>, vector<16xf32>,
        %get3A_839 = arith.constant 58 : i32
        %get3A_840 = arith.index_cast %get3A_839 : i32 to index
        %get3A_841 = arith.index_cast %mul3A_715 : i32 to index
        %get3A_842 = tpu.vector_load %arg23[%get3A_840, %get3A_841] {strides = array<i32>} : memref<64x768xf32, #tpu.memory_space<vmem>>, vector<16xf32>,
        %add3A_843 = arith.addf %get3A_838, %get3A_842 : vector<16xf32>
        %add3A_844 = arith.addf %add3A_834, %add3A_843 : vector<16xf32>
        %add3A_845 = arith.addf %add3A_825, %add3A_844 : vector<16xf32>
        %swap3A_846 = arith.constant 2 : i32
        %swap3A_847 = arith.index_cast %swap3A_846 : i32 to index
        %swap3A_848 = arith.index_cast %mul3A_715 : i32 to index
        %swap3A_849 = tpu.vector_load %arg23[%swap3A_847, %swap3A_848] {strides = array<i32>} : memref<64x768xf32, #tpu.memory_space<vmem>>, vector<16xf32>,
        tpu.vector_store %arg23[%swap3A_847, %swap3A_848], %add3A_845 {strides = array<i32>} : memref<64x768xf32, #tpu.memory_space<vmem>>, vector<16xf32>,
        %add3A_850 = arith.addf %scan3A_708, %add3A_845 : vector<16xf32>
        %mul3A_851 = arith.mulf %add3A_845, %add3A_845 : vector<16xf32>
        %add3A_852 = arith.addf %scan3A_712, %mul3A_851 : vector<16xf32>
        %get3A_853 = arith.constant 3 : i32
        %get3A_854 = arith.index_cast %get3A_853 : i32 to index
        %get3A_855 = arith.index_cast %mul3A_715 : i32 to index
        %get3A_856 = tpu.vector_load %arg23[%get3A_854, %get3A_855] {strides = array<i32>} : memref<64x768xf32, #tpu.memory_space<vmem>>, vector<16xf32>,
        %get3A_857 = arith.constant 11 : i32
        %get3A_858 = arith.index_cast %get3A_857 : i32 to index
        %get3A_859 = arith.index_cast %mul3A_715 : i32 to index
        %get3A_860 = tpu.vector_load %arg23[%get3A_858, %get3A_859] {strides = array<i32>} : memref<64x768xf32, #tpu.memory_space<vmem>>, vector<16xf32>,
        %add3A_861 = arith.addf %get3A_856, %get3A_860 : vector<16xf32>
        %get3A_862 = arith.constant 19 : i32
        %get3A_863 = arith.index_cast %get3A_862 : i32 to index
        %get3A_864 = arith.index_cast %mul3A_715 : i32 to index
        %get3A_865 = tpu.vector_load %arg23[%get3A_863, %get3A_864] {strides = array<i32>} : memref<64x768xf32, #tpu.memory_space<vmem>>, vector<16xf32>,
        %get3A_866 = arith.constant 27 : i32
        %get3A_867 = arith.index_cast %get3A_866 : i32 to index
        %get3A_868 = arith.index_cast %mul3A_715 : i32 to index
        %get3A_869 = tpu.vector_load %arg23[%get3A_867, %get3A_868] {strides = array<i32>} : memref<64x768xf32, #tpu.memory_space<vmem>>, vector<16xf32>,
        %add3A_870 = arith.addf %get3A_865, %get3A_869 : vector<16xf32>
        %add3A_871 = arith.addf %add3A_861, %add3A_870 : vector<16xf32>
        %get3A_872 = arith.constant 35 : i32
        %get3A_873 = arith.index_cast %get3A_872 : i32 to index
        %get3A_874 = arith.index_cast %mul3A_715 : i32 to index
        %get3A_875 = tpu.vector_load %arg23[%get3A_873, %get3A_874] {strides = array<i32>} : memref<64x768xf32, #tpu.memory_space<vmem>>, vector<16xf32>,
        %get3A_876 = arith.constant 43 : i32
        %get3A_877 = arith.index_cast %get3A_876 : i32 to index
        %get3A_878 = arith.index_cast %mul3A_715 : i32 to index
        %get3A_879 = tpu.vector_load %arg23[%get3A_877, %get3A_878] {strides = array<i32>} : memref<64x768xf32, #tpu.memory_space<vmem>>, vector<16xf32>,
        %add3A_880 = arith.addf %get3A_875, %get3A_879 : vector<16xf32>
        %get3A_881 = arith.constant 51 : i32
        %get3A_882 = arith.index_cast %get3A_881 : i32 to index
        %get3A_883 = arith.index_cast %mul3A_715 : i32 to index
        %get3A_884 = tpu.vector_load %arg23[%get3A_882, %get3A_883] {strides = array<i32>} : memref<64x768xf32, #tpu.memory_space<vmem>>, vector<16xf32>,
        %get3A_885 = arith.constant 59 : i32
        %get3A_886 = arith.index_cast %get3A_885 : i32 to index
        %get3A_887 = arith.index_cast %mul3A_715 : i32 to index
        %get3A_888 = tpu.vector_load %arg23[%get3A_886, %get3A_887] {strides = array<i32>} : memref<64x768xf32, #tpu.memory_space<vmem>>, vector<16xf32>,
        %add3A_889 = arith.addf %get3A_884, %get3A_888 : vector<16xf32>
        %add3A_890 = arith.addf %add3A_880, %add3A_889 : vector<16xf32>
        %add3A_891 = arith.addf %add3A_871, %add3A_890 : vector<16xf32>
        %swap3A_892 = arith.constant 3 : i32
        %swap3A_893 = arith.index_cast %swap3A_892 : i32 to index
        %swap3A_894 = arith.index_cast %mul3A_715 : i32 to index
        %swap3A_895 = tpu.vector_load %arg23[%swap3A_893, %swap3A_894] {strides = array<i32>} : memref<64x768xf32, #tpu.memory_space<vmem>>, vector<16xf32>,
        tpu.vector_store %arg23[%swap3A_893, %swap3A_894], %add3A_891 {strides = array<i32>} : memref<64x768xf32, #tpu.memory_space<vmem>>, vector<16xf32>,
        %add3A_896 = arith.addf %scan3A_709, %add3A_891 : vector<16xf32>
        %mul3A_897 = arith.mulf %add3A_891, %add3A_891 : vector<16xf32>
        %add3A_898 = arith.addf %scan3A_713, %mul3A_897 : vector<16xf32>
        scf.yield %add3A_758, %add3A_804, %add3A_850, %add3A_896, %add3A_760, %add3A_806, %add3A_852, %add3A_898 : vector<16xf32>, vector<16xf32>, vector<16xf32>, vector<16xf32>, vector<16xf32>, vector<16xf32>, vector<16xf32>, vector<16xf32>
      }
      %scan3A_268 = arith.constant 48 : i32
      %swap3A = arith.constant 0 : i32
      %swap3A_269 = arith.index_cast %swap3A : i32 to index
      %swap3A_270 = arith.constant 0 : index
      %swap3A_271 = tpu.vector_load %arg29[%swap3A_269, %swap3A_270] {strides = array<i32>} : memref<16x16xf32, #tpu.memory_space<vmem>>, vector<16xf32>,
      tpu.vector_store %arg29[%swap3A_269, %swap3A_270], %scan3A_267#0 {strides = array<i32>} : memref<16x16xf32, #tpu.memory_space<vmem>>, vector<16xf32>,
      %swap3A_272 = arith.constant 0 : i32
      %swap3A_273 = arith.index_cast %swap3A_272 : i32 to index
      %swap3A_274 = arith.constant 0 : index
      %swap3A_275 = tpu.vector_load %arg30[%swap3A_273, %swap3A_274] {strides = array<i32>} : memref<16x16xf32, #tpu.memory_space<vmem>>, vector<16xf32>,
      tpu.vector_store %arg30[%swap3A_273, %swap3A_274], %scan3A_267#4 {strides = array<i32>} : memref<16x16xf32, #tpu.memory_space<vmem>>, vector<16xf32>,
      %swap3A_276 = arith.constant 1 : i32
      %swap3A_277 = arith.index_cast %swap3A_276 : i32 to index
      %swap3A_278 = arith.constant 0 : index
      %swap3A_279 = tpu.vector_load %arg29[%swap3A_277, %swap3A_278] {strides = array<i32>} : memref<16x16xf32, #tpu.memory_space<vmem>>, vector<16xf32>,
      tpu.vector_store %arg29[%swap3A_277, %swap3A_278], %scan3A_267#1 {strides = array<i32>} : memref<16x16xf32, #tpu.memory_space<vmem>>, vector<16xf32>,
      %swap3A_280 = arith.constant 1 : i32
      %swap3A_281 = arith.index_cast %swap3A_280 : i32 to index
      %swap3A_282 = arith.constant 0 : index
      %swap3A_283 = tpu.vector_load %arg30[%swap3A_281, %swap3A_282] {strides = array<i32>} : memref<16x16xf32, #tpu.memory_space<vmem>>, vector<16xf32>,
      tpu.vector_store %arg30[%swap3A_281, %swap3A_282], %scan3A_267#5 {strides = array<i32>} : memref<16x16xf32, #tpu.memory_space<vmem>>, vector<16xf32>,
      %swap3A_284 = arith.constant 2 : i32
      %swap3A_285 = arith.index_cast %swap3A_284 : i32 to index
      %swap3A_286 = arith.constant 0 : index
      %swap3A_287 = tpu.vector_load %arg29[%swap3A_285, %swap3A_286] {strides = array<i32>} : memref<16x16xf32, #tpu.memory_space<vmem>>, vector<16xf32>,
      tpu.vector_store %arg29[%swap3A_285, %swap3A_286], %scan3A_267#2 {strides = array<i32>} : memref<16x16xf32, #tpu.memory_space<vmem>>, vector<16xf32>,
      %swap3A_288 = arith.constant 2 : i32
      %swap3A_289 = arith.index_cast %swap3A_288 : i32 to index
      %swap3A_290 = arith.constant 0 : index
      %swap3A_291 = tpu.vector_load %arg30[%swap3A_289, %swap3A_290] {strides = array<i32>} : memref<16x16xf32, #tpu.memory_space<vmem>>, vector<16xf32>,
      tpu.vector_store %arg30[%swap3A_289, %swap3A_290], %scan3A_267#6 {strides = array<i32>} : memref<16x16xf32, #tpu.memory_space<vmem>>, vector<16xf32>,
      %swap3A_292 = arith.constant 3 : i32
      %swap3A_293 = arith.index_cast %swap3A_292 : i32 to index
      %swap3A_294 = arith.constant 0 : index
      %swap3A_295 = tpu.vector_load %arg29[%swap3A_293, %swap3A_294] {strides = array<i32>} : memref<16x16xf32, #tpu.memory_space<vmem>>, vector<16xf32>,
      tpu.vector_store %arg29[%swap3A_293, %swap3A_294], %scan3A_267#3 {strides = array<i32>} : memref<16x16xf32, #tpu.memory_space<vmem>>, vector<16xf32>,
      %swap3A_296 = arith.constant 3 : i32
      %swap3A_297 = arith.index_cast %swap3A_296 : i32 to index
      %swap3A_298 = arith.constant 0 : index
      %swap3A_299 = tpu.vector_load %arg30[%swap3A_297, %swap3A_298] {strides = array<i32>} : memref<16x16xf32, #tpu.memory_space<vmem>>, vector<16xf32>,
      tpu.vector_store %arg30[%swap3A_297, %swap3A_298], %scan3A_267#7 {strides = array<i32>} : memref<16x16xf32, #tpu.memory_space<vmem>>, vector<16xf32>,
      %scan3A_300 = arith.constant 0 : i32
      %scan3A_301 = arith.constant 48 : i32
      %scan3A_302 = arith.addi %scan3A_300, %scan3A_301 : i32
      %scan3A_303 = arith.constant 1 : i32
      %scan3A_304:8 = scf.for %scan3A_705 = %scan3A_300 to %scan3A_302 step %scan3A_303 iter_args(%scan3A_706 = %broadcast_in_dim3A_262, %scan3A_707 = %broadcast_in_dim3A_262, %scan3A_708 = %broadcast_in_dim3A_262, %scan3A_709 = %broadcast_in_dim3A_262, %scan3A_710 = %broadcast_in_dim3A_262, %scan3A_711 = %broadcast_in_dim3A_262, %scan3A_712 = %broadcast_in_dim3A_262, %scan3A_713 = %broadcast_in_dim3A_262) -> (vector<16xf32>, vector<16xf32>, vector<16xf32>, vector<16xf32>, vector<16xf32>, vector<16xf32>, vector<16xf32>, vector<16xf32>)  : i32 {
        %mul3A_714 = arith.constant 16 : i32
        %mul3A_715 = arith.muli %scan3A_705, %mul3A_714 : i32
        %get3A = arith.constant 4 : i32
        %get3A_716 = arith.index_cast %get3A : i32 to index
        %get3A_717 = arith.index_cast %mul3A_715 : i32 to index
        %get3A_718 = tpu.vector_load %arg23[%get3A_716, %get3A_717] {strides = array<i32>} : memref<64x768xf32, #tpu.memory_space<vmem>>, vector<16xf32>,
        %get3A_719 = arith.constant 12 : i32
        %get3A_720 = arith.index_cast %get3A_719 : i32 to index
        %get3A_721 = arith.index_cast %mul3A_715 : i32 to index
        %get3A_722 = tpu.vector_load %arg23[%get3A_720, %get3A_721] {strides = array<i32>} : memref<64x768xf32, #tpu.memory_space<vmem>>, vector<16xf32>,
        %add3A_723 = arith.addf %get3A_718, %get3A_722 : vector<16xf32>
        %get3A_724 = arith.constant 20 : i32
        %get3A_725 = arith.index_cast %get3A_724 : i32 to index
        %get3A_726 = arith.index_cast %mul3A_715 : i32 to index
        %get3A_727 = tpu.vector_load %arg23[%get3A_725, %get3A_726] {strides = array<i32>} : memref<64x768xf32, #tpu.memory_space<vmem>>, vector<16xf32>,
        %get3A_728 = arith.constant 28 : i32
        %get3A_729 = arith.index_cast %get3A_728 : i32 to index
        %get3A_730 = arith.index_cast %mul3A_715 : i32 to index
        %get3A_731 = tpu.vector_load %arg23[%get3A_729, %get3A_730] {strides = array<i32>} : memref<64x768xf32, #tpu.memory_space<vmem>>, vector<16xf32>,
        %add3A_732 = arith.addf %get3A_727, %get3A_731 : vector<16xf32>
        %add3A_733 = arith.addf %add3A_723, %add3A_732 : vector<16xf32>
        %get3A_734 = arith.constant 36 : i32
        %get3A_735 = arith.index_cast %get3A_734 : i32 to index
        %get3A_736 = arith.index_cast %mul3A_715 : i32 to index
        %get3A_737 = tpu.vector_load %arg23[%get3A_735, %get3A_736] {strides = array<i32>} : memref<64x768xf32, #tpu.memory_space<vmem>>, vector<16xf32>,
        %get3A_738 = arith.constant 44 : i32
        %get3A_739 = arith.index_cast %get3A_738 : i32 to index
        %get3A_740 = arith.index_cast %mul3A_715 : i32 to index
        %get3A_741 = tpu.vector_load %arg23[%get3A_739, %get3A_740] {strides = array<i32>} : memref<64x768xf32, #tpu.memory_space<vmem>>, vector<16xf32>,
        %add3A_742 = arith.addf %get3A_737, %get3A_741 : vector<16xf32>
        %get3A_743 = arith.constant 52 : i32
        %get3A_744 = arith.index_cast %get3A_743 : i32 to index
        %get3A_745 = arith.index_cast %mul3A_715 : i32 to index
        %get3A_746 = tpu.vector_load %arg23[%get3A_744, %get3A_745] {strides = array<i32>} : memref<64x768xf32, #tpu.memory_space<vmem>>, vector<16xf32>,
        %get3A_747 = arith.constant 60 : i32
        %get3A_748 = arith.index_cast %get3A_747 : i32 to index
        %get3A_749 = arith.index_cast %mul3A_715 : i32 to index
        %get3A_750 = tpu.vector_load %arg23[%get3A_748, %get3A_749] {strides = array<i32>} : memref<64x768xf32, #tpu.memory_space<vmem>>, vector<16xf32>,
        %add3A_751 = arith.addf %get3A_746, %get3A_750 : vector<16xf32>
        %add3A_752 = arith.addf %add3A_742, %add3A_751 : vector<16xf32>
        %add3A_753 = arith.addf %add3A_733, %add3A_752 : vector<16xf32>
        %swap3A_754 = arith.constant 4 : i32
        %swap3A_755 = arith.index_cast %swap3A_754 : i32 to index
        %swap3A_756 = arith.index_cast %mul3A_715 : i32 to index
        %swap3A_757 = tpu.vector_load %arg23[%swap3A_755, %swap3A_756] {strides = array<i32>} : memref<64x768xf32, #tpu.memory_space<vmem>>, vector<16xf32>,
        tpu.vector_store %arg23[%swap3A_755, %swap3A_756], %add3A_753 {strides = array<i32>} : memref<64x768xf32, #tpu.memory_space<vmem>>, vector<16xf32>,
        %add3A_758 = arith.addf %scan3A_706, %add3A_753 : vector<16xf32>
        %mul3A_759 = arith.mulf %add3A_753, %add3A_753 : vector<16xf32>
        %add3A_760 = arith.addf %scan3A_710, %mul3A_759 : vector<16xf32>
        %get3A_761 = arith.constant 5 : i32
        %get3A_762 = arith.index_cast %get3A_761 : i32 to index
        %get3A_763 = arith.index_cast %mul3A_715 : i32 to index
        %get3A_764 = tpu.vector_load %arg23[%get3A_762, %get3A_763] {strides = array<i32>} : memref<64x768xf32, #tpu.memory_space<vmem>>, vector<16xf32>,
        %get3A_765 = arith.constant 13 : i32
        %get3A_766 = arith.index_cast %get3A_765 : i32 to index
        %get3A_767 = arith.index_cast %mul3A_715 : i32 to index
        %get3A_768 = tpu.vector_load %arg23[%get3A_766, %get3A_767] {strides = array<i32>} : memref<64x768xf32, #tpu.memory_space<vmem>>, vector<16xf32>,
        %add3A_769 = arith.addf %get3A_764, %get3A_768 : vector<16xf32>
        %get3A_770 = arith.constant 21 : i32
        %get3A_771 = arith.index_cast %get3A_770 : i32 to index
        %get3A_772 = arith.index_cast %mul3A_715 : i32 to index
        %get3A_773 = tpu.vector_load %arg23[%get3A_771, %get3A_772] {strides = array<i32>} : memref<64x768xf32, #tpu.memory_space<vmem>>, vector<16xf32>,
        %get3A_774 = arith.constant 29 : i32
        %get3A_775 = arith.index_cast %get3A_774 : i32 to index
        %get3A_776 = arith.index_cast %mul3A_715 : i32 to index
        %get3A_777 = tpu.vector_load %arg23[%get3A_775, %get3A_776] {strides = array<i32>} : memref<64x768xf32, #tpu.memory_space<vmem>>, vector<16xf32>,
        %add3A_778 = arith.addf %get3A_773, %get3A_777 : vector<16xf32>
        %add3A_779 = arith.addf %add3A_769, %add3A_778 : vector<16xf32>
        %get3A_780 = arith.constant 37 : i32
        %get3A_781 = arith.index_cast %get3A_780 : i32 to index
        %get3A_782 = arith.index_cast %mul3A_715 : i32 to index
        %get3A_783 = tpu.vector_load %arg23[%get3A_781, %get3A_782] {strides = array<i32>} : memref<64x768xf32, #tpu.memory_space<vmem>>, vector<16xf32>,
        %get3A_784 = arith.constant 45 : i32
        %get3A_785 = arith.index_cast %get3A_784 : i32 to index
        %get3A_786 = arith.index_cast %mul3A_715 : i32 to index
        %get3A_787 = tpu.vector_load %arg23[%get3A_785, %get3A_786] {strides = array<i32>} : memref<64x768xf32, #tpu.memory_space<vmem>>, vector<16xf32>,
        %add3A_788 = arith.addf %get3A_783, %get3A_787 : vector<16xf32>
        %get3A_789 = arith.constant 53 : i32
        %get3A_790 = arith.index_cast %get3A_789 : i32 to index
        %get3A_791 = arith.index_cast %mul3A_715 : i32 to index
        %get3A_792 = tpu.vector_load %arg23[%get3A_790, %get3A_791] {strides = array<i32>} : memref<64x768xf32, #tpu.memory_space<vmem>>, vector<16xf32>,
        %get3A_793 = arith.constant 61 : i32
        %get3A_794 = arith.index_cast %get3A_793 : i32 to index
        %get3A_795 = arith.index_cast %mul3A_715 : i32 to index
        %get3A_796 = tpu.vector_load %arg23[%get3A_794, %get3A_795] {strides = array<i32>} : memref<64x768xf32, #tpu.memory_space<vmem>>, vector<16xf32>,
        %add3A_797 = arith.addf %get3A_792, %get3A_796 : vector<16xf32>
        %add3A_798 = arith.addf %add3A_788, %add3A_797 : vector<16xf32>
        %add3A_799 = arith.addf %add3A_779, %add3A_798 : vector<16xf32>
        %swap3A_800 = arith.constant 5 : i32
        %swap3A_801 = arith.index_cast %swap3A_800 : i32 to index
        %swap3A_802 = arith.index_cast %mul3A_715 : i32 to index
        %swap3A_803 = tpu.vector_load %arg23[%swap3A_801, %swap3A_802] {strides = array<i32>} : memref<64x768xf32, #tpu.memory_space<vmem>>, vector<16xf32>,
        tpu.vector_store %arg23[%swap3A_801, %swap3A_802], %add3A_799 {strides = array<i32>} : memref<64x768xf32, #tpu.memory_space<vmem>>, vector<16xf32>,
        %add3A_804 = arith.addf %scan3A_707, %add3A_799 : vector<16xf32>
        %mul3A_805 = arith.mulf %add3A_799, %add3A_799 : vector<16xf32>
        %add3A_806 = arith.addf %scan3A_711, %mul3A_805 : vector<16xf32>
        %get3A_807 = arith.constant 6 : i32
        %get3A_808 = arith.index_cast %get3A_807 : i32 to index
        %get3A_809 = arith.index_cast %mul3A_715 : i32 to index
        %get3A_810 = tpu.vector_load %arg23[%get3A_808, %get3A_809] {strides = array<i32>} : memref<64x768xf32, #tpu.memory_space<vmem>>, vector<16xf32>,
        %get3A_811 = arith.constant 14 : i32
        %get3A_812 = arith.index_cast %get3A_811 : i32 to index
        %get3A_813 = arith.index_cast %mul3A_715 : i32 to index
        %get3A_814 = tpu.vector_load %arg23[%get3A_812, %get3A_813] {strides = array<i32>} : memref<64x768xf32, #tpu.memory_space<vmem>>, vector<16xf32>,
        %add3A_815 = arith.addf %get3A_810, %get3A_814 : vector<16xf32>
        %get3A_816 = arith.constant 22 : i32
        %get3A_817 = arith.index_cast %get3A_816 : i32 to index
        %get3A_818 = arith.index_cast %mul3A_715 : i32 to index
        %get3A_819 = tpu.vector_load %arg23[%get3A_817, %get3A_818] {strides = array<i32>} : memref<64x768xf32, #tpu.memory_space<vmem>>, vector<16xf32>,
        %get3A_820 = arith.constant 30 : i32
        %get3A_821 = arith.index_cast %get3A_820 : i32 to index
        %get3A_822 = arith.index_cast %mul3A_715 : i32 to index
        %get3A_823 = tpu.vector_load %arg23[%get3A_821, %get3A_822] {strides = array<i32>} : memref<64x768xf32, #tpu.memory_space<vmem>>, vector<16xf32>,
        %add3A_824 = arith.addf %get3A_819, %get3A_823 : vector<16xf32>
        %add3A_825 = arith.addf %add3A_815, %add3A_824 : vector<16xf32>
        %get3A_826 = arith.constant 38 : i32
        %get3A_827 = arith.index_cast %get3A_826 : i32 to index
        %get3A_828 = arith.index_cast %mul3A_715 : i32 to index
        %get3A_829 = tpu.vector_load %arg23[%get3A_827, %get3A_828] {strides = array<i32>} : memref<64x768xf32, #tpu.memory_space<vmem>>, vector<16xf32>,
        %get3A_830 = arith.constant 46 : i32
        %get3A_831 = arith.index_cast %get3A_830 : i32 to index
        %get3A_832 = arith.index_cast %mul3A_715 : i32 to index
        %get3A_833 = tpu.vector_load %arg23[%get3A_831, %get3A_832] {strides = array<i32>} : memref<64x768xf32, #tpu.memory_space<vmem>>, vector<16xf32>,
        %add3A_834 = arith.addf %get3A_829, %get3A_833 : vector<16xf32>
        %get3A_835 = arith.constant 54 : i32
        %get3A_836 = arith.index_cast %get3A_835 : i32 to index
        %get3A_837 = arith.index_cast %mul3A_715 : i32 to index
        %get3A_838 = tpu.vector_load %arg23[%get3A_836, %get3A_837] {strides = array<i32>} : memref<64x768xf32, #tpu.memory_space<vmem>>, vector<16xf32>,
        %get3A_839 = arith.constant 62 : i32
        %get3A_840 = arith.index_cast %get3A_839 : i32 to index
        %get3A_841 = arith.index_cast %mul3A_715 : i32 to index
        %get3A_842 = tpu.vector_load %arg23[%get3A_840, %get3A_841] {strides = array<i32>} : memref<64x768xf32, #tpu.memory_space<vmem>>, vector<16xf32>,
        %add3A_843 = arith.addf %get3A_838, %get3A_842 : vector<16xf32>
        %add3A_844 = arith.addf %add3A_834, %add3A_843 : vector<16xf32>
        %add3A_845 = arith.addf %add3A_825, %add3A_844 : vector<16xf32>
        %swap3A_846 = arith.constant 6 : i32
        %swap3A_847 = arith.index_cast %swap3A_846 : i32 to index
        %swap3A_848 = arith.index_cast %mul3A_715 : i32 to index
        %swap3A_849 = tpu.vector_load %arg23[%swap3A_847, %swap3A_848] {strides = array<i32>} : memref<64x768xf32, #tpu.memory_space<vmem>>, vector<16xf32>,
        tpu.vector_store %arg23[%swap3A_847, %swap3A_848], %add3A_845 {strides = array<i32>} : memref<64x768xf32, #tpu.memory_space<vmem>>, vector<16xf32>,
        %add3A_850 = arith.addf %scan3A_708, %add3A_845 : vector<16xf32>
        %mul3A_851 = arith.mulf %add3A_845, %add3A_845 : vector<16xf32>
        %add3A_852 = arith.addf %scan3A_712, %mul3A_851 : vector<16xf32>
        %get3A_853 = arith.constant 7 : i32
        %get3A_854 = arith.index_cast %get3A_853 : i32 to index
        %get3A_855 = arith.index_cast %mul3A_715 : i32 to index
        %get3A_856 = tpu.vector_load %arg23[%get3A_854, %get3A_855] {strides = array<i32>} : memref<64x768xf32, #tpu.memory_space<vmem>>, vector<16xf32>,
        %get3A_857 = arith.constant 15 : i32
        %get3A_858 = arith.index_cast %get3A_857 : i32 to index
        %get3A_859 = arith.index_cast %mul3A_715 : i32 to index
        %get3A_860 = tpu.vector_load %arg23[%get3A_858, %get3A_859] {strides = array<i32>} : memref<64x768xf32, #tpu.memory_space<vmem>>, vector<16xf32>,
        %add3A_861 = arith.addf %get3A_856, %get3A_860 : vector<16xf32>
        %get3A_862 = arith.constant 23 : i32
        %get3A_863 = arith.index_cast %get3A_862 : i32 to index
        %get3A_864 = arith.index_cast %mul3A_715 : i32 to index
        %get3A_865 = tpu.vector_load %arg23[%get3A_863, %get3A_864] {strides = array<i32>} : memref<64x768xf32, #tpu.memory_space<vmem>>, vector<16xf32>,
        %get3A_866 = arith.constant 31 : i32
        %get3A_867 = arith.index_cast %get3A_866 : i32 to index
        %get3A_868 = arith.index_cast %mul3A_715 : i32 to index
        %get3A_869 = tpu.vector_load %arg23[%get3A_867, %get3A_868] {strides = array<i32>} : memref<64x768xf32, #tpu.memory_space<vmem>>, vector<16xf32>,
        %add3A_870 = arith.addf %get3A_865, %get3A_869 : vector<16xf32>
        %add3A_871 = arith.addf %add3A_861, %add3A_870 : vector<16xf32>
        %get3A_872 = arith.constant 39 : i32
        %get3A_873 = arith.index_cast %get3A_872 : i32 to index
        %get3A_874 = arith.index_cast %mul3A_715 : i32 to index
        %get3A_875 = tpu.vector_load %arg23[%get3A_873, %get3A_874] {strides = array<i32>} : memref<64x768xf32, #tpu.memory_space<vmem>>, vector<16xf32>,
        %get3A_876 = arith.constant 47 : i32
        %get3A_877 = arith.index_cast %get3A_876 : i32 to index
        %get3A_878 = arith.index_cast %mul3A_715 : i32 to index
        %get3A_879 = tpu.vector_load %arg23[%get3A_877, %get3A_878] {strides = array<i32>} : memref<64x768xf32, #tpu.memory_space<vmem>>, vector<16xf32>,
        %add3A_880 = arith.addf %get3A_875, %get3A_879 : vector<16xf32>
        %get3A_881 = arith.constant 55 : i32
        %get3A_882 = arith.index_cast %get3A_881 : i32 to index
        %get3A_883 = arith.index_cast %mul3A_715 : i32 to index
        %get3A_884 = tpu.vector_load %arg23[%get3A_882, %get3A_883] {strides = array<i32>} : memref<64x768xf32, #tpu.memory_space<vmem>>, vector<16xf32>,
        %get3A_885 = arith.constant 63 : i32
        %get3A_886 = arith.index_cast %get3A_885 : i32 to index
        %get3A_887 = arith.index_cast %mul3A_715 : i32 to index
        %get3A_888 = tpu.vector_load %arg23[%get3A_886, %get3A_887] {strides = array<i32>} : memref<64x768xf32, #tpu.memory_space<vmem>>, vector<16xf32>,
        %add3A_889 = arith.addf %get3A_884, %get3A_888 : vector<16xf32>
        %add3A_890 = arith.addf %add3A_880, %add3A_889 : vector<16xf32>
        %add3A_891 = arith.addf %add3A_871, %add3A_890 : vector<16xf32>
        %swap3A_892 = arith.constant 7 : i32
        %swap3A_893 = arith.index_cast %swap3A_892 : i32 to index
        %swap3A_894 = arith.index_cast %mul3A_715 : i32 to index
        %swap3A_895 = tpu.vector_load %arg23[%swap3A_893, %swap3A_894] {strides = array<i32>} : memref<64x768xf32, #tpu.memory_space<vmem>>, vector<16xf32>,
        tpu.vector_store %arg23[%swap3A_893, %swap3A_894], %add3A_891 {strides = array<i32>} : memref<64x768xf32, #tpu.memory_space<vmem>>, vector<16xf32>,
        %add3A_896 = arith.addf %scan3A_709, %add3A_891 : vector<16xf32>
        %mul3A_897 = arith.mulf %add3A_891, %add3A_891 : vector<16xf32>
        %add3A_898 = arith.addf %scan3A_713, %mul3A_897 : vector<16xf32>
        scf.yield %add3A_758, %add3A_804, %add3A_850, %add3A_896, %add3A_760, %add3A_806, %add3A_852, %add3A_898 : vector<16xf32>, vector<16xf32>, vector<16xf32>, vector<16xf32>, vector<16xf32>, vector<16xf32>, vector<16xf32>, vector<16xf32>
      }
      %scan3A_305 = arith.constant 48 : i32
      %swap3A_306 = arith.constant 4 : i32
      %swap3A_307 = arith.index_cast %swap3A_306 : i32 to index
      %swap3A_308 = arith.constant 0 : index
      %swap3A_309 = tpu.vector_load %arg29[%swap3A_307, %swap3A_308] {strides = array<i32>} : memref<16x16xf32, #tpu.memory_space<vmem>>, vector<16xf32>,
      tpu.vector_store %arg29[%swap3A_307, %swap3A_308], %scan3A_304#0 {strides = array<i32>} : memref<16x16xf32, #tpu.memory_space<vmem>>, vector<16xf32>,
      %swap3A_310 = arith.constant 4 : i32
      %swap3A_311 = arith.index_cast %swap3A_310 : i32 to index
      %swap3A_312 = arith.constant 0 : index
      %swap3A_313 = tpu.vector_load %arg30[%swap3A_311, %swap3A_312] {strides = array<i32>} : memref<16x16xf32, #tpu.memory_space<vmem>>, vector<16xf32>,
      tpu.vector_store %arg30[%swap3A_311, %swap3A_312], %scan3A_304#4 {strides = array<i32>} : memref<16x16xf32, #tpu.memory_space<vmem>>, vector<16xf32>,
      %swap3A_314 = arith.constant 5 : i32
      %swap3A_315 = arith.index_cast %swap3A_314 : i32 to index
      %swap3A_316 = arith.constant 0 : index
      %swap3A_317 = tpu.vector_load %arg29[%swap3A_315, %swap3A_316] {strides = array<i32>} : memref<16x16xf32, #tpu.memory_space<vmem>>, vector<16xf32>,
      tpu.vector_store %arg29[%swap3A_315, %swap3A_316], %scan3A_304#1 {strides = array<i32>} : memref<16x16xf32, #tpu.memory_space<vmem>>, vector<16xf32>,
      %swap3A_318 = arith.constant 5 : i32
      %swap3A_319 = arith.index_cast %swap3A_318 : i32 to index
      %swap3A_320 = arith.constant 0 : index
      %swap3A_321 = tpu.vector_load %arg30[%swap3A_319, %swap3A_320] {strides = array<i32>} : memref<16x16xf32, #tpu.memory_space<vmem>>, vector<16xf32>,
      tpu.vector_store %arg30[%swap3A_319, %swap3A_320], %scan3A_304#5 {strides = array<i32>} : memref<16x16xf32, #tpu.memory_space<vmem>>, vector<16xf32>,
      %swap3A_322 = arith.constant 6 : i32
      %swap3A_323 = arith.index_cast %swap3A_322 : i32 to index
      %swap3A_324 = arith.constant 0 : index
      %swap3A_325 = tpu.vector_load %arg29[%swap3A_323, %swap3A_324] {strides = array<i32>} : memref<16x16xf32, #tpu.memory_space<vmem>>, vector<16xf32>,
      tpu.vector_store %arg29[%swap3A_323, %swap3A_324], %scan3A_304#2 {strides = array<i32>} : memref<16x16xf32, #tpu.memory_space<vmem>>, vector<16xf32>,
      %swap3A_326 = arith.constant 6 : i32
      %swap3A_327 = arith.index_cast %swap3A_326 : i32 to index
      %swap3A_328 = arith.constant 0 : index
      %swap3A_329 = tpu.vector_load %arg30[%swap3A_327, %swap3A_328] {strides = array<i32>} : memref<16x16xf32, #tpu.memory_space<vmem>>, vector<16xf32>,
      tpu.vector_store %arg30[%swap3A_327, %swap3A_328], %scan3A_304#6 {strides = array<i32>} : memref<16x16xf32, #tpu.memory_space<vmem>>, vector<16xf32>,
      %swap3A_330 = arith.constant 7 : i32
      %swap3A_331 = arith.index_cast %swap3A_330 : i32 to index
      %swap3A_332 = arith.constant 0 : index
      %swap3A_333 = tpu.vector_load %arg29[%swap3A_331, %swap3A_332] {strides = array<i32>} : memref<16x16xf32, #tpu.memory_space<vmem>>, vector<16xf32>,
      tpu.vector_store %arg29[%swap3A_331, %swap3A_332], %scan3A_304#3 {strides = array<i32>} : memref<16x16xf32, #tpu.memory_space<vmem>>, vector<16xf32>,
      %swap3A_334 = arith.constant 7 : i32
      %swap3A_335 = arith.index_cast %swap3A_334 : i32 to index
      %swap3A_336 = arith.constant 0 : index
      %swap3A_337 = tpu.vector_load %arg30[%swap3A_335, %swap3A_336] {strides = array<i32>} : memref<16x16xf32, #tpu.memory_space<vmem>>, vector<16xf32>,
      tpu.vector_store %arg30[%swap3A_335, %swap3A_336], %scan3A_304#7 {strides = array<i32>} : memref<16x16xf32, #tpu.memory_space<vmem>>, vector<16xf32>,
      %broadcast_in_dim3A_338 = arith.constant 0.000000e+00 : f32
      %broadcast_in_dim3A_339 = vector.broadcast %broadcast_in_dim3A_338 : f32 to vector<16xf32>
      %scan3A_340 = arith.constant 0 : i32
      %scan3A_341 = arith.constant 16 : i32
      %scan3A_342 = arith.addi %scan3A_340, %scan3A_341 : i32
      %scan3A_343 = arith.constant 4 : i32
      %scan3A_344:2 = scf.for %scan3A_705 = %scan3A_340 to %scan3A_342 step %scan3A_343 iter_args(%scan3A_706 = %broadcast_in_dim3A_339, %scan3A_707 = %broadcast_in_dim3A_339) -> (vector<16xf32>, vector<16xf32>)  : i32 {
        %broadcast_in_dim3A_708 = vector.broadcast %scan3A_705 : i32 to vector<16xi32>
        %gather3A = tpu.vector_load_idx %arg29[%iota3A, %broadcast_in_dim3A_708] : memref<16x16xf32, #tpu.memory_space<vmem>>[vector<16xi32>, vector<16xi32>], vector<16xf32>,
        %add3A_709 = arith.addf %scan3A_706, %gather3A : vector<16xf32>
        %gather3A_710 = tpu.vector_load_idx %arg30[%iota3A, %broadcast_in_dim3A_708] : memref<16x16xf32, #tpu.memory_space<vmem>>[vector<16xi32>, vector<16xi32>], vector<16xf32>,
        %add3A_711 = arith.addf %scan3A_707, %gather3A_710 : vector<16xf32>
        %scan3A_712 = arith.constant 1 : i32
        %scan3A_713 = arith.addi %scan3A_705, %scan3A_712 : i32
        %broadcast_in_dim3A_714 = vector.broadcast %scan3A_713 : i32 to vector<16xi32>
        %gather3A_715 = tpu.vector_load_idx %arg29[%iota3A, %broadcast_in_dim3A_714] : memref<16x16xf32, #tpu.memory_space<vmem>>[vector<16xi32>, vector<16xi32>], vector<16xf32>,
        %add3A_716 = arith.addf %add3A_709, %gather3A_715 : vector<16xf32>
        %gather3A_717 = tpu.vector_load_idx %arg30[%iota3A, %broadcast_in_dim3A_714] : memref<16x16xf32, #tpu.memory_space<vmem>>[vector<16xi32>, vector<16xi32>], vector<16xf32>,
        %add3A_718 = arith.addf %add3A_711, %gather3A_717 : vector<16xf32>
        %scan3A_719 = arith.constant 2 : i32
        %scan3A_720 = arith.addi %scan3A_705, %scan3A_719 : i32
        %broadcast_in_dim3A_721 = vector.broadcast %scan3A_720 : i32 to vector<16xi32>
        %gather3A_722 = tpu.vector_load_idx %arg29[%iota3A, %broadcast_in_dim3A_721] : memref<16x16xf32, #tpu.memory_space<vmem>>[vector<16xi32>, vector<16xi32>], vector<16xf32>,
        %add3A_723 = arith.addf %add3A_716, %gather3A_722 : vector<16xf32>
        %gather3A_724 = tpu.vector_load_idx %arg30[%iota3A, %broadcast_in_dim3A_721] : memref<16x16xf32, #tpu.memory_space<vmem>>[vector<16xi32>, vector<16xi32>], vector<16xf32>,
        %add3A_725 = arith.addf %add3A_718, %gather3A_724 : vector<16xf32>
        %scan3A_726 = arith.constant 3 : i32
        %scan3A_727 = arith.addi %scan3A_705, %scan3A_726 : i32
        %broadcast_in_dim3A_728 = vector.broadcast %scan3A_727 : i32 to vector<16xi32>
        %gather3A_729 = tpu.vector_load_idx %arg29[%iota3A, %broadcast_in_dim3A_728] : memref<16x16xf32, #tpu.memory_space<vmem>>[vector<16xi32>, vector<16xi32>], vector<16xf32>,
        %add3A_730 = arith.addf %add3A_723, %gather3A_729 : vector<16xf32>
        %gather3A_731 = tpu.vector_load_idx %arg30[%iota3A, %broadcast_in_dim3A_728] : memref<16x16xf32, #tpu.memory_space<vmem>>[vector<16xi32>, vector<16xi32>], vector<16xf32>,
        %add3A_732 = arith.addf %add3A_725, %gather3A_731 : vector<16xf32>
        scf.yield %add3A_730, %add3A_732 : vector<16xf32>, vector<16xf32>
      }
      %scan3A_345 = arith.constant 16 : i32
      %mul3A_346 = arith.constant 0.00130208337 : f32
      %mul3A_347 = vector.broadcast %mul3A_346 : f32 to vector<16xf32>
      %mul3A_348 = arith.mulf %scan3A_344#0, %mul3A_347 : vector<16xf32>
      %mul3A_349 = arith.constant 0.00130208337 : f32
      %mul3A_350 = vector.broadcast %mul3A_349 : f32 to vector<16xf32>
      %mul3A_351 = arith.mulf %scan3A_344#1, %mul3A_350 : vector<16xf32>
      %mul3A_352 = arith.mulf %mul3A_348, %mul3A_348 : vector<16xf32>
      %sub3A = arith.subf %mul3A_351, %mul3A_352 : vector<16xf32>
      %add3A_353 = arith.constant 9.99999996E-13 : f32
      %add3A_354 = vector.broadcast %add3A_353 : f32 to vector<16xf32>
      %add3A_355 = arith.addf %sub3A, %add3A_354 : vector<16xf32>
      %bitcast3A = vector.bitcast %add3A_355 : vector<16xf32> to vector<16xi32>
      %shift_right_logical3A = arith.constant 1 : i32
      %shift_right_logical3A_356 = vector.broadcast %shift_right_logical3A : i32 to vector<16xi32>
      %shift_right_logical3A_357 = arith.shrui %bitcast3A, %shift_right_logical3A_356 : vector<16xi32>
      %sub3A_358 = arith.constant 1597463007 : i32
      %sub3A_359 = vector.broadcast %sub3A_358 : i32 to vector<16xi32>
      %sub3A_360 = arith.subi %sub3A_359, %shift_right_logical3A_357 : vector<16xi32>
      %bitcast3A_361 = vector.bitcast %sub3A_360 : vector<16xi32> to vector<16xf32>
      %mul3A_362 = arith.constant 5.000000e-01 : f32
      %mul3A_363 = vector.broadcast %mul3A_362 : f32 to vector<16xf32>
      %mul3A_364 = arith.mulf %mul3A_363, %add3A_355 : vector<16xf32>
      %mul3A_365 = arith.mulf %mul3A_364, %bitcast3A_361 : vector<16xf32>
      %mul3A_366 = arith.mulf %mul3A_365, %bitcast3A_361 : vector<16xf32>
      %sub3A_367 = arith.constant 1.500000e+00 : f32
      %sub3A_368 = vector.broadcast %sub3A_367 : f32 to vector<16xf32>
      %sub3A_369 = arith.subf %sub3A_368, %mul3A_366 : vector<16xf32>
      %mul3A_370 = arith.mulf %bitcast3A_361, %sub3A_369 : vector<16xf32>
      %mul3A_371 = arith.mulf %mul3A_364, %mul3A_370 : vector<16xf32>
      %mul3A_372 = arith.mulf %mul3A_371, %mul3A_370 : vector<16xf32>
      %sub3A_373 = arith.constant 1.500000e+00 : f32
      %sub3A_374 = vector.broadcast %sub3A_373 : f32 to vector<16xf32>
      %sub3A_375 = arith.subf %sub3A_374, %mul3A_372 : vector<16xf32>
      %mul3A_376 = arith.mulf %mul3A_370, %sub3A_375 : vector<16xf32>
      %mul3A_377 = arith.mulf %mul3A_364, %mul3A_376 : vector<16xf32>
      %mul3A_378 = arith.mulf %mul3A_377, %mul3A_376 : vector<16xf32>
      %sub3A_379 = arith.constant 1.500000e+00 : f32
      %sub3A_380 = vector.broadcast %sub3A_379 : f32 to vector<16xf32>
      %sub3A_381 = arith.subf %sub3A_380, %mul3A_378 : vector<16xf32>
      %mul3A_382 = arith.mulf %mul3A_376, %sub3A_381 : vector<16xf32>
      %slice3A = vector.extract_strided_slice %mul3A_348 {offsets = [0], sizes = [1], strides = [1]} : vector<16xf32> to vector<1xf32>
      %squeeze3A = vector.extract %slice3A[0] : f32 from vector<1xf32>
      %slice3A_383 = vector.extract_strided_slice %mul3A_348 {offsets = [1], sizes = [1], strides = [1]} : vector<16xf32> to vector<1xf32>
      %squeeze3A_384 = vector.extract %slice3A_383[0] : f32 from vector<1xf32>
      %slice3A_385 = vector.extract_strided_slice %mul3A_348 {offsets = [2], sizes = [1], strides = [1]} : vector<16xf32> to vector<1xf32>
      %squeeze3A_386 = vector.extract %slice3A_385[0] : f32 from vector<1xf32>
      %slice3A_387 = vector.extract_strided_slice %mul3A_348 {offsets = [3], sizes = [1], strides = [1]} : vector<16xf32> to vector<1xf32>
      %squeeze3A_388 = vector.extract %slice3A_387[0] : f32 from vector<1xf32>
      %slice3A_389 = vector.extract_strided_slice %mul3A_348 {offsets = [4], sizes = [1], strides = [1]} : vector<16xf32> to vector<1xf32>
      %squeeze3A_390 = vector.extract %slice3A_389[0] : f32 from vector<1xf32>
      %slice3A_391 = vector.extract_strided_slice %mul3A_348 {offsets = [5], sizes = [1], strides = [1]} : vector<16xf32> to vector<1xf32>
      %squeeze3A_392 = vector.extract %slice3A_391[0] : f32 from vector<1xf32>
      %slice3A_393 = vector.extract_strided_slice %mul3A_348 {offsets = [6], sizes = [1], strides = [1]} : vector<16xf32> to vector<1xf32>
      %squeeze3A_394 = vector.extract %slice3A_393[0] : f32 from vector<1xf32>
      %slice3A_395 = vector.extract_strided_slice %mul3A_348 {offsets = [7], sizes = [1], strides = [1]} : vector<16xf32> to vector<1xf32>
      %squeeze3A_396 = vector.extract %slice3A_395[0] : f32 from vector<1xf32>
      %slice3A_397 = vector.extract_strided_slice %mul3A_382 {offsets = [0], sizes = [1], strides = [1]} : vector<16xf32> to vector<1xf32>
      %squeeze3A_398 = vector.extract %slice3A_397[0] : f32 from vector<1xf32>
      %slice3A_399 = vector.extract_strided_slice %mul3A_382 {offsets = [1], sizes = [1], strides = [1]} : vector<16xf32> to vector<1xf32>
      %squeeze3A_400 = vector.extract %slice3A_399[0] : f32 from vector<1xf32>
      %slice3A_401 = vector.extract_strided_slice %mul3A_382 {offsets = [2], sizes = [1], strides = [1]} : vector<16xf32> to vector<1xf32>
      %squeeze3A_402 = vector.extract %slice3A_401[0] : f32 from vector<1xf32>
      %slice3A_403 = vector.extract_strided_slice %mul3A_382 {offsets = [3], sizes = [1], strides = [1]} : vector<16xf32> to vector<1xf32>
      %squeeze3A_404 = vector.extract %slice3A_403[0] : f32 from vector<1xf32>
      %slice3A_405 = vector.extract_strided_slice %mul3A_382 {offsets = [4], sizes = [1], strides = [1]} : vector<16xf32> to vector<1xf32>
      %squeeze3A_406 = vector.extract %slice3A_405[0] : f32 from vector<1xf32>
      %slice3A_407 = vector.extract_strided_slice %mul3A_382 {offsets = [5], sizes = [1], strides = [1]} : vector<16xf32> to vector<1xf32>
      %squeeze3A_408 = vector.extract %slice3A_407[0] : f32 from vector<1xf32>
      %slice3A_409 = vector.extract_strided_slice %mul3A_382 {offsets = [6], sizes = [1], strides = [1]} : vector<16xf32> to vector<1xf32>
      %squeeze3A_410 = vector.extract %slice3A_409[0] : f32 from vector<1xf32>
      %slice3A_411 = vector.extract_strided_slice %mul3A_382 {offsets = [7], sizes = [1], strides = [1]} : vector<16xf32> to vector<1xf32>
      %squeeze3A_412 = vector.extract %slice3A_411[0] : f32 from vector<1xf32>
      %scan3A_413 = arith.constant 0 : i32
      %scan3A_414 = arith.constant 0 : i32
      %scan3A_415 = arith.constant 48 : i32
      %scan3A_416 = arith.addi %scan3A_414, %scan3A_415 : i32
      %scan3A_417 = arith.constant 1 : i32
      scf.for %scan3A_705 = %scan3A_414 to %scan3A_416 step %scan3A_417  : i32 {
        %mul3A_706 = arith.constant 16 : i32
        %mul3A_707 = arith.muli %scan3A_705, %mul3A_706 : i32
        %get3A = arith.index_cast %mul3A_707 : i32 to index
        %get3A_708 = tpu.vector_load %arg27[%get3A] {strides = array<i32>} : memref<768xf32, #tpu.memory_space<vmem>>, vector<16xf32>,
        %get3A_709 = arith.index_cast %mul3A_707 : i32 to index
        %get3A_710 = tpu.vector_load %arg28[%get3A_709] {strides = array<i32>} : memref<768xf32, #tpu.memory_space<vmem>>, vector<16xf32>,
        %get3A_711 = arith.constant 0 : i32
        %get3A_712 = arith.index_cast %get3A_711 : i32 to index
        %get3A_713 = arith.index_cast %mul3A_707 : i32 to index
        %get3A_714 = tpu.vector_load %arg23[%get3A_712, %get3A_713] {strides = array<i32>} : memref<64x768xf32, #tpu.memory_space<vmem>>, vector<16xf32>,
        %sub3A_715 = vector.broadcast %squeeze3A : f32 to vector<16xf32>
        %sub3A_716 = arith.subf %get3A_714, %sub3A_715 : vector<16xf32>
        %mul3A_717 = vector.broadcast %squeeze3A_398 : f32 to vector<16xf32>
        %mul3A_718 = arith.mulf %mul3A_717, %get3A_708 : vector<16xf32>
        %mul3A_719 = arith.mulf %sub3A_716, %mul3A_718 : vector<16xf32>
        %add3A_720 = arith.addf %mul3A_719, %get3A_710 : vector<16xf32>
        %swap3A_721 = arith.constant 0 : i32
        %swap3A_722 = arith.index_cast %swap3A_721 : i32 to index
        %swap3A_723 = arith.index_cast %mul3A_707 : i32 to index
        %swap3A_724 = tpu.vector_load %arg25[%swap3A_722, %swap3A_723] {strides = array<i32>} : memref<8x768xf32, #tpu.memory_space<vmem>>, vector<16xf32>,
        tpu.vector_store %arg25[%swap3A_722, %swap3A_723], %add3A_720 {strides = array<i32>} : memref<8x768xf32, #tpu.memory_space<vmem>>, vector<16xf32>,
        %get3A_725 = arith.constant 1 : i32
        %get3A_726 = arith.index_cast %get3A_725 : i32 to index
        %get3A_727 = arith.index_cast %mul3A_707 : i32 to index
        %get3A_728 = tpu.vector_load %arg23[%get3A_726, %get3A_727] {strides = array<i32>} : memref<64x768xf32, #tpu.memory_space<vmem>>, vector<16xf32>,
        %sub3A_729 = vector.broadcast %squeeze3A_384 : f32 to vector<16xf32>
        %sub3A_730 = arith.subf %get3A_728, %sub3A_729 : vector<16xf32>
        %mul3A_731 = vector.broadcast %squeeze3A_400 : f32 to vector<16xf32>
        %mul3A_732 = arith.mulf %mul3A_731, %get3A_708 : vector<16xf32>
        %mul3A_733 = arith.mulf %sub3A_730, %mul3A_732 : vector<16xf32>
        %add3A_734 = arith.addf %mul3A_733, %get3A_710 : vector<16xf32>
        %swap3A_735 = arith.constant 1 : i32
        %swap3A_736 = arith.index_cast %swap3A_735 : i32 to index
        %swap3A_737 = arith.index_cast %mul3A_707 : i32 to index
        %swap3A_738 = tpu.vector_load %arg25[%swap3A_736, %swap3A_737] {strides = array<i32>} : memref<8x768xf32, #tpu.memory_space<vmem>>, vector<16xf32>,
        tpu.vector_store %arg25[%swap3A_736, %swap3A_737], %add3A_734 {strides = array<i32>} : memref<8x768xf32, #tpu.memory_space<vmem>>, vector<16xf32>,
        %get3A_739 = arith.constant 2 : i32
        %get3A_740 = arith.index_cast %get3A_739 : i32 to index
        %get3A_741 = arith.index_cast %mul3A_707 : i32 to index
        %get3A_742 = tpu.vector_load %arg23[%get3A_740, %get3A_741] {strides = array<i32>} : memref<64x768xf32, #tpu.memory_space<vmem>>, vector<16xf32>,
        %sub3A_743 = vector.broadcast %squeeze3A_386 : f32 to vector<16xf32>
        %sub3A_744 = arith.subf %get3A_742, %sub3A_743 : vector<16xf32>
        %mul3A_745 = vector.broadcast %squeeze3A_402 : f32 to vector<16xf32>
        %mul3A_746 = arith.mulf %mul3A_745, %get3A_708 : vector<16xf32>
        %mul3A_747 = arith.mulf %sub3A_744, %mul3A_746 : vector<16xf32>
        %add3A_748 = arith.addf %mul3A_747, %get3A_710 : vector<16xf32>
        %swap3A_749 = arith.constant 2 : i32
        %swap3A_750 = arith.index_cast %swap3A_749 : i32 to index
        %swap3A_751 = arith.index_cast %mul3A_707 : i32 to index
        %swap3A_752 = tpu.vector_load %arg25[%swap3A_750, %swap3A_751] {strides = array<i32>} : memref<8x768xf32, #tpu.memory_space<vmem>>, vector<16xf32>,
        tpu.vector_store %arg25[%swap3A_750, %swap3A_751], %add3A_748 {strides = array<i32>} : memref<8x768xf32, #tpu.memory_space<vmem>>, vector<16xf32>,
        %get3A_753 = arith.constant 3 : i32
        %get3A_754 = arith.index_cast %get3A_753 : i32 to index
        %get3A_755 = arith.index_cast %mul3A_707 : i32 to index
        %get3A_756 = tpu.vector_load %arg23[%get3A_754, %get3A_755] {strides = array<i32>} : memref<64x768xf32, #tpu.memory_space<vmem>>, vector<16xf32>,
        %sub3A_757 = vector.broadcast %squeeze3A_388 : f32 to vector<16xf32>
        %sub3A_758 = arith.subf %get3A_756, %sub3A_757 : vector<16xf32>
        %mul3A_759 = vector.broadcast %squeeze3A_404 : f32 to vector<16xf32>
        %mul3A_760 = arith.mulf %mul3A_759, %get3A_708 : vector<16xf32>
        %mul3A_761 = arith.mulf %sub3A_758, %mul3A_760 : vector<16xf32>
        %add3A_762 = arith.addf %mul3A_761, %get3A_710 : vector<16xf32>
        %swap3A_763 = arith.constant 3 : i32
        %swap3A_764 = arith.index_cast %swap3A_763 : i32 to index
        %swap3A_765 = arith.index_cast %mul3A_707 : i32 to index
        %swap3A_766 = tpu.vector_load %arg25[%swap3A_764, %swap3A_765] {strides = array<i32>} : memref<8x768xf32, #tpu.memory_space<vmem>>, vector<16xf32>,
        tpu.vector_store %arg25[%swap3A_764, %swap3A_765], %add3A_762 {strides = array<i32>} : memref<8x768xf32, #tpu.memory_space<vmem>>, vector<16xf32>,
        %get3A_767 = arith.constant 4 : i32
        %get3A_768 = arith.index_cast %get3A_767 : i32 to index
        %get3A_769 = arith.index_cast %mul3A_707 : i32 to index
        %get3A_770 = tpu.vector_load %arg23[%get3A_768, %get3A_769] {strides = array<i32>} : memref<64x768xf32, #tpu.memory_space<vmem>>, vector<16xf32>,
        %sub3A_771 = vector.broadcast %squeeze3A_390 : f32 to vector<16xf32>
        %sub3A_772 = arith.subf %get3A_770, %sub3A_771 : vector<16xf32>
        %mul3A_773 = vector.broadcast %squeeze3A_406 : f32 to vector<16xf32>
        %mul3A_774 = arith.mulf %mul3A_773, %get3A_708 : vector<16xf32>
        %mul3A_775 = arith.mulf %sub3A_772, %mul3A_774 : vector<16xf32>
        %add3A_776 = arith.addf %mul3A_775, %get3A_710 : vector<16xf32>
        %swap3A_777 = arith.constant 4 : i32
        %swap3A_778 = arith.index_cast %swap3A_777 : i32 to index
        %swap3A_779 = arith.index_cast %mul3A_707 : i32 to index
        %swap3A_780 = tpu.vector_load %arg25[%swap3A_778, %swap3A_779] {strides = array<i32>} : memref<8x768xf32, #tpu.memory_space<vmem>>, vector<16xf32>,
        tpu.vector_store %arg25[%swap3A_778, %swap3A_779], %add3A_776 {strides = array<i32>} : memref<8x768xf32, #tpu.memory_space<vmem>>, vector<16xf32>,
        %get3A_781 = arith.constant 5 : i32
        %get3A_782 = arith.index_cast %get3A_781 : i32 to index
        %get3A_783 = arith.index_cast %mul3A_707 : i32 to index
        %get3A_784 = tpu.vector_load %arg23[%get3A_782, %get3A_783] {strides = array<i32>} : memref<64x768xf32, #tpu.memory_space<vmem>>, vector<16xf32>,
        %sub3A_785 = vector.broadcast %squeeze3A_392 : f32 to vector<16xf32>
        %sub3A_786 = arith.subf %get3A_784, %sub3A_785 : vector<16xf32>
        %mul3A_787 = vector.broadcast %squeeze3A_408 : f32 to vector<16xf32>
        %mul3A_788 = arith.mulf %mul3A_787, %get3A_708 : vector<16xf32>
        %mul3A_789 = arith.mulf %sub3A_786, %mul3A_788 : vector<16xf32>
        %add3A_790 = arith.addf %mul3A_789, %get3A_710 : vector<16xf32>
        %swap3A_791 = arith.constant 5 : i32
        %swap3A_792 = arith.index_cast %swap3A_791 : i32 to index
        %swap3A_793 = arith.index_cast %mul3A_707 : i32 to index
        %swap3A_794 = tpu.vector_load %arg25[%swap3A_792, %swap3A_793] {strides = array<i32>} : memref<8x768xf32, #tpu.memory_space<vmem>>, vector<16xf32>,
        tpu.vector_store %arg25[%swap3A_792, %swap3A_793], %add3A_790 {strides = array<i32>} : memref<8x768xf32, #tpu.memory_space<vmem>>, vector<16xf32>,
        %get3A_795 = arith.constant 6 : i32
        %get3A_796 = arith.index_cast %get3A_795 : i32 to index
        %get3A_797 = arith.index_cast %mul3A_707 : i32 to index
        %get3A_798 = tpu.vector_load %arg23[%get3A_796, %get3A_797] {strides = array<i32>} : memref<64x768xf32, #tpu.memory_space<vmem>>, vector<16xf32>,
        %sub3A_799 = vector.broadcast %squeeze3A_394 : f32 to vector<16xf32>
        %sub3A_800 = arith.subf %get3A_798, %sub3A_799 : vector<16xf32>
        %mul3A_801 = vector.broadcast %squeeze3A_410 : f32 to vector<16xf32>
        %mul3A_802 = arith.mulf %mul3A_801, %get3A_708 : vector<16xf32>
        %mul3A_803 = arith.mulf %sub3A_800, %mul3A_802 : vector<16xf32>
        %add3A_804 = arith.addf %mul3A_803, %get3A_710 : vector<16xf32>
        %swap3A_805 = arith.constant 6 : i32
        %swap3A_806 = arith.index_cast %swap3A_805 : i32 to index
        %swap3A_807 = arith.index_cast %mul3A_707 : i32 to index
        %swap3A_808 = tpu.vector_load %arg25[%swap3A_806, %swap3A_807] {strides = array<i32>} : memref<8x768xf32, #tpu.memory_space<vmem>>, vector<16xf32>,
        tpu.vector_store %arg25[%swap3A_806, %swap3A_807], %add3A_804 {strides = array<i32>} : memref<8x768xf32, #tpu.memory_space<vmem>>, vector<16xf32>,
        %get3A_809 = arith.constant 7 : i32
        %get3A_810 = arith.index_cast %get3A_809 : i32 to index
        %get3A_811 = arith.index_cast %mul3A_707 : i32 to index
        %get3A_812 = tpu.vector_load %arg23[%get3A_810, %get3A_811] {strides = array<i32>} : memref<64x768xf32, #tpu.memory_space<vmem>>, vector<16xf32>,
        %sub3A_813 = vector.broadcast %squeeze3A_396 : f32 to vector<16xf32>
        %sub3A_814 = arith.subf %get3A_812, %sub3A_813 : vector<16xf32>
        %mul3A_815 = vector.broadcast %squeeze3A_412 : f32 to vector<16xf32>
        %mul3A_816 = arith.mulf %mul3A_815, %get3A_708 : vector<16xf32>
        %mul3A_817 = arith.mulf %sub3A_814, %mul3A_816 : vector<16xf32>
        %add3A_818 = arith.addf %mul3A_817, %get3A_710 : vector<16xf32>
        %swap3A_819 = arith.constant 7 : i32
        %swap3A_820 = arith.index_cast %swap3A_819 : i32 to index
        %swap3A_821 = arith.index_cast %mul3A_707 : i32 to index
        %swap3A_822 = tpu.vector_load %arg25[%swap3A_820, %swap3A_821] {strides = array<i32>} : memref<8x768xf32, #tpu.memory_space<vmem>>, vector<16xf32>,
        tpu.vector_store %arg25[%swap3A_820, %swap3A_821], %add3A_818 {strides = array<i32>} : memref<8x768xf32, #tpu.memory_space<vmem>>, vector<16xf32>,
      }
      %scan3A_418 = arith.constant 48 : i32
      %mul3A_419 = arith.constant 8 : i32
      %mul3A_420 = arith.muli %mul3A_95, %mul3A_419 : i32
      %add3A_421 = arith.addi %mul3A_2, %mul3A_420 : i32
      %dma_start3A_422 = arith.constant 0 : i32
      %dma_start3A_423 = tpu.memref_slice %arg15[%add3A_421, %dma_start3A_422] : memref<32768x768xf32, #tpu.memory_space<hbm>> -> memref<8x768xf32, #tpu.memory_space<hbm>>
      %dma_start3A_424 = arith.constant 0 : i32
      %dma_start3A_425 = tpu.memref_slice %arg15[%add3A_421, %dma_start3A_424] : memref<32768x768xf32, #tpu.memory_space<hbm>> -> memref<8x768xf32, #tpu.memory_space<hbm>>
      tpu.enqueue_dma source(%arg25 : memref<8x768xf32, #tpu.memory_space<vmem>>) target(%dma_start3A_425 : memref<8x768xf32, #tpu.memory_space<hbm>>) target_semaphore(%arg35 : memref<!tpu.dma_semaphore, #tpu.memory_space<semaphore_mem>>)
      %convert_element_type3A_426 = arith.extui %lt3A_96 : i1 to i32
      %cond3A_427 = arith.constant 0 : i32
      %cond3A_428 = arith.cmpi ne, %convert_element_type3A_426, %cond3A_427 : i32
      scf.if %cond3A_428 {
        %add3A_705 = arith.constant 2 : i32
        %add3A_706 = arith.addi %mul3A_95, %add3A_705 : i32
        %mul3A_707 = arith.constant 8 : i32
        %mul3A_708 = arith.muli %add3A_706, %mul3A_707 : i32
        %add3A_709 = arith.addi %mul3A_2, %mul3A_708 : i32
        %rem3A_710 = arith.constant 512 : i32
        %rem3A_711 = arith.remsi %add3A_709, %rem3A_710 : i32
        %dma_start3A_712 = arith.constant 0 : i32
        %dma_start3A_713 = arith.constant 0 : i32
        %dma_start3A_714 = tpu.memref_slice %arg23[%dma_start3A_712, %dma_start3A_713] : memref<64x768xf32, #tpu.memory_space<vmem>> -> memref<8x768xf32, #tpu.memory_space<vmem>>
        %dma_start3A_715 = arith.constant 0 : i32
        %dma_start3A_716 = tpu.memref_slice %arg8[%rem3A_711, %dma_start3A_715] : memref<512x768xf32, #tpu.memory_space<hbm>> -> memref<8x768xf32, #tpu.memory_space<hbm>>
        %dma_start3A_717 = arith.constant 0 : i32
        %dma_start3A_718 = arith.constant 0 : i32
        %dma_start3A_719 = tpu.memref_slice %arg23[%dma_start3A_717, %dma_start3A_718] : memref<64x768xf32, #tpu.memory_space<vmem>> -> memref<8x768xf32, #tpu.memory_space<vmem>>
        %dma_start3A_720 = arith.constant 0 : i32
        %dma_start3A_721 = tpu.memref_slice %arg8[%rem3A_711, %dma_start3A_720] : memref<512x768xf32, #tpu.memory_space<hbm>> -> memref<8x768xf32, #tpu.memory_space<hbm>>
        tpu.enqueue_dma source(%dma_start3A_721 : memref<8x768xf32, #tpu.memory_space<hbm>>) target(%dma_start3A_719 : memref<8x768xf32, #tpu.memory_space<vmem>>) target_semaphore(%arg33 : memref<!tpu.dma_semaphore, #tpu.memory_space<semaphore_mem>>)
        %dma_start3A_722 = arith.constant 8 : i32
        %dma_start3A_723 = arith.constant 0 : i32
        %dma_start3A_724 = tpu.memref_slice %arg23[%dma_start3A_722, %dma_start3A_723] : memref<64x768xf32, #tpu.memory_space<vmem>> -> memref<8x768xf32, #tpu.memory_space<vmem>>
        %dma_start3A_725 = tpu.memref_slice %arg16[%mul3A_708] : memref<1024xi32, #tpu.memory_space<vmem>> -> memref<8xi32, #tpu.memory_space<vmem>>
        %dma_start3A_726 = arith.constant 0 : i32
        %dma_start3A_727 = arith.constant 0 : i32
        %dma_start3A_728 = tpu.memref_slice %arg7[%dma_start3A_726, %dma_start3A_727] : memref<30522x768xf32, #tpu.memory_space<hbm>> -> memref<30522x768xf32, #tpu.memory_space<hbm>>
        tpu.enqueue_indirect_dma source(%dma_start3A_728 : memref<30522x768xf32, #tpu.memory_space<hbm>>) target(%dma_start3A_724 : memref<8x768xf32, #tpu.memory_space<vmem>>) offsets(%dma_start3A_725 : memref<8xi32, #tpu.memory_space<vmem>>) semaphore(%arg33 : memref<!tpu.dma_semaphore, #tpu.memory_space<semaphore_mem>>)
        %dma_start3A_729 = arith.constant 16 : i32
        %dma_start3A_730 = arith.constant 0 : i32
        %dma_start3A_731 = tpu.memref_slice %arg23[%dma_start3A_729, %dma_start3A_730] : memref<64x768xf32, #tpu.memory_space<vmem>> -> memref<8x768xf32, #tpu.memory_space<vmem>>
        %dma_start3A_732 = tpu.memref_slice %arg17[%mul3A_708] : memref<1024xi32, #tpu.memory_space<vmem>> -> memref<8xi32, #tpu.memory_space<vmem>>
        %dma_start3A_733 = arith.constant 0 : i32
        %dma_start3A_734 = arith.constant 0 : i32
        %dma_start3A_735 = tpu.memref_slice %arg9[%dma_start3A_733, %dma_start3A_734] : memref<1024x768xf32, #tpu.memory_space<hbm>> -> memref<1024x768xf32, #tpu.memory_space<hbm>>
        tpu.enqueue_indirect_dma source(%dma_start3A_735 : memref<1024x768xf32, #tpu.memory_space<hbm>>) target(%dma_start3A_731 : memref<8x768xf32, #tpu.memory_space<vmem>>) offsets(%dma_start3A_732 : memref<8xi32, #tpu.memory_space<vmem>>) semaphore(%arg33 : memref<!tpu.dma_semaphore, #tpu.memory_space<semaphore_mem>>)
        %dma_start3A_736 = arith.constant 24 : i32
        %dma_start3A_737 = arith.constant 0 : i32
        %dma_start3A_738 = tpu.memref_slice %arg23[%dma_start3A_736, %dma_start3A_737] : memref<64x768xf32, #tpu.memory_space<vmem>> -> memref<8x768xf32, #tpu.memory_space<vmem>>
        %dma_start3A_739 = tpu.memref_slice %arg18[%mul3A_708] : memref<1024xi32, #tpu.memory_space<vmem>> -> memref<8xi32, #tpu.memory_space<vmem>>
        %dma_start3A_740 = arith.constant 0 : i32
        %dma_start3A_741 = arith.constant 0 : i32
        %dma_start3A_742 = tpu.memref_slice %arg10[%dma_start3A_740, %dma_start3A_741] : memref<1024x768xf32, #tpu.memory_space<hbm>> -> memref<1024x768xf32, #tpu.memory_space<hbm>>
        tpu.enqueue_indirect_dma source(%dma_start3A_742 : memref<1024x768xf32, #tpu.memory_space<hbm>>) target(%dma_start3A_738 : memref<8x768xf32, #tpu.memory_space<vmem>>) offsets(%dma_start3A_739 : memref<8xi32, #tpu.memory_space<vmem>>) semaphore(%arg33 : memref<!tpu.dma_semaphore, #tpu.memory_space<semaphore_mem>>)
        %dma_start3A_743 = arith.constant 32 : i32
        %dma_start3A_744 = arith.constant 0 : i32
        %dma_start3A_745 = tpu.memref_slice %arg23[%dma_start3A_743, %dma_start3A_744] : memref<64x768xf32, #tpu.memory_space<vmem>> -> memref<8x768xf32, #tpu.memory_space<vmem>>
        %dma_start3A_746 = tpu.memref_slice %arg19[%mul3A_708] : memref<1024xi32, #tpu.memory_space<vmem>> -> memref<8xi32, #tpu.memory_space<vmem>>
        %dma_start3A_747 = arith.constant 0 : i32
        %dma_start3A_748 = arith.constant 0 : i32
        %dma_start3A_749 = tpu.memref_slice %arg9[%dma_start3A_747, %dma_start3A_748] : memref<1024x768xf32, #tpu.memory_space<hbm>> -> memref<1024x768xf32, #tpu.memory_space<hbm>>
        tpu.enqueue_indirect_dma source(%dma_start3A_749 : memref<1024x768xf32, #tpu.memory_space<hbm>>) target(%dma_start3A_745 : memref<8x768xf32, #tpu.memory_space<vmem>>) offsets(%dma_start3A_746 : memref<8xi32, #tpu.memory_space<vmem>>) semaphore(%arg33 : memref<!tpu.dma_semaphore, #tpu.memory_space<semaphore_mem>>)
        %dma_start3A_750 = arith.constant 40 : i32
        %dma_start3A_751 = arith.constant 0 : i32
        %dma_start3A_752 = tpu.memref_slice %arg23[%dma_start3A_750, %dma_start3A_751] : memref<64x768xf32, #tpu.memory_space<vmem>> -> memref<8x768xf32, #tpu.memory_space<vmem>>
        %dma_start3A_753 = tpu.memref_slice %arg20[%mul3A_708] : memref<1024xi32, #tpu.memory_space<vmem>> -> memref<8xi32, #tpu.memory_space<vmem>>
        %dma_start3A_754 = arith.constant 0 : i32
        %dma_start3A_755 = arith.constant 0 : i32
        %dma_start3A_756 = tpu.memref_slice %arg10[%dma_start3A_754, %dma_start3A_755] : memref<1024x768xf32, #tpu.memory_space<hbm>> -> memref<1024x768xf32, #tpu.memory_space<hbm>>
        tpu.enqueue_indirect_dma source(%dma_start3A_756 : memref<1024x768xf32, #tpu.memory_space<hbm>>) target(%dma_start3A_752 : memref<8x768xf32, #tpu.memory_space<vmem>>) offsets(%dma_start3A_753 : memref<8xi32, #tpu.memory_space<vmem>>) semaphore(%arg33 : memref<!tpu.dma_semaphore, #tpu.memory_space<semaphore_mem>>)
        %dma_start3A_757 = arith.constant 48 : i32
        %dma_start3A_758 = arith.constant 0 : i32
        %dma_start3A_759 = tpu.memref_slice %arg23[%dma_start3A_757, %dma_start3A_758] : memref<64x768xf32, #tpu.memory_space<vmem>> -> memref<8x768xf32, #tpu.memory_space<vmem>>
        %dma_start3A_760 = tpu.memref_slice %arg21[%mul3A_708] : memref<1024xi32, #tpu.memory_space<vmem>> -> memref<8xi32, #tpu.memory_space<vmem>>
        %dma_start3A_761 = arith.constant 0 : i32
        %dma_start3A_762 = arith.constant 0 : i32
        %dma_start3A_763 = tpu.memref_slice %arg11[%dma_start3A_761, %dma_start3A_762] : memref<1024x768xf32, #tpu.memory_space<hbm>> -> memref<1024x768xf32, #tpu.memory_space<hbm>>
        tpu.enqueue_indirect_dma source(%dma_start3A_763 : memref<1024x768xf32, #tpu.memory_space<hbm>>) target(%dma_start3A_759 : memref<8x768xf32, #tpu.memory_space<vmem>>) offsets(%dma_start3A_760 : memref<8xi32, #tpu.memory_space<vmem>>) semaphore(%arg33 : memref<!tpu.dma_semaphore, #tpu.memory_space<semaphore_mem>>)
        %dma_start3A_764 = arith.constant 56 : i32
        %dma_start3A_765 = arith.constant 0 : i32
        %dma_start3A_766 = tpu.memref_slice %arg23[%dma_start3A_764, %dma_start3A_765] : memref<64x768xf32, #tpu.memory_space<vmem>> -> memref<8x768xf32, #tpu.memory_space<vmem>>
        %dma_start3A_767 = tpu.memref_slice %arg22[%mul3A_708] : memref<1024xi32, #tpu.memory_space<vmem>> -> memref<8xi32, #tpu.memory_space<vmem>>
        %dma_start3A_768 = arith.constant 0 : i32
        %dma_start3A_769 = arith.constant 0 : i32
        %dma_start3A_770 = tpu.memref_slice %arg12[%dma_start3A_768, %dma_start3A_769] : memref<1024x768xf32, #tpu.memory_space<hbm>> -> memref<1024x768xf32, #tpu.memory_space<hbm>>
        tpu.enqueue_indirect_dma source(%dma_start3A_770 : memref<1024x768xf32, #tpu.memory_space<hbm>>) target(%dma_start3A_766 : memref<8x768xf32, #tpu.memory_space<vmem>>) offsets(%dma_start3A_767 : memref<8xi32, #tpu.memory_space<vmem>>) semaphore(%arg33 : memref<!tpu.dma_semaphore, #tpu.memory_space<semaphore_mem>>)
      } else {
      }
      %dma_wait3A_429 = arith.constant 0 : i32
      %dma_wait3A_430 = arith.constant 0 : i32
      %dma_wait3A_431 = tpu.memref_slice %arg24[%dma_wait3A_429, %dma_wait3A_430] : memref<64x768xf32, #tpu.memory_space<vmem>> -> memref<8x768xf32, #tpu.memory_space<vmem>>
      %dma_wait3A_432 = arith.constant 0 : i32
      %dma_wait3A_433 = arith.constant 0 : i32
      %dma_wait3A_434 = tpu.memref_slice %arg8[%dma_wait3A_432, %dma_wait3A_433] : memref<512x768xf32, #tpu.memory_space<hbm>> -> memref<8x768xf32, #tpu.memory_space<hbm>>
      %dma_wait3A_435 = arith.constant 0 : i32
      %dma_wait3A_436 = arith.constant 0 : i32
      %dma_wait3A_437 = tpu.memref_slice %arg24[%dma_wait3A_435, %dma_wait3A_436] : memref<64x768xf32, #tpu.memory_space<vmem>> -> memref<8x768xf32, #tpu.memory_space<vmem>>
      %dma_wait3A_438 = arith.constant 0 : i32
      %dma_wait3A_439 = arith.constant 0 : i32
      %dma_wait3A_440 = tpu.memref_slice %arg8[%dma_wait3A_438, %dma_wait3A_439] : memref<512x768xf32, #tpu.memory_space<hbm>> -> memref<8x768xf32, #tpu.memory_space<hbm>>
      tpu.wait_dma2 semaphore(%arg34 : memref<!tpu.dma_semaphore, #tpu.memory_space<semaphore_mem>>) src(%dma_wait3A_440 : memref<8x768xf32, #tpu.memory_space<hbm>>) dst(%dma_wait3A_437 : memref<8x768xf32, #tpu.memory_space<vmem>>)
      %dma_wait3A_441 = arith.constant 0 : i32
      %dma_wait3A_442 = arith.constant 0 : i32
      %dma_wait3A_443 = tpu.memref_slice %arg24[%dma_wait3A_441, %dma_wait3A_442] : memref<64x768xf32, #tpu.memory_space<vmem>> -> memref<8x768xf32, #tpu.memory_space<vmem>>
      %dma_wait3A_444 = arith.constant 0 : i32
      %dma_wait3A_445 = arith.constant 0 : i32
      %dma_wait3A_446 = tpu.memref_slice %arg8[%dma_wait3A_444, %dma_wait3A_445] : memref<512x768xf32, #tpu.memory_space<hbm>> -> memref<8x768xf32, #tpu.memory_space<hbm>>
      %dma_wait3A_447 = arith.constant 0 : i32
      %dma_wait3A_448 = arith.constant 0 : i32
      %dma_wait3A_449 = tpu.memref_slice %arg24[%dma_wait3A_447, %dma_wait3A_448] : memref<64x768xf32, #tpu.memory_space<vmem>> -> memref<8x768xf32, #tpu.memory_space<vmem>>
      %dma_wait3A_450 = arith.constant 0 : i32
      %dma_wait3A_451 = arith.constant 0 : i32
      %dma_wait3A_452 = tpu.memref_slice %arg8[%dma_wait3A_450, %dma_wait3A_451] : memref<512x768xf32, #tpu.memory_space<hbm>> -> memref<8x768xf32, #tpu.memory_space<hbm>>
      tpu.wait_dma2 semaphore(%arg34 : memref<!tpu.dma_semaphore, #tpu.memory_space<semaphore_mem>>) src(%dma_wait3A_452 : memref<8x768xf32, #tpu.memory_space<hbm>>) dst(%dma_wait3A_449 : memref<8x768xf32, #tpu.memory_space<vmem>>)
      %dma_wait3A_453 = arith.constant 0 : i32
      %dma_wait3A_454 = arith.constant 0 : i32
      %dma_wait3A_455 = tpu.memref_slice %arg24[%dma_wait3A_453, %dma_wait3A_454] : memref<64x768xf32, #tpu.memory_space<vmem>> -> memref<8x768xf32, #tpu.memory_space<vmem>>
      %dma_wait3A_456 = arith.constant 0 : i32
      %dma_wait3A_457 = arith.constant 0 : i32
      %dma_wait3A_458 = tpu.memref_slice %arg8[%dma_wait3A_456, %dma_wait3A_457] : memref<512x768xf32, #tpu.memory_space<hbm>> -> memref<8x768xf32, #tpu.memory_space<hbm>>
      %dma_wait3A_459 = arith.constant 0 : i32
      %dma_wait3A_460 = arith.constant 0 : i32
      %dma_wait3A_461 = tpu.memref_slice %arg24[%dma_wait3A_459, %dma_wait3A_460] : memref<64x768xf32, #tpu.memory_space<vmem>> -> memref<8x768xf32, #tpu.memory_space<vmem>>
      %dma_wait3A_462 = arith.constant 0 : i32
      %dma_wait3A_463 = arith.constant 0 : i32
      %dma_wait3A_464 = tpu.memref_slice %arg8[%dma_wait3A_462, %dma_wait3A_463] : memref<512x768xf32, #tpu.memory_space<hbm>> -> memref<8x768xf32, #tpu.memory_space<hbm>>
      tpu.wait_dma2 semaphore(%arg34 : memref<!tpu.dma_semaphore, #tpu.memory_space<semaphore_mem>>) src(%dma_wait3A_464 : memref<8x768xf32, #tpu.memory_space<hbm>>) dst(%dma_wait3A_461 : memref<8x768xf32, #tpu.memory_space<vmem>>)
      %dma_wait3A_465 = arith.constant 0 : i32
      %dma_wait3A_466 = arith.constant 0 : i32
      %dma_wait3A_467 = tpu.memref_slice %arg24[%dma_wait3A_465, %dma_wait3A_466] : memref<64x768xf32, #tpu.memory_space<vmem>> -> memref<8x768xf32, #tpu.memory_space<vmem>>
      %dma_wait3A_468 = arith.constant 0 : i32
      %dma_wait3A_469 = arith.constant 0 : i32
      %dma_wait3A_470 = tpu.memref_slice %arg8[%dma_wait3A_468, %dma_wait3A_469] : memref<512x768xf32, #tpu.memory_space<hbm>> -> memref<8x768xf32, #tpu.memory_space<hbm>>
      %dma_wait3A_471 = arith.constant 0 : i32
      %dma_wait3A_472 = arith.constant 0 : i32
      %dma_wait3A_473 = tpu.memref_slice %arg24[%dma_wait3A_471, %dma_wait3A_472] : memref<64x768xf32, #tpu.memory_space<vmem>> -> memref<8x768xf32, #tpu.memory_space<vmem>>
      %dma_wait3A_474 = arith.constant 0 : i32
      %dma_wait3A_475 = arith.constant 0 : i32
      %dma_wait3A_476 = tpu.memref_slice %arg8[%dma_wait3A_474, %dma_wait3A_475] : memref<512x768xf32, #tpu.memory_space<hbm>> -> memref<8x768xf32, #tpu.memory_space<hbm>>
      tpu.wait_dma2 semaphore(%arg34 : memref<!tpu.dma_semaphore, #tpu.memory_space<semaphore_mem>>) src(%dma_wait3A_476 : memref<8x768xf32, #tpu.memory_space<hbm>>) dst(%dma_wait3A_473 : memref<8x768xf32, #tpu.memory_space<vmem>>)
      %dma_wait3A_477 = arith.constant 0 : i32
      %dma_wait3A_478 = arith.constant 0 : i32
      %dma_wait3A_479 = tpu.memref_slice %arg24[%dma_wait3A_477, %dma_wait3A_478] : memref<64x768xf32, #tpu.memory_space<vmem>> -> memref<8x768xf32, #tpu.memory_space<vmem>>
      %dma_wait3A_480 = arith.constant 0 : i32
      %dma_wait3A_481 = arith.constant 0 : i32
      %dma_wait3A_482 = tpu.memref_slice %arg8[%dma_wait3A_480, %dma_wait3A_481] : memref<512x768xf32, #tpu.memory_space<hbm>> -> memref<8x768xf32, #tpu.memory_space<hbm>>
      %dma_wait3A_483 = arith.constant 0 : i32
      %dma_wait3A_484 = arith.constant 0 : i32
      %dma_wait3A_485 = tpu.memref_slice %arg24[%dma_wait3A_483, %dma_wait3A_484] : memref<64x768xf32, #tpu.memory_space<vmem>> -> memref<8x768xf32, #tpu.memory_space<vmem>>
      %dma_wait3A_486 = arith.constant 0 : i32
      %dma_wait3A_487 = arith.constant 0 : i32
      %dma_wait3A_488 = tpu.memref_slice %arg8[%dma_wait3A_486, %dma_wait3A_487] : memref<512x768xf32, #tpu.memory_space<hbm>> -> memref<8x768xf32, #tpu.memory_space<hbm>>
      tpu.wait_dma2 semaphore(%arg34 : memref<!tpu.dma_semaphore, #tpu.memory_space<semaphore_mem>>) src(%dma_wait3A_488 : memref<8x768xf32, #tpu.memory_space<hbm>>) dst(%dma_wait3A_485 : memref<8x768xf32, #tpu.memory_space<vmem>>)
      %dma_wait3A_489 = arith.constant 0 : i32
      %dma_wait3A_490 = arith.constant 0 : i32
      %dma_wait3A_491 = tpu.memref_slice %arg24[%dma_wait3A_489, %dma_wait3A_490] : memref<64x768xf32, #tpu.memory_space<vmem>> -> memref<8x768xf32, #tpu.memory_space<vmem>>
      %dma_wait3A_492 = arith.constant 0 : i32
      %dma_wait3A_493 = arith.constant 0 : i32
      %dma_wait3A_494 = tpu.memref_slice %arg8[%dma_wait3A_492, %dma_wait3A_493] : memref<512x768xf32, #tpu.memory_space<hbm>> -> memref<8x768xf32, #tpu.memory_space<hbm>>
      %dma_wait3A_495 = arith.constant 0 : i32
      %dma_wait3A_496 = arith.constant 0 : i32
      %dma_wait3A_497 = tpu.memref_slice %arg24[%dma_wait3A_495, %dma_wait3A_496] : memref<64x768xf32, #tpu.memory_space<vmem>> -> memref<8x768xf32, #tpu.memory_space<vmem>>
      %dma_wait3A_498 = arith.constant 0 : i32
      %dma_wait3A_499 = arith.constant 0 : i32
      %dma_wait3A_500 = tpu.memref_slice %arg8[%dma_wait3A_498, %dma_wait3A_499] : memref<512x768xf32, #tpu.memory_space<hbm>> -> memref<8x768xf32, #tpu.memory_space<hbm>>
      tpu.wait_dma2 semaphore(%arg34 : memref<!tpu.dma_semaphore, #tpu.memory_space<semaphore_mem>>) src(%dma_wait3A_500 : memref<8x768xf32, #tpu.memory_space<hbm>>) dst(%dma_wait3A_497 : memref<8x768xf32, #tpu.memory_space<vmem>>)
      %dma_wait3A_501 = arith.constant 0 : i32
      %dma_wait3A_502 = arith.constant 0 : i32
      %dma_wait3A_503 = tpu.memref_slice %arg24[%dma_wait3A_501, %dma_wait3A_502] : memref<64x768xf32, #tpu.memory_space<vmem>> -> memref<8x768xf32, #tpu.memory_space<vmem>>
      %dma_wait3A_504 = arith.constant 0 : i32
      %dma_wait3A_505 = arith.constant 0 : i32
      %dma_wait3A_506 = tpu.memref_slice %arg8[%dma_wait3A_504, %dma_wait3A_505] : memref<512x768xf32, #tpu.memory_space<hbm>> -> memref<8x768xf32, #tpu.memory_space<hbm>>
      %dma_wait3A_507 = arith.constant 0 : i32
      %dma_wait3A_508 = arith.constant 0 : i32
      %dma_wait3A_509 = tpu.memref_slice %arg24[%dma_wait3A_507, %dma_wait3A_508] : memref<64x768xf32, #tpu.memory_space<vmem>> -> memref<8x768xf32, #tpu.memory_space<vmem>>
      %dma_wait3A_510 = arith.constant 0 : i32
      %dma_wait3A_511 = arith.constant 0 : i32
      %dma_wait3A_512 = tpu.memref_slice %arg8[%dma_wait3A_510, %dma_wait3A_511] : memref<512x768xf32, #tpu.memory_space<hbm>> -> memref<8x768xf32, #tpu.memory_space<hbm>>
      tpu.wait_dma2 semaphore(%arg34 : memref<!tpu.dma_semaphore, #tpu.memory_space<semaphore_mem>>) src(%dma_wait3A_512 : memref<8x768xf32, #tpu.memory_space<hbm>>) dst(%dma_wait3A_509 : memref<8x768xf32, #tpu.memory_space<vmem>>)
      %dma_wait3A_513 = arith.constant 0 : i32
      %dma_wait3A_514 = arith.constant 0 : i32
      %dma_wait3A_515 = tpu.memref_slice %arg24[%dma_wait3A_513, %dma_wait3A_514] : memref<64x768xf32, #tpu.memory_space<vmem>> -> memref<8x768xf32, #tpu.memory_space<vmem>>
      %dma_wait3A_516 = arith.constant 0 : i32
      %dma_wait3A_517 = arith.constant 0 : i32
      %dma_wait3A_518 = tpu.memref_slice %arg8[%dma_wait3A_516, %dma_wait3A_517] : memref<512x768xf32, #tpu.memory_space<hbm>> -> memref<8x768xf32, #tpu.memory_space<hbm>>
      %dma_wait3A_519 = arith.constant 0 : i32
      %dma_wait3A_520 = arith.constant 0 : i32
      %dma_wait3A_521 = tpu.memref_slice %arg24[%dma_wait3A_519, %dma_wait3A_520] : memref<64x768xf32, #tpu.memory_space<vmem>> -> memref<8x768xf32, #tpu.memory_space<vmem>>
      %dma_wait3A_522 = arith.constant 0 : i32
      %dma_wait3A_523 = arith.constant 0 : i32
      %dma_wait3A_524 = tpu.memref_slice %arg8[%dma_wait3A_522, %dma_wait3A_523] : memref<512x768xf32, #tpu.memory_space<hbm>> -> memref<8x768xf32, #tpu.memory_space<hbm>>
      tpu.wait_dma2 semaphore(%arg34 : memref<!tpu.dma_semaphore, #tpu.memory_space<semaphore_mem>>) src(%dma_wait3A_524 : memref<8x768xf32, #tpu.memory_space<hbm>>) dst(%dma_wait3A_521 : memref<8x768xf32, #tpu.memory_space<vmem>>)
      %add3A_525 = arith.constant 1 : i32
      %add3A_526 = arith.addi %mul3A_95, %add3A_525 : i32
      %eq3A_527 = arith.constant 0 : i32
      %eq3A_528 = arith.cmpi eq, %scan3A_93, %eq3A_527 : i32
      %not3A_529 = arith.constant true
      %not3A_530 = arith.xori %eq3A_528, %not3A_529 : i1
      %convert_element_type3A_531 = arith.extui %not3A_530 : i1 to i32
      %cond3A_532 = arith.constant 0 : i32
      %cond3A_533 = arith.cmpi ne, %convert_element_type3A_531, %cond3A_532 : i32
      scf.if %cond3A_533 {
        %dma_wait3A_705 = arith.constant 0 : i32
        %dma_wait3A_706 = arith.constant 0 : i32
        %dma_wait3A_707 = tpu.memref_slice %arg15[%dma_wait3A_705, %dma_wait3A_706] : memref<32768x768xf32, #tpu.memory_space<hbm>> -> memref<8x768xf32, #tpu.memory_space<hbm>>
        %dma_wait3A_708 = arith.constant 0 : i32
        %dma_wait3A_709 = arith.constant 0 : i32
        %dma_wait3A_710 = tpu.memref_slice %arg15[%dma_wait3A_708, %dma_wait3A_709] : memref<32768x768xf32, #tpu.memory_space<hbm>> -> memref<8x768xf32, #tpu.memory_space<hbm>>
        tpu.wait_dma2 semaphore(%arg36 : memref<!tpu.dma_semaphore, #tpu.memory_space<semaphore_mem>>) src(%arg26 : memref<8x768xf32, #tpu.memory_space<vmem>>) dst(%dma_wait3A_710 : memref<8x768xf32, #tpu.memory_space<hbm>>)
      } else {
      }
      %broadcast_in_dim3A_534 = arith.constant 0.000000e+00 : f32
      %broadcast_in_dim3A_535 = vector.broadcast %broadcast_in_dim3A_534 : f32 to vector<16xf32>
      %scan3A_536 = arith.constant 0 : i32
      %scan3A_537 = arith.constant 48 : i32
      %scan3A_538 = arith.addi %scan3A_536, %scan3A_537 : i32
      %scan3A_539 = arith.constant 1 : i32
      %scan3A_540:8 = scf.for %scan3A_705 = %scan3A_536 to %scan3A_538 step %scan3A_539 iter_args(%scan3A_706 = %broadcast_in_dim3A_535, %scan3A_707 = %broadcast_in_dim3A_535, %scan3A_708 = %broadcast_in_dim3A_535, %scan3A_709 = %broadcast_in_dim3A_535, %scan3A_710 = %broadcast_in_dim3A_535, %scan3A_711 = %broadcast_in_dim3A_535, %scan3A_712 = %broadcast_in_dim3A_535, %scan3A_713 = %broadcast_in_dim3A_535) -> (vector<16xf32>, vector<16xf32>, vector<16xf32>, vector<16xf32>, vector<16xf32>, vector<16xf32>, vector<16xf32>, vector<16xf32>)  : i32 {
        %mul3A_714 = arith.constant 16 : i32
        %mul3A_715 = arith.muli %scan3A_705, %mul3A_714 : i32
        %get3A = arith.constant 0 : i32
        %get3A_716 = arith.index_cast %get3A : i32 to index
        %get3A_717 = arith.index_cast %mul3A_715 : i32 to index
        %get3A_718 = tpu.vector_load %arg24[%get3A_716, %get3A_717] {strides = array<i32>} : memref<64x768xf32, #tpu.memory_space<vmem>>, vector<16xf32>,
        %get3A_719 = arith.constant 8 : i32
        %get3A_720 = arith.index_cast %get3A_719 : i32 to index
        %get3A_721 = arith.index_cast %mul3A_715 : i32 to index
        %get3A_722 = tpu.vector_load %arg24[%get3A_720, %get3A_721] {strides = array<i32>} : memref<64x768xf32, #tpu.memory_space<vmem>>, vector<16xf32>,
        %add3A_723 = arith.addf %get3A_718, %get3A_722 : vector<16xf32>
        %get3A_724 = arith.constant 16 : i32
        %get3A_725 = arith.index_cast %get3A_724 : i32 to index
        %get3A_726 = arith.index_cast %mul3A_715 : i32 to index
        %get3A_727 = tpu.vector_load %arg24[%get3A_725, %get3A_726] {strides = array<i32>} : memref<64x768xf32, #tpu.memory_space<vmem>>, vector<16xf32>,
        %get3A_728 = arith.constant 24 : i32
        %get3A_729 = arith.index_cast %get3A_728 : i32 to index
        %get3A_730 = arith.index_cast %mul3A_715 : i32 to index
        %get3A_731 = tpu.vector_load %arg24[%get3A_729, %get3A_730] {strides = array<i32>} : memref<64x768xf32, #tpu.memory_space<vmem>>, vector<16xf32>,
        %add3A_732 = arith.addf %get3A_727, %get3A_731 : vector<16xf32>
        %add3A_733 = arith.addf %add3A_723, %add3A_732 : vector<16xf32>
        %get3A_734 = arith.constant 32 : i32
        %get3A_735 = arith.index_cast %get3A_734 : i32 to index
        %get3A_736 = arith.index_cast %mul3A_715 : i32 to index
        %get3A_737 = tpu.vector_load %arg24[%get3A_735, %get3A_736] {strides = array<i32>} : memref<64x768xf32, #tpu.memory_space<vmem>>, vector<16xf32>,
        %get3A_738 = arith.constant 40 : i32
        %get3A_739 = arith.index_cast %get3A_738 : i32 to index
        %get3A_740 = arith.index_cast %mul3A_715 : i32 to index
        %get3A_741 = tpu.vector_load %arg24[%get3A_739, %get3A_740] {strides = array<i32>} : memref<64x768xf32, #tpu.memory_space<vmem>>, vector<16xf32>,
        %add3A_742 = arith.addf %get3A_737, %get3A_741 : vector<16xf32>
        %get3A_743 = arith.constant 48 : i32
        %get3A_744 = arith.index_cast %get3A_743 : i32 to index
        %get3A_745 = arith.index_cast %mul3A_715 : i32 to index
        %get3A_746 = tpu.vector_load %arg24[%get3A_744, %get3A_745] {strides = array<i32>} : memref<64x768xf32, #tpu.memory_space<vmem>>, vector<16xf32>,
        %get3A_747 = arith.constant 56 : i32
        %get3A_748 = arith.index_cast %get3A_747 : i32 to index
        %get3A_749 = arith.index_cast %mul3A_715 : i32 to index
        %get3A_750 = tpu.vector_load %arg24[%get3A_748, %get3A_749] {strides = array<i32>} : memref<64x768xf32, #tpu.memory_space<vmem>>, vector<16xf32>,
        %add3A_751 = arith.addf %get3A_746, %get3A_750 : vector<16xf32>
        %add3A_752 = arith.addf %add3A_742, %add3A_751 : vector<16xf32>
        %add3A_753 = arith.addf %add3A_733, %add3A_752 : vector<16xf32>
        %swap3A_754 = arith.constant 0 : i32
        %swap3A_755 = arith.index_cast %swap3A_754 : i32 to index
        %swap3A_756 = arith.index_cast %mul3A_715 : i32 to index
        %swap3A_757 = tpu.vector_load %arg24[%swap3A_755, %swap3A_756] {strides = array<i32>} : memref<64x768xf32, #tpu.memory_space<vmem>>, vector<16xf32>,
        tpu.vector_store %arg24[%swap3A_755, %swap3A_756], %add3A_753 {strides = array<i32>} : memref<64x768xf32, #tpu.memory_space<vmem>>, vector<16xf32>,
        %add3A_758 = arith.addf %scan3A_706, %add3A_753 : vector<16xf32>
        %mul3A_759 = arith.mulf %add3A_753, %add3A_753 : vector<16xf32>
        %add3A_760 = arith.addf %scan3A_710, %mul3A_759 : vector<16xf32>
        %get3A_761 = arith.constant 1 : i32
        %get3A_762 = arith.index_cast %get3A_761 : i32 to index
        %get3A_763 = arith.index_cast %mul3A_715 : i32 to index
        %get3A_764 = tpu.vector_load %arg24[%get3A_762, %get3A_763] {strides = array<i32>} : memref<64x768xf32, #tpu.memory_space<vmem>>, vector<16xf32>,
        %get3A_765 = arith.constant 9 : i32
        %get3A_766 = arith.index_cast %get3A_765 : i32 to index
        %get3A_767 = arith.index_cast %mul3A_715 : i32 to index
        %get3A_768 = tpu.vector_load %arg24[%get3A_766, %get3A_767] {strides = array<i32>} : memref<64x768xf32, #tpu.memory_space<vmem>>, vector<16xf32>,
        %add3A_769 = arith.addf %get3A_764, %get3A_768 : vector<16xf32>
        %get3A_770 = arith.constant 17 : i32
        %get3A_771 = arith.index_cast %get3A_770 : i32 to index
        %get3A_772 = arith.index_cast %mul3A_715 : i32 to index
        %get3A_773 = tpu.vector_load %arg24[%get3A_771, %get3A_772] {strides = array<i32>} : memref<64x768xf32, #tpu.memory_space<vmem>>, vector<16xf32>,
        %get3A_774 = arith.constant 25 : i32
        %get3A_775 = arith.index_cast %get3A_774 : i32 to index
        %get3A_776 = arith.index_cast %mul3A_715 : i32 to index
        %get3A_777 = tpu.vector_load %arg24[%get3A_775, %get3A_776] {strides = array<i32>} : memref<64x768xf32, #tpu.memory_space<vmem>>, vector<16xf32>,
        %add3A_778 = arith.addf %get3A_773, %get3A_777 : vector<16xf32>
        %add3A_779 = arith.addf %add3A_769, %add3A_778 : vector<16xf32>
        %get3A_780 = arith.constant 33 : i32
        %get3A_781 = arith.index_cast %get3A_780 : i32 to index
        %get3A_782 = arith.index_cast %mul3A_715 : i32 to index
        %get3A_783 = tpu.vector_load %arg24[%get3A_781, %get3A_782] {strides = array<i32>} : memref<64x768xf32, #tpu.memory_space<vmem>>, vector<16xf32>,
        %get3A_784 = arith.constant 41 : i32
        %get3A_785 = arith.index_cast %get3A_784 : i32 to index
        %get3A_786 = arith.index_cast %mul3A_715 : i32 to index
        %get3A_787 = tpu.vector_load %arg24[%get3A_785, %get3A_786] {strides = array<i32>} : memref<64x768xf32, #tpu.memory_space<vmem>>, vector<16xf32>,
        %add3A_788 = arith.addf %get3A_783, %get3A_787 : vector<16xf32>
        %get3A_789 = arith.constant 49 : i32
        %get3A_790 = arith.index_cast %get3A_789 : i32 to index
        %get3A_791 = arith.index_cast %mul3A_715 : i32 to index
        %get3A_792 = tpu.vector_load %arg24[%get3A_790, %get3A_791] {strides = array<i32>} : memref<64x768xf32, #tpu.memory_space<vmem>>, vector<16xf32>,
        %get3A_793 = arith.constant 57 : i32
        %get3A_794 = arith.index_cast %get3A_793 : i32 to index
        %get3A_795 = arith.index_cast %mul3A_715 : i32 to index
        %get3A_796 = tpu.vector_load %arg24[%get3A_794, %get3A_795] {strides = array<i32>} : memref<64x768xf32, #tpu.memory_space<vmem>>, vector<16xf32>,
        %add3A_797 = arith.addf %get3A_792, %get3A_796 : vector<16xf32>
        %add3A_798 = arith.addf %add3A_788, %add3A_797 : vector<16xf32>
        %add3A_799 = arith.addf %add3A_779, %add3A_798 : vector<16xf32>
        %swap3A_800 = arith.constant 1 : i32
        %swap3A_801 = arith.index_cast %swap3A_800 : i32 to index
        %swap3A_802 = arith.index_cast %mul3A_715 : i32 to index
        %swap3A_803 = tpu.vector_load %arg24[%swap3A_801, %swap3A_802] {strides = array<i32>} : memref<64x768xf32, #tpu.memory_space<vmem>>, vector<16xf32>,
        tpu.vector_store %arg24[%swap3A_801, %swap3A_802], %add3A_799 {strides = array<i32>} : memref<64x768xf32, #tpu.memory_space<vmem>>, vector<16xf32>,
        %add3A_804 = arith.addf %scan3A_707, %add3A_799 : vector<16xf32>
        %mul3A_805 = arith.mulf %add3A_799, %add3A_799 : vector<16xf32>
        %add3A_806 = arith.addf %scan3A_711, %mul3A_805 : vector<16xf32>
        %get3A_807 = arith.constant 2 : i32
        %get3A_808 = arith.index_cast %get3A_807 : i32 to index
        %get3A_809 = arith.index_cast %mul3A_715 : i32 to index
        %get3A_810 = tpu.vector_load %arg24[%get3A_808, %get3A_809] {strides = array<i32>} : memref<64x768xf32, #tpu.memory_space<vmem>>, vector<16xf32>,
        %get3A_811 = arith.constant 10 : i32
        %get3A_812 = arith.index_cast %get3A_811 : i32 to index
        %get3A_813 = arith.index_cast %mul3A_715 : i32 to index
        %get3A_814 = tpu.vector_load %arg24[%get3A_812, %get3A_813] {strides = array<i32>} : memref<64x768xf32, #tpu.memory_space<vmem>>, vector<16xf32>,
        %add3A_815 = arith.addf %get3A_810, %get3A_814 : vector<16xf32>
        %get3A_816 = arith.constant 18 : i32
        %get3A_817 = arith.index_cast %get3A_816 : i32 to index
        %get3A_818 = arith.index_cast %mul3A_715 : i32 to index
        %get3A_819 = tpu.vector_load %arg24[%get3A_817, %get3A_818] {strides = array<i32>} : memref<64x768xf32, #tpu.memory_space<vmem>>, vector<16xf32>,
        %get3A_820 = arith.constant 26 : i32
        %get3A_821 = arith.index_cast %get3A_820 : i32 to index
        %get3A_822 = arith.index_cast %mul3A_715 : i32 to index
        %get3A_823 = tpu.vector_load %arg24[%get3A_821, %get3A_822] {strides = array<i32>} : memref<64x768xf32, #tpu.memory_space<vmem>>, vector<16xf32>,
        %add3A_824 = arith.addf %get3A_819, %get3A_823 : vector<16xf32>
        %add3A_825 = arith.addf %add3A_815, %add3A_824 : vector<16xf32>
        %get3A_826 = arith.constant 34 : i32
        %get3A_827 = arith.index_cast %get3A_826 : i32 to index
        %get3A_828 = arith.index_cast %mul3A_715 : i32 to index
        %get3A_829 = tpu.vector_load %arg24[%get3A_827, %get3A_828] {strides = array<i32>} : memref<64x768xf32, #tpu.memory_space<vmem>>, vector<16xf32>,
        %get3A_830 = arith.constant 42 : i32
        %get3A_831 = arith.index_cast %get3A_830 : i32 to index
        %get3A_832 = arith.index_cast %mul3A_715 : i32 to index
        %get3A_833 = tpu.vector_load %arg24[%get3A_831, %get3A_832] {strides = array<i32>} : memref<64x768xf32, #tpu.memory_space<vmem>>, vector<16xf32>,
        %add3A_834 = arith.addf %get3A_829, %get3A_833 : vector<16xf32>
        %get3A_835 = arith.constant 50 : i32
        %get3A_836 = arith.index_cast %get3A_835 : i32 to index
        %get3A_837 = arith.index_cast %mul3A_715 : i32 to index
        %get3A_838 = tpu.vector_load %arg24[%get3A_836, %get3A_837] {strides = array<i32>} : memref<64x768xf32, #tpu.memory_space<vmem>>, vector<16xf32>,
        %get3A_839 = arith.constant 58 : i32
        %get3A_840 = arith.index_cast %get3A_839 : i32 to index
        %get3A_841 = arith.index_cast %mul3A_715 : i32 to index
        %get3A_842 = tpu.vector_load %arg24[%get3A_840, %get3A_841] {strides = array<i32>} : memref<64x768xf32, #tpu.memory_space<vmem>>, vector<16xf32>,
        %add3A_843 = arith.addf %get3A_838, %get3A_842 : vector<16xf32>
        %add3A_844 = arith.addf %add3A_834, %add3A_843 : vector<16xf32>
        %add3A_845 = arith.addf %add3A_825, %add3A_844 : vector<16xf32>
        %swap3A_846 = arith.constant 2 : i32
        %swap3A_847 = arith.index_cast %swap3A_846 : i32 to index
        %swap3A_848 = arith.index_cast %mul3A_715 : i32 to index
        %swap3A_849 = tpu.vector_load %arg24[%swap3A_847, %swap3A_848] {strides = array<i32>} : memref<64x768xf32, #tpu.memory_space<vmem>>, vector<16xf32>,
        tpu.vector_store %arg24[%swap3A_847, %swap3A_848], %add3A_845 {strides = array<i32>} : memref<64x768xf32, #tpu.memory_space<vmem>>, vector<16xf32>,
        %add3A_850 = arith.addf %scan3A_708, %add3A_845 : vector<16xf32>
        %mul3A_851 = arith.mulf %add3A_845, %add3A_845 : vector<16xf32>
        %add3A_852 = arith.addf %scan3A_712, %mul3A_851 : vector<16xf32>
        %get3A_853 = arith.constant 3 : i32
        %get3A_854 = arith.index_cast %get3A_853 : i32 to index
        %get3A_855 = arith.index_cast %mul3A_715 : i32 to index
        %get3A_856 = tpu.vector_load %arg24[%get3A_854, %get3A_855] {strides = array<i32>} : memref<64x768xf32, #tpu.memory_space<vmem>>, vector<16xf32>,
        %get3A_857 = arith.constant 11 : i32
        %get3A_858 = arith.index_cast %get3A_857 : i32 to index
        %get3A_859 = arith.index_cast %mul3A_715 : i32 to index
        %get3A_860 = tpu.vector_load %arg24[%get3A_858, %get3A_859] {strides = array<i32>} : memref<64x768xf32, #tpu.memory_space<vmem>>, vector<16xf32>,
        %add3A_861 = arith.addf %get3A_856, %get3A_860 : vector<16xf32>
        %get3A_862 = arith.constant 19 : i32
        %get3A_863 = arith.index_cast %get3A_862 : i32 to index
        %get3A_864 = arith.index_cast %mul3A_715 : i32 to index
        %get3A_865 = tpu.vector_load %arg24[%get3A_863, %get3A_864] {strides = array<i32>} : memref<64x768xf32, #tpu.memory_space<vmem>>, vector<16xf32>,
        %get3A_866 = arith.constant 27 : i32
        %get3A_867 = arith.index_cast %get3A_866 : i32 to index
        %get3A_868 = arith.index_cast %mul3A_715 : i32 to index
        %get3A_869 = tpu.vector_load %arg24[%get3A_867, %get3A_868] {strides = array<i32>} : memref<64x768xf32, #tpu.memory_space<vmem>>, vector<16xf32>,
        %add3A_870 = arith.addf %get3A_865, %get3A_869 : vector<16xf32>
        %add3A_871 = arith.addf %add3A_861, %add3A_870 : vector<16xf32>
        %get3A_872 = arith.constant 35 : i32
        %get3A_873 = arith.index_cast %get3A_872 : i32 to index
        %get3A_874 = arith.index_cast %mul3A_715 : i32 to index
        %get3A_875 = tpu.vector_load %arg24[%get3A_873, %get3A_874] {strides = array<i32>} : memref<64x768xf32, #tpu.memory_space<vmem>>, vector<16xf32>,
        %get3A_876 = arith.constant 43 : i32
        %get3A_877 = arith.index_cast %get3A_876 : i32 to index
        %get3A_878 = arith.index_cast %mul3A_715 : i32 to index
        %get3A_879 = tpu.vector_load %arg24[%get3A_877, %get3A_878] {strides = array<i32>} : memref<64x768xf32, #tpu.memory_space<vmem>>, vector<16xf32>,
        %add3A_880 = arith.addf %get3A_875, %get3A_879 : vector<16xf32>
        %get3A_881 = arith.constant 51 : i32
        %get3A_882 = arith.index_cast %get3A_881 : i32 to index
        %get3A_883 = arith.index_cast %mul3A_715 : i32 to index
        %get3A_884 = tpu.vector_load %arg24[%get3A_882, %get3A_883] {strides = array<i32>} : memref<64x768xf32, #tpu.memory_space<vmem>>, vector<16xf32>,
        %get3A_885 = arith.constant 59 : i32
        %get3A_886 = arith.index_cast %get3A_885 : i32 to index
        %get3A_887 = arith.index_cast %mul3A_715 : i32 to index
        %get3A_888 = tpu.vector_load %arg24[%get3A_886, %get3A_887] {strides = array<i32>} : memref<64x768xf32, #tpu.memory_space<vmem>>, vector<16xf32>,
        %add3A_889 = arith.addf %get3A_884, %get3A_888 : vector<16xf32>
        %add3A_890 = arith.addf %add3A_880, %add3A_889 : vector<16xf32>
        %add3A_891 = arith.addf %add3A_871, %add3A_890 : vector<16xf32>
        %swap3A_892 = arith.constant 3 : i32
        %swap3A_893 = arith.index_cast %swap3A_892 : i32 to index
        %swap3A_894 = arith.index_cast %mul3A_715 : i32 to index
        %swap3A_895 = tpu.vector_load %arg24[%swap3A_893, %swap3A_894] {strides = array<i32>} : memref<64x768xf32, #tpu.memory_space<vmem>>, vector<16xf32>,
        tpu.vector_store %arg24[%swap3A_893, %swap3A_894], %add3A_891 {strides = array<i32>} : memref<64x768xf32, #tpu.memory_space<vmem>>, vector<16xf32>,
        %add3A_896 = arith.addf %scan3A_709, %add3A_891 : vector<16xf32>
        %mul3A_897 = arith.mulf %add3A_891, %add3A_891 : vector<16xf32>
        %add3A_898 = arith.addf %scan3A_713, %mul3A_897 : vector<16xf32>
        scf.yield %add3A_758, %add3A_804, %add3A_850, %add3A_896, %add3A_760, %add3A_806, %add3A_852, %add3A_898 : vector<16xf32>, vector<16xf32>, vector<16xf32>, vector<16xf32>, vector<16xf32>, vector<16xf32>, vector<16xf32>, vector<16xf32>
      }
      %scan3A_541 = arith.constant 48 : i32
      %swap3A_542 = arith.constant 0 : i32
      %swap3A_543 = arith.index_cast %swap3A_542 : i32 to index
      %swap3A_544 = arith.constant 0 : index
      %swap3A_545 = tpu.vector_load %arg29[%swap3A_543, %swap3A_544] {strides = array<i32>} : memref<16x16xf32, #tpu.memory_space<vmem>>, vector<16xf32>,
      tpu.vector_store %arg29[%swap3A_543, %swap3A_544], %scan3A_540#0 {strides = array<i32>} : memref<16x16xf32, #tpu.memory_space<vmem>>, vector<16xf32>,
      %swap3A_546 = arith.constant 0 : i32
      %swap3A_547 = arith.index_cast %swap3A_546 : i32 to index
      %swap3A_548 = arith.constant 0 : index
      %swap3A_549 = tpu.vector_load %arg30[%swap3A_547, %swap3A_548] {strides = array<i32>} : memref<16x16xf32, #tpu.memory_space<vmem>>, vector<16xf32>,
      tpu.vector_store %arg30[%swap3A_547, %swap3A_548], %scan3A_540#4 {strides = array<i32>} : memref<16x16xf32, #tpu.memory_space<vmem>>, vector<16xf32>,
      %swap3A_550 = arith.constant 1 : i32
      %swap3A_551 = arith.index_cast %swap3A_550 : i32 to index
      %swap3A_552 = arith.constant 0 : index
      %swap3A_553 = tpu.vector_load %arg29[%swap3A_551, %swap3A_552] {strides = array<i32>} : memref<16x16xf32, #tpu.memory_space<vmem>>, vector<16xf32>,
      tpu.vector_store %arg29[%swap3A_551, %swap3A_552], %scan3A_540#1 {strides = array<i32>} : memref<16x16xf32, #tpu.memory_space<vmem>>, vector<16xf32>,
      %swap3A_554 = arith.constant 1 : i32
      %swap3A_555 = arith.index_cast %swap3A_554 : i32 to index
      %swap3A_556 = arith.constant 0 : index
      %swap3A_557 = tpu.vector_load %arg30[%swap3A_555, %swap3A_556] {strides = array<i32>} : memref<16x16xf32, #tpu.memory_space<vmem>>, vector<16xf32>,
      tpu.vector_store %arg30[%swap3A_555, %swap3A_556], %scan3A_540#5 {strides = array<i32>} : memref<16x16xf32, #tpu.memory_space<vmem>>, vector<16xf32>,
      %swap3A_558 = arith.constant 2 : i32
      %swap3A_559 = arith.index_cast %swap3A_558 : i32 to index
      %swap3A_560 = arith.constant 0 : index
      %swap3A_561 = tpu.vector_load %arg29[%swap3A_559, %swap3A_560] {strides = array<i32>} : memref<16x16xf32, #tpu.memory_space<vmem>>, vector<16xf32>,
      tpu.vector_store %arg29[%swap3A_559, %swap3A_560], %scan3A_540#2 {strides = array<i32>} : memref<16x16xf32, #tpu.memory_space<vmem>>, vector<16xf32>,
      %swap3A_562 = arith.constant 2 : i32
      %swap3A_563 = arith.index_cast %swap3A_562 : i32 to index
      %swap3A_564 = arith.constant 0 : index
      %swap3A_565 = tpu.vector_load %arg30[%swap3A_563, %swap3A_564] {strides = array<i32>} : memref<16x16xf32, #tpu.memory_space<vmem>>, vector<16xf32>,
      tpu.vector_store %arg30[%swap3A_563, %swap3A_564], %scan3A_540#6 {strides = array<i32>} : memref<16x16xf32, #tpu.memory_space<vmem>>, vector<16xf32>,
      %swap3A_566 = arith.constant 3 : i32
      %swap3A_567 = arith.index_cast %swap3A_566 : i32 to index
      %swap3A_568 = arith.constant 0 : index
      %swap3A_569 = tpu.vector_load %arg29[%swap3A_567, %swap3A_568] {strides = array<i32>} : memref<16x16xf32, #tpu.memory_space<vmem>>, vector<16xf32>,
      tpu.vector_store %arg29[%swap3A_567, %swap3A_568], %scan3A_540#3 {strides = array<i32>} : memref<16x16xf32, #tpu.memory_space<vmem>>, vector<16xf32>,
      %swap3A_570 = arith.constant 3 : i32
      %swap3A_571 = arith.index_cast %swap3A_570 : i32 to index
      %swap3A_572 = arith.constant 0 : index
      %swap3A_573 = tpu.vector_load %arg30[%swap3A_571, %swap3A_572] {strides = array<i32>} : memref<16x16xf32, #tpu.memory_space<vmem>>, vector<16xf32>,
      tpu.vector_store %arg30[%swap3A_571, %swap3A_572], %scan3A_540#7 {strides = array<i32>} : memref<16x16xf32, #tpu.memory_space<vmem>>, vector<16xf32>,
      %scan3A_574 = arith.constant 0 : i32
      %scan3A_575 = arith.constant 48 : i32
      %scan3A_576 = arith.addi %scan3A_574, %scan3A_575 : i32
      %scan3A_577 = arith.constant 1 : i32
      %scan3A_578:8 = scf.for %scan3A_705 = %scan3A_574 to %scan3A_576 step %scan3A_577 iter_args(%scan3A_706 = %broadcast_in_dim3A_535, %scan3A_707 = %broadcast_in_dim3A_535, %scan3A_708 = %broadcast_in_dim3A_535, %scan3A_709 = %broadcast_in_dim3A_535, %scan3A_710 = %broadcast_in_dim3A_535, %scan3A_711 = %broadcast_in_dim3A_535, %scan3A_712 = %broadcast_in_dim3A_535, %scan3A_713 = %broadcast_in_dim3A_535) -> (vector<16xf32>, vector<16xf32>, vector<16xf32>, vector<16xf32>, vector<16xf32>, vector<16xf32>, vector<16xf32>, vector<16xf32>)  : i32 {
        %mul3A_714 = arith.constant 16 : i32
        %mul3A_715 = arith.muli %scan3A_705, %mul3A_714 : i32
        %get3A = arith.constant 4 : i32
        %get3A_716 = arith.index_cast %get3A : i32 to index
        %get3A_717 = arith.index_cast %mul3A_715 : i32 to index
        %get3A_718 = tpu.vector_load %arg24[%get3A_716, %get3A_717] {strides = array<i32>} : memref<64x768xf32, #tpu.memory_space<vmem>>, vector<16xf32>,
        %get3A_719 = arith.constant 12 : i32
        %get3A_720 = arith.index_cast %get3A_719 : i32 to index
        %get3A_721 = arith.index_cast %mul3A_715 : i32 to index
        %get3A_722 = tpu.vector_load %arg24[%get3A_720, %get3A_721] {strides = array<i32>} : memref<64x768xf32, #tpu.memory_space<vmem>>, vector<16xf32>,
        %add3A_723 = arith.addf %get3A_718, %get3A_722 : vector<16xf32>
        %get3A_724 = arith.constant 20 : i32
        %get3A_725 = arith.index_cast %get3A_724 : i32 to index
        %get3A_726 = arith.index_cast %mul3A_715 : i32 to index
        %get3A_727 = tpu.vector_load %arg24[%get3A_725, %get3A_726] {strides = array<i32>} : memref<64x768xf32, #tpu.memory_space<vmem>>, vector<16xf32>,
        %get3A_728 = arith.constant 28 : i32
        %get3A_729 = arith.index_cast %get3A_728 : i32 to index
        %get3A_730 = arith.index_cast %mul3A_715 : i32 to index
        %get3A_731 = tpu.vector_load %arg24[%get3A_729, %get3A_730] {strides = array<i32>} : memref<64x768xf32, #tpu.memory_space<vmem>>, vector<16xf32>,
        %add3A_732 = arith.addf %get3A_727, %get3A_731 : vector<16xf32>
        %add3A_733 = arith.addf %add3A_723, %add3A_732 : vector<16xf32>
        %get3A_734 = arith.constant 36 : i32
        %get3A_735 = arith.index_cast %get3A_734 : i32 to index
        %get3A_736 = arith.index_cast %mul3A_715 : i32 to index
        %get3A_737 = tpu.vector_load %arg24[%get3A_735, %get3A_736] {strides = array<i32>} : memref<64x768xf32, #tpu.memory_space<vmem>>, vector<16xf32>,
        %get3A_738 = arith.constant 44 : i32
        %get3A_739 = arith.index_cast %get3A_738 : i32 to index
        %get3A_740 = arith.index_cast %mul3A_715 : i32 to index
        %get3A_741 = tpu.vector_load %arg24[%get3A_739, %get3A_740] {strides = array<i32>} : memref<64x768xf32, #tpu.memory_space<vmem>>, vector<16xf32>,
        %add3A_742 = arith.addf %get3A_737, %get3A_741 : vector<16xf32>
        %get3A_743 = arith.constant 52 : i32
        %get3A_744 = arith.index_cast %get3A_743 : i32 to index
        %get3A_745 = arith.index_cast %mul3A_715 : i32 to index
        %get3A_746 = tpu.vector_load %arg24[%get3A_744, %get3A_745] {strides = array<i32>} : memref<64x768xf32, #tpu.memory_space<vmem>>, vector<16xf32>,
        %get3A_747 = arith.constant 60 : i32
        %get3A_748 = arith.index_cast %get3A_747 : i32 to index
        %get3A_749 = arith.index_cast %mul3A_715 : i32 to index
        %get3A_750 = tpu.vector_load %arg24[%get3A_748, %get3A_749] {strides = array<i32>} : memref<64x768xf32, #tpu.memory_space<vmem>>, vector<16xf32>,
        %add3A_751 = arith.addf %get3A_746, %get3A_750 : vector<16xf32>
        %add3A_752 = arith.addf %add3A_742, %add3A_751 : vector<16xf32>
        %add3A_753 = arith.addf %add3A_733, %add3A_752 : vector<16xf32>
        %swap3A_754 = arith.constant 4 : i32
        %swap3A_755 = arith.index_cast %swap3A_754 : i32 to index
        %swap3A_756 = arith.index_cast %mul3A_715 : i32 to index
        %swap3A_757 = tpu.vector_load %arg24[%swap3A_755, %swap3A_756] {strides = array<i32>} : memref<64x768xf32, #tpu.memory_space<vmem>>, vector<16xf32>,
        tpu.vector_store %arg24[%swap3A_755, %swap3A_756], %add3A_753 {strides = array<i32>} : memref<64x768xf32, #tpu.memory_space<vmem>>, vector<16xf32>,
        %add3A_758 = arith.addf %scan3A_706, %add3A_753 : vector<16xf32>
        %mul3A_759 = arith.mulf %add3A_753, %add3A_753 : vector<16xf32>
        %add3A_760 = arith.addf %scan3A_710, %mul3A_759 : vector<16xf32>
        %get3A_761 = arith.constant 5 : i32
        %get3A_762 = arith.index_cast %get3A_761 : i32 to index
        %get3A_763 = arith.index_cast %mul3A_715 : i32 to index
        %get3A_764 = tpu.vector_load %arg24[%get3A_762, %get3A_763] {strides = array<i32>} : memref<64x768xf32, #tpu.memory_space<vmem>>, vector<16xf32>,
        %get3A_765 = arith.constant 13 : i32
        %get3A_766 = arith.index_cast %get3A_765 : i32 to index
        %get3A_767 = arith.index_cast %mul3A_715 : i32 to index
        %get3A_768 = tpu.vector_load %arg24[%get3A_766, %get3A_767] {strides = array<i32>} : memref<64x768xf32, #tpu.memory_space<vmem>>, vector<16xf32>,
        %add3A_769 = arith.addf %get3A_764, %get3A_768 : vector<16xf32>
        %get3A_770 = arith.constant 21 : i32
        %get3A_771 = arith.index_cast %get3A_770 : i32 to index
        %get3A_772 = arith.index_cast %mul3A_715 : i32 to index
        %get3A_773 = tpu.vector_load %arg24[%get3A_771, %get3A_772] {strides = array<i32>} : memref<64x768xf32, #tpu.memory_space<vmem>>, vector<16xf32>,
        %get3A_774 = arith.constant 29 : i32
        %get3A_775 = arith.index_cast %get3A_774 : i32 to index
        %get3A_776 = arith.index_cast %mul3A_715 : i32 to index
        %get3A_777 = tpu.vector_load %arg24[%get3A_775, %get3A_776] {strides = array<i32>} : memref<64x768xf32, #tpu.memory_space<vmem>>, vector<16xf32>,
        %add3A_778 = arith.addf %get3A_773, %get3A_777 : vector<16xf32>
        %add3A_779 = arith.addf %add3A_769, %add3A_778 : vector<16xf32>
        %get3A_780 = arith.constant 37 : i32
        %get3A_781 = arith.index_cast %get3A_780 : i32 to index
        %get3A_782 = arith.index_cast %mul3A_715 : i32 to index
        %get3A_783 = tpu.vector_load %arg24[%get3A_781, %get3A_782] {strides = array<i32>} : memref<64x768xf32, #tpu.memory_space<vmem>>, vector<16xf32>,
        %get3A_784 = arith.constant 45 : i32
        %get3A_785 = arith.index_cast %get3A_784 : i32 to index
        %get3A_786 = arith.index_cast %mul3A_715 : i32 to index
        %get3A_787 = tpu.vector_load %arg24[%get3A_785, %get3A_786] {strides = array<i32>} : memref<64x768xf32, #tpu.memory_space<vmem>>, vector<16xf32>,
        %add3A_788 = arith.addf %get3A_783, %get3A_787 : vector<16xf32>
        %get3A_789 = arith.constant 53 : i32
        %get3A_790 = arith.index_cast %get3A_789 : i32 to index
        %get3A_791 = arith.index_cast %mul3A_715 : i32 to index
        %get3A_792 = tpu.vector_load %arg24[%get3A_790, %get3A_791] {strides = array<i32>} : memref<64x768xf32, #tpu.memory_space<vmem>>, vector<16xf32>,
        %get3A_793 = arith.constant 61 : i32
        %get3A_794 = arith.index_cast %get3A_793 : i32 to index
        %get3A_795 = arith.index_cast %mul3A_715 : i32 to index
        %get3A_796 = tpu.vector_load %arg24[%get3A_794, %get3A_795] {strides = array<i32>} : memref<64x768xf32, #tpu.memory_space<vmem>>, vector<16xf32>,
        %add3A_797 = arith.addf %get3A_792, %get3A_796 : vector<16xf32>
        %add3A_798 = arith.addf %add3A_788, %add3A_797 : vector<16xf32>
        %add3A_799 = arith.addf %add3A_779, %add3A_798 : vector<16xf32>
        %swap3A_800 = arith.constant 5 : i32
        %swap3A_801 = arith.index_cast %swap3A_800 : i32 to index
        %swap3A_802 = arith.index_cast %mul3A_715 : i32 to index
        %swap3A_803 = tpu.vector_load %arg24[%swap3A_801, %swap3A_802] {strides = array<i32>} : memref<64x768xf32, #tpu.memory_space<vmem>>, vector<16xf32>,
        tpu.vector_store %arg24[%swap3A_801, %swap3A_802], %add3A_799 {strides = array<i32>} : memref<64x768xf32, #tpu.memory_space<vmem>>, vector<16xf32>,
        %add3A_804 = arith.addf %scan3A_707, %add3A_799 : vector<16xf32>
        %mul3A_805 = arith.mulf %add3A_799, %add3A_799 : vector<16xf32>
        %add3A_806 = arith.addf %scan3A_711, %mul3A_805 : vector<16xf32>
        %get3A_807 = arith.constant 6 : i32
        %get3A_808 = arith.index_cast %get3A_807 : i32 to index
        %get3A_809 = arith.index_cast %mul3A_715 : i32 to index
        %get3A_810 = tpu.vector_load %arg24[%get3A_808, %get3A_809] {strides = array<i32>} : memref<64x768xf32, #tpu.memory_space<vmem>>, vector<16xf32>,
        %get3A_811 = arith.constant 14 : i32
        %get3A_812 = arith.index_cast %get3A_811 : i32 to index
        %get3A_813 = arith.index_cast %mul3A_715 : i32 to index
        %get3A_814 = tpu.vector_load %arg24[%get3A_812, %get3A_813] {strides = array<i32>} : memref<64x768xf32, #tpu.memory_space<vmem>>, vector<16xf32>,
        %add3A_815 = arith.addf %get3A_810, %get3A_814 : vector<16xf32>
        %get3A_816 = arith.constant 22 : i32
        %get3A_817 = arith.index_cast %get3A_816 : i32 to index
        %get3A_818 = arith.index_cast %mul3A_715 : i32 to index
        %get3A_819 = tpu.vector_load %arg24[%get3A_817, %get3A_818] {strides = array<i32>} : memref<64x768xf32, #tpu.memory_space<vmem>>, vector<16xf32>,
        %get3A_820 = arith.constant 30 : i32
        %get3A_821 = arith.index_cast %get3A_820 : i32 to index
        %get3A_822 = arith.index_cast %mul3A_715 : i32 to index
        %get3A_823 = tpu.vector_load %arg24[%get3A_821, %get3A_822] {strides = array<i32>} : memref<64x768xf32, #tpu.memory_space<vmem>>, vector<16xf32>,
        %add3A_824 = arith.addf %get3A_819, %get3A_823 : vector<16xf32>
        %add3A_825 = arith.addf %add3A_815, %add3A_824 : vector<16xf32>
        %get3A_826 = arith.constant 38 : i32
        %get3A_827 = arith.index_cast %get3A_826 : i32 to index
        %get3A_828 = arith.index_cast %mul3A_715 : i32 to index
        %get3A_829 = tpu.vector_load %arg24[%get3A_827, %get3A_828] {strides = array<i32>} : memref<64x768xf32, #tpu.memory_space<vmem>>, vector<16xf32>,
        %get3A_830 = arith.constant 46 : i32
        %get3A_831 = arith.index_cast %get3A_830 : i32 to index
        %get3A_832 = arith.index_cast %mul3A_715 : i32 to index
        %get3A_833 = tpu.vector_load %arg24[%get3A_831, %get3A_832] {strides = array<i32>} : memref<64x768xf32, #tpu.memory_space<vmem>>, vector<16xf32>,
        %add3A_834 = arith.addf %get3A_829, %get3A_833 : vector<16xf32>
        %get3A_835 = arith.constant 54 : i32
        %get3A_836 = arith.index_cast %get3A_835 : i32 to index
        %get3A_837 = arith.index_cast %mul3A_715 : i32 to index
        %get3A_838 = tpu.vector_load %arg24[%get3A_836, %get3A_837] {strides = array<i32>} : memref<64x768xf32, #tpu.memory_space<vmem>>, vector<16xf32>,
        %get3A_839 = arith.constant 62 : i32
        %get3A_840 = arith.index_cast %get3A_839 : i32 to index
        %get3A_841 = arith.index_cast %mul3A_715 : i32 to index
        %get3A_842 = tpu.vector_load %arg24[%get3A_840, %get3A_841] {strides = array<i32>} : memref<64x768xf32, #tpu.memory_space<vmem>>, vector<16xf32>,
        %add3A_843 = arith.addf %get3A_838, %get3A_842 : vector<16xf32>
        %add3A_844 = arith.addf %add3A_834, %add3A_843 : vector<16xf32>
        %add3A_845 = arith.addf %add3A_825, %add3A_844 : vector<16xf32>
        %swap3A_846 = arith.constant 6 : i32
        %swap3A_847 = arith.index_cast %swap3A_846 : i32 to index
        %swap3A_848 = arith.index_cast %mul3A_715 : i32 to index
        %swap3A_849 = tpu.vector_load %arg24[%swap3A_847, %swap3A_848] {strides = array<i32>} : memref<64x768xf32, #tpu.memory_space<vmem>>, vector<16xf32>,
        tpu.vector_store %arg24[%swap3A_847, %swap3A_848], %add3A_845 {strides = array<i32>} : memref<64x768xf32, #tpu.memory_space<vmem>>, vector<16xf32>,
        %add3A_850 = arith.addf %scan3A_708, %add3A_845 : vector<16xf32>
        %mul3A_851 = arith.mulf %add3A_845, %add3A_845 : vector<16xf32>
        %add3A_852 = arith.addf %scan3A_712, %mul3A_851 : vector<16xf32>
        %get3A_853 = arith.constant 7 : i32
        %get3A_854 = arith.index_cast %get3A_853 : i32 to index
        %get3A_855 = arith.index_cast %mul3A_715 : i32 to index
        %get3A_856 = tpu.vector_load %arg24[%get3A_854, %get3A_855] {strides = array<i32>} : memref<64x768xf32, #tpu.memory_space<vmem>>, vector<16xf32>,
        %get3A_857 = arith.constant 15 : i32
        %get3A_858 = arith.index_cast %get3A_857 : i32 to index
        %get3A_859 = arith.index_cast %mul3A_715 : i32 to index
        %get3A_860 = tpu.vector_load %arg24[%get3A_858, %get3A_859] {strides = array<i32>} : memref<64x768xf32, #tpu.memory_space<vmem>>, vector<16xf32>,
        %add3A_861 = arith.addf %get3A_856, %get3A_860 : vector<16xf32>
        %get3A_862 = arith.constant 23 : i32
        %get3A_863 = arith.index_cast %get3A_862 : i32 to index
        %get3A_864 = arith.index_cast %mul3A_715 : i32 to index
        %get3A_865 = tpu.vector_load %arg24[%get3A_863, %get3A_864] {strides = array<i32>} : memref<64x768xf32, #tpu.memory_space<vmem>>, vector<16xf32>,
        %get3A_866 = arith.constant 31 : i32
        %get3A_867 = arith.index_cast %get3A_866 : i32 to index
        %get3A_868 = arith.index_cast %mul3A_715 : i32 to index
        %get3A_869 = tpu.vector_load %arg24[%get3A_867, %get3A_868] {strides = array<i32>} : memref<64x768xf32, #tpu.memory_space<vmem>>, vector<16xf32>,
        %add3A_870 = arith.addf %get3A_865, %get3A_869 : vector<16xf32>
        %add3A_871 = arith.addf %add3A_861, %add3A_870 : vector<16xf32>
        %get3A_872 = arith.constant 39 : i32
        %get3A_873 = arith.index_cast %get3A_872 : i32 to index
        %get3A_874 = arith.index_cast %mul3A_715 : i32 to index
        %get3A_875 = tpu.vector_load %arg24[%get3A_873, %get3A_874] {strides = array<i32>} : memref<64x768xf32, #tpu.memory_space<vmem>>, vector<16xf32>,
        %get3A_876 = arith.constant 47 : i32
        %get3A_877 = arith.index_cast %get3A_876 : i32 to index
        %get3A_878 = arith.index_cast %mul3A_715 : i32 to index
        %get3A_879 = tpu.vector_load %arg24[%get3A_877, %get3A_878] {strides = array<i32>} : memref<64x768xf32, #tpu.memory_space<vmem>>, vector<16xf32>,
        %add3A_880 = arith.addf %get3A_875, %get3A_879 : vector<16xf32>
        %get3A_881 = arith.constant 55 : i32
        %get3A_882 = arith.index_cast %get3A_881 : i32 to index
        %get3A_883 = arith.index_cast %mul3A_715 : i32 to index
        %get3A_884 = tpu.vector_load %arg24[%get3A_882, %get3A_883] {strides = array<i32>} : memref<64x768xf32, #tpu.memory_space<vmem>>, vector<16xf32>,
        %get3A_885 = arith.constant 63 : i32
        %get3A_886 = arith.index_cast %get3A_885 : i32 to index
        %get3A_887 = arith.index_cast %mul3A_715 : i32 to index
        %get3A_888 = tpu.vector_load %arg24[%get3A_886, %get3A_887] {strides = array<i32>} : memref<64x768xf32, #tpu.memory_space<vmem>>, vector<16xf32>,
        %add3A_889 = arith.addf %get3A_884, %get3A_888 : vector<16xf32>
        %add3A_890 = arith.addf %add3A_880, %add3A_889 : vector<16xf32>
        %add3A_891 = arith.addf %add3A_871, %add3A_890 : vector<16xf32>
        %swap3A_892 = arith.constant 7 : i32
        %swap3A_893 = arith.index_cast %swap3A_892 : i32 to index
        %swap3A_894 = arith.index_cast %mul3A_715 : i32 to index
        %swap3A_895 = tpu.vector_load %arg24[%swap3A_893, %swap3A_894] {strides = array<i32>} : memref<64x768xf32, #tpu.memory_space<vmem>>, vector<16xf32>,
        tpu.vector_store %arg24[%swap3A_893, %swap3A_894], %add3A_891 {strides = array<i32>} : memref<64x768xf32, #tpu.memory_space<vmem>>, vector<16xf32>,
        %add3A_896 = arith.addf %scan3A_709, %add3A_891 : vector<16xf32>
        %mul3A_897 = arith.mulf %add3A_891, %add3A_891 : vector<16xf32>
        %add3A_898 = arith.addf %scan3A_713, %mul3A_897 : vector<16xf32>
        scf.yield %add3A_758, %add3A_804, %add3A_850, %add3A_896, %add3A_760, %add3A_806, %add3A_852, %add3A_898 : vector<16xf32>, vector<16xf32>, vector<16xf32>, vector<16xf32>, vector<16xf32>, vector<16xf32>, vector<16xf32>, vector<16xf32>
      }
      %scan3A_579 = arith.constant 48 : i32
      %swap3A_580 = arith.constant 4 : i32
      %swap3A_581 = arith.index_cast %swap3A_580 : i32 to index
      %swap3A_582 = arith.constant 0 : index
      %swap3A_583 = tpu.vector_load %arg29[%swap3A_581, %swap3A_582] {strides = array<i32>} : memref<16x16xf32, #tpu.memory_space<vmem>>, vector<16xf32>,
      tpu.vector_store %arg29[%swap3A_581, %swap3A_582], %scan3A_578#0 {strides = array<i32>} : memref<16x16xf32, #tpu.memory_space<vmem>>, vector<16xf32>,
      %swap3A_584 = arith.constant 4 : i32
      %swap3A_585 = arith.index_cast %swap3A_584 : i32 to index
      %swap3A_586 = arith.constant 0 : index
      %swap3A_587 = tpu.vector_load %arg30[%swap3A_585, %swap3A_586] {strides = array<i32>} : memref<16x16xf32, #tpu.memory_space<vmem>>, vector<16xf32>,
      tpu.vector_store %arg30[%swap3A_585, %swap3A_586], %scan3A_578#4 {strides = array<i32>} : memref<16x16xf32, #tpu.memory_space<vmem>>, vector<16xf32>,
      %swap3A_588 = arith.constant 5 : i32
      %swap3A_589 = arith.index_cast %swap3A_588 : i32 to index
      %swap3A_590 = arith.constant 0 : index
      %swap3A_591 = tpu.vector_load %arg29[%swap3A_589, %swap3A_590] {strides = array<i32>} : memref<16x16xf32, #tpu.memory_space<vmem>>, vector<16xf32>,
      tpu.vector_store %arg29[%swap3A_589, %swap3A_590], %scan3A_578#1 {strides = array<i32>} : memref<16x16xf32, #tpu.memory_space<vmem>>, vector<16xf32>,
      %swap3A_592 = arith.constant 5 : i32
      %swap3A_593 = arith.index_cast %swap3A_592 : i32 to index
      %swap3A_594 = arith.constant 0 : index
      %swap3A_595 = tpu.vector_load %arg30[%swap3A_593, %swap3A_594] {strides = array<i32>} : memref<16x16xf32, #tpu.memory_space<vmem>>, vector<16xf32>,
      tpu.vector_store %arg30[%swap3A_593, %swap3A_594], %scan3A_578#5 {strides = array<i32>} : memref<16x16xf32, #tpu.memory_space<vmem>>, vector<16xf32>,
      %swap3A_596 = arith.constant 6 : i32
      %swap3A_597 = arith.index_cast %swap3A_596 : i32 to index
      %swap3A_598 = arith.constant 0 : index
      %swap3A_599 = tpu.vector_load %arg29[%swap3A_597, %swap3A_598] {strides = array<i32>} : memref<16x16xf32, #tpu.memory_space<vmem>>, vector<16xf32>,
      tpu.vector_store %arg29[%swap3A_597, %swap3A_598], %scan3A_578#2 {strides = array<i32>} : memref<16x16xf32, #tpu.memory_space<vmem>>, vector<16xf32>,
      %swap3A_600 = arith.constant 6 : i32
      %swap3A_601 = arith.index_cast %swap3A_600 : i32 to index
      %swap3A_602 = arith.constant 0 : index
      %swap3A_603 = tpu.vector_load %arg30[%swap3A_601, %swap3A_602] {strides = array<i32>} : memref<16x16xf32, #tpu.memory_space<vmem>>, vector<16xf32>,
      tpu.vector_store %arg30[%swap3A_601, %swap3A_602], %scan3A_578#6 {strides = array<i32>} : memref<16x16xf32, #tpu.memory_space<vmem>>, vector<16xf32>,
      %swap3A_604 = arith.constant 7 : i32
      %swap3A_605 = arith.index_cast %swap3A_604 : i32 to index
      %swap3A_606 = arith.constant 0 : index
      %swap3A_607 = tpu.vector_load %arg29[%swap3A_605, %swap3A_606] {strides = array<i32>} : memref<16x16xf32, #tpu.memory_space<vmem>>, vector<16xf32>,
      tpu.vector_store %arg29[%swap3A_605, %swap3A_606], %scan3A_578#3 {strides = array<i32>} : memref<16x16xf32, #tpu.memory_space<vmem>>, vector<16xf32>,
      %swap3A_608 = arith.constant 7 : i32
      %swap3A_609 = arith.index_cast %swap3A_608 : i32 to index
      %swap3A_610 = arith.constant 0 : index
      %swap3A_611 = tpu.vector_load %arg30[%swap3A_609, %swap3A_610] {strides = array<i32>} : memref<16x16xf32, #tpu.memory_space<vmem>>, vector<16xf32>,
      tpu.vector_store %arg30[%swap3A_609, %swap3A_610], %scan3A_578#7 {strides = array<i32>} : memref<16x16xf32, #tpu.memory_space<vmem>>, vector<16xf32>,
      %broadcast_in_dim3A_612 = arith.constant 0.000000e+00 : f32
      %broadcast_in_dim3A_613 = vector.broadcast %broadcast_in_dim3A_612 : f32 to vector<16xf32>
      %scan3A_614 = arith.constant 0 : i32
      %scan3A_615 = arith.constant 16 : i32
      %scan3A_616 = arith.addi %scan3A_614, %scan3A_615 : i32
      %scan3A_617 = arith.constant 4 : i32
      %scan3A_618:2 = scf.for %scan3A_705 = %scan3A_614 to %scan3A_616 step %scan3A_617 iter_args(%scan3A_706 = %broadcast_in_dim3A_613, %scan3A_707 = %broadcast_in_dim3A_613) -> (vector<16xf32>, vector<16xf32>)  : i32 {
        %broadcast_in_dim3A_708 = vector.broadcast %scan3A_705 : i32 to vector<16xi32>
        %gather3A = tpu.vector_load_idx %arg29[%iota3A, %broadcast_in_dim3A_708] : memref<16x16xf32, #tpu.memory_space<vmem>>[vector<16xi32>, vector<16xi32>], vector<16xf32>,
        %add3A_709 = arith.addf %scan3A_706, %gather3A : vector<16xf32>
        %gather3A_710 = tpu.vector_load_idx %arg30[%iota3A, %broadcast_in_dim3A_708] : memref<16x16xf32, #tpu.memory_space<vmem>>[vector<16xi32>, vector<16xi32>], vector<16xf32>,
        %add3A_711 = arith.addf %scan3A_707, %gather3A_710 : vector<16xf32>
        %scan3A_712 = arith.constant 1 : i32
        %scan3A_713 = arith.addi %scan3A_705, %scan3A_712 : i32
        %broadcast_in_dim3A_714 = vector.broadcast %scan3A_713 : i32 to vector<16xi32>
        %gather3A_715 = tpu.vector_load_idx %arg29[%iota3A, %broadcast_in_dim3A_714] : memref<16x16xf32, #tpu.memory_space<vmem>>[vector<16xi32>, vector<16xi32>], vector<16xf32>,
        %add3A_716 = arith.addf %add3A_709, %gather3A_715 : vector<16xf32>
        %gather3A_717 = tpu.vector_load_idx %arg30[%iota3A, %broadcast_in_dim3A_714] : memref<16x16xf32, #tpu.memory_space<vmem>>[vector<16xi32>, vector<16xi32>], vector<16xf32>,
        %add3A_718 = arith.addf %add3A_711, %gather3A_717 : vector<16xf32>
        %scan3A_719 = arith.constant 2 : i32
        %scan3A_720 = arith.addi %scan3A_705, %scan3A_719 : i32
        %broadcast_in_dim3A_721 = vector.broadcast %scan3A_720 : i32 to vector<16xi32>
        %gather3A_722 = tpu.vector_load_idx %arg29[%iota3A, %broadcast_in_dim3A_721] : memref<16x16xf32, #tpu.memory_space<vmem>>[vector<16xi32>, vector<16xi32>], vector<16xf32>,
        %add3A_723 = arith.addf %add3A_716, %gather3A_722 : vector<16xf32>
        %gather3A_724 = tpu.vector_load_idx %arg30[%iota3A, %broadcast_in_dim3A_721] : memref<16x16xf32, #tpu.memory_space<vmem>>[vector<16xi32>, vector<16xi32>], vector<16xf32>,
        %add3A_725 = arith.addf %add3A_718, %gather3A_724 : vector<16xf32>
        %scan3A_726 = arith.constant 3 : i32
        %scan3A_727 = arith.addi %scan3A_705, %scan3A_726 : i32
        %broadcast_in_dim3A_728 = vector.broadcast %scan3A_727 : i32 to vector<16xi32>
        %gather3A_729 = tpu.vector_load_idx %arg29[%iota3A, %broadcast_in_dim3A_728] : memref<16x16xf32, #tpu.memory_space<vmem>>[vector<16xi32>, vector<16xi32>], vector<16xf32>,
        %add3A_730 = arith.addf %add3A_723, %gather3A_729 : vector<16xf32>
        %gather3A_731 = tpu.vector_load_idx %arg30[%iota3A, %broadcast_in_dim3A_728] : memref<16x16xf32, #tpu.memory_space<vmem>>[vector<16xi32>, vector<16xi32>], vector<16xf32>,
        %add3A_732 = arith.addf %add3A_725, %gather3A_731 : vector<16xf32>
        scf.yield %add3A_730, %add3A_732 : vector<16xf32>, vector<16xf32>
      }
      %scan3A_619 = arith.constant 16 : i32
      %mul3A_620 = arith.constant 0.00130208337 : f32
      %mul3A_621 = vector.broadcast %mul3A_620 : f32 to vector<16xf32>
      %mul3A_622 = arith.mulf %scan3A_618#0, %mul3A_621 : vector<16xf32>
      %mul3A_623 = arith.constant 0.00130208337 : f32
      %mul3A_624 = vector.broadcast %mul3A_623 : f32 to vector<16xf32>
      %mul3A_625 = arith.mulf %scan3A_618#1, %mul3A_624 : vector<16xf32>
      %mul3A_626 = arith.mulf %mul3A_622, %mul3A_622 : vector<16xf32>
      %sub3A_627 = arith.subf %mul3A_625, %mul3A_626 : vector<16xf32>
      %add3A_628 = arith.constant 9.99999996E-13 : f32
      %add3A_629 = vector.broadcast %add3A_628 : f32 to vector<16xf32>
      %add3A_630 = arith.addf %sub3A_627, %add3A_629 : vector<16xf32>
      %bitcast3A_631 = vector.bitcast %add3A_630 : vector<16xf32> to vector<16xi32>
      %shift_right_logical3A_632 = arith.constant 1 : i32
      %shift_right_logical3A_633 = vector.broadcast %shift_right_logical3A_632 : i32 to vector<16xi32>
      %shift_right_logical3A_634 = arith.shrui %bitcast3A_631, %shift_right_logical3A_633 : vector<16xi32>
      %sub3A_635 = arith.constant 1597463007 : i32
      %sub3A_636 = vector.broadcast %sub3A_635 : i32 to vector<16xi32>
      %sub3A_637 = arith.subi %sub3A_636, %shift_right_logical3A_634 : vector<16xi32>
      %bitcast3A_638 = vector.bitcast %sub3A_637 : vector<16xi32> to vector<16xf32>
      %mul3A_639 = arith.constant 5.000000e-01 : f32
      %mul3A_640 = vector.broadcast %mul3A_639 : f32 to vector<16xf32>
      %mul3A_641 = arith.mulf %mul3A_640, %add3A_630 : vector<16xf32>
      %mul3A_642 = arith.mulf %mul3A_641, %bitcast3A_638 : vector<16xf32>
      %mul3A_643 = arith.mulf %mul3A_642, %bitcast3A_638 : vector<16xf32>
      %sub3A_644 = arith.constant 1.500000e+00 : f32
      %sub3A_645 = vector.broadcast %sub3A_644 : f32 to vector<16xf32>
      %sub3A_646 = arith.subf %sub3A_645, %mul3A_643 : vector<16xf32>
      %mul3A_647 = arith.mulf %bitcast3A_638, %sub3A_646 : vector<16xf32>
      %mul3A_648 = arith.mulf %mul3A_641, %mul3A_647 : vector<16xf32>
      %mul3A_649 = arith.mulf %mul3A_648, %mul3A_647 : vector<16xf32>
      %sub3A_650 = arith.constant 1.500000e+00 : f32
      %sub3A_651 = vector.broadcast %sub3A_650 : f32 to vector<16xf32>
      %sub3A_652 = arith.subf %sub3A_651, %mul3A_649 : vector<16xf32>
      %mul3A_653 = arith.mulf %mul3A_647, %sub3A_652 : vector<16xf32>
      %mul3A_654 = arith.mulf %mul3A_641, %mul3A_653 : vector<16xf32>
      %mul3A_655 = arith.mulf %mul3A_654, %mul3A_653 : vector<16xf32>
      %sub3A_656 = arith.constant 1.500000e+00 : f32
      %sub3A_657 = vector.broadcast %sub3A_656 : f32 to vector<16xf32>
      %sub3A_658 = arith.subf %sub3A_657, %mul3A_655 : vector<16xf32>
      %mul3A_659 = arith.mulf %mul3A_653, %sub3A_658 : vector<16xf32>
      %slice3A_660 = vector.extract_strided_slice %mul3A_622 {offsets = [0], sizes = [1], strides = [1]} : vector<16xf32> to vector<1xf32>
      %squeeze3A_661 = vector.extract %slice3A_660[0] : f32 from vector<1xf32>
      %slice3A_662 = vector.extract_strided_slice %mul3A_622 {offsets = [1], sizes = [1], strides = [1]} : vector<16xf32> to vector<1xf32>
      %squeeze3A_663 = vector.extract %slice3A_662[0] : f32 from vector<1xf32>
      %slice3A_664 = vector.extract_strided_slice %mul3A_622 {offsets = [2], sizes = [1], strides = [1]} : vector<16xf32> to vector<1xf32>
      %squeeze3A_665 = vector.extract %slice3A_664[0] : f32 from vector<1xf32>
      %slice3A_666 = vector.extract_strided_slice %mul3A_622 {offsets = [3], sizes = [1], strides = [1]} : vector<16xf32> to vector<1xf32>
      %squeeze3A_667 = vector.extract %slice3A_666[0] : f32 from vector<1xf32>
      %slice3A_668 = vector.extract_strided_slice %mul3A_622 {offsets = [4], sizes = [1], strides = [1]} : vector<16xf32> to vector<1xf32>
      %squeeze3A_669 = vector.extract %slice3A_668[0] : f32 from vector<1xf32>
      %slice3A_670 = vector.extract_strided_slice %mul3A_622 {offsets = [5], sizes = [1], strides = [1]} : vector<16xf32> to vector<1xf32>
      %squeeze3A_671 = vector.extract %slice3A_670[0] : f32 from vector<1xf32>
      %slice3A_672 = vector.extract_strided_slice %mul3A_622 {offsets = [6], sizes = [1], strides = [1]} : vector<16xf32> to vector<1xf32>
      %squeeze3A_673 = vector.extract %slice3A_672[0] : f32 from vector<1xf32>
      %slice3A_674 = vector.extract_strided_slice %mul3A_622 {offsets = [7], sizes = [1], strides = [1]} : vector<16xf32> to vector<1xf32>
      %squeeze3A_675 = vector.extract %slice3A_674[0] : f32 from vector<1xf32>
      %slice3A_676 = vector.extract_strided_slice %mul3A_659 {offsets = [0], sizes = [1], strides = [1]} : vector<16xf32> to vector<1xf32>
      %squeeze3A_677 = vector.extract %slice3A_676[0] : f32 from vector<1xf32>
      %slice3A_678 = vector.extract_strided_slice %mul3A_659 {offsets = [1], sizes = [1], strides = [1]} : vector<16xf32> to vector<1xf32>
      %squeeze3A_679 = vector.extract %slice3A_678[0] : f32 from vector<1xf32>
      %slice3A_680 = vector.extract_strided_slice %mul3A_659 {offsets = [2], sizes = [1], strides = [1]} : vector<16xf32> to vector<1xf32>
      %squeeze3A_681 = vector.extract %slice3A_680[0] : f32 from vector<1xf32>
      %slice3A_682 = vector.extract_strided_slice %mul3A_659 {offsets = [3], sizes = [1], strides = [1]} : vector<16xf32> to vector<1xf32>
      %squeeze3A_683 = vector.extract %slice3A_682[0] : f32 from vector<1xf32>
      %slice3A_684 = vector.extract_strided_slice %mul3A_659 {offsets = [4], sizes = [1], strides = [1]} : vector<16xf32> to vector<1xf32>
      %squeeze3A_685 = vector.extract %slice3A_684[0] : f32 from vector<1xf32>
      %slice3A_686 = vector.extract_strided_slice %mul3A_659 {offsets = [5], sizes = [1], strides = [1]} : vector<16xf32> to vector<1xf32>
      %squeeze3A_687 = vector.extract %slice3A_686[0] : f32 from vector<1xf32>
      %slice3A_688 = vector.extract_strided_slice %mul3A_659 {offsets = [6], sizes = [1], strides = [1]} : vector<16xf32> to vector<1xf32>
      %squeeze3A_689 = vector.extract %slice3A_688[0] : f32 from vector<1xf32>
      %slice3A_690 = vector.extract_strided_slice %mul3A_659 {offsets = [7], sizes = [1], strides = [1]} : vector<16xf32> to vector<1xf32>
      %squeeze3A_691 = vector.extract %slice3A_690[0] : f32 from vector<1xf32>
      %scan3A_692 = arith.constant 0 : i32
      %scan3A_693 = arith.constant 0 : i32
      %scan3A_694 = arith.constant 48 : i32
      %scan3A_695 = arith.addi %scan3A_693, %scan3A_694 : i32
      %scan3A_696 = arith.constant 1 : i32
      scf.for %scan3A_705 = %scan3A_693 to %scan3A_695 step %scan3A_696  : i32 {
        %mul3A_706 = arith.constant 16 : i32
        %mul3A_707 = arith.muli %scan3A_705, %mul3A_706 : i32
        %get3A = arith.index_cast %mul3A_707 : i32 to index
        %get3A_708 = tpu.vector_load %arg27[%get3A] {strides = array<i32>} : memref<768xf32, #tpu.memory_space<vmem>>, vector<16xf32>,
        %get3A_709 = arith.index_cast %mul3A_707 : i32 to index
        %get3A_710 = tpu.vector_load %arg28[%get3A_709] {strides = array<i32>} : memref<768xf32, #tpu.memory_space<vmem>>, vector<16xf32>,
        %get3A_711 = arith.constant 0 : i32
        %get3A_712 = arith.index_cast %get3A_711 : i32 to index
        %get3A_713 = arith.index_cast %mul3A_707 : i32 to index
        %get3A_714 = tpu.vector_load %arg24[%get3A_712, %get3A_713] {strides = array<i32>} : memref<64x768xf32, #tpu.memory_space<vmem>>, vector<16xf32>,
        %sub3A_715 = vector.broadcast %squeeze3A_661 : f32 to vector<16xf32>
        %sub3A_716 = arith.subf %get3A_714, %sub3A_715 : vector<16xf32>
        %mul3A_717 = vector.broadcast %squeeze3A_677 : f32 to vector<16xf32>
        %mul3A_718 = arith.mulf %mul3A_717, %get3A_708 : vector<16xf32>
        %mul3A_719 = arith.mulf %sub3A_716, %mul3A_718 : vector<16xf32>
        %add3A_720 = arith.addf %mul3A_719, %get3A_710 : vector<16xf32>
        %swap3A_721 = arith.constant 0 : i32
        %swap3A_722 = arith.index_cast %swap3A_721 : i32 to index
        %swap3A_723 = arith.index_cast %mul3A_707 : i32 to index
        %swap3A_724 = tpu.vector_load %arg26[%swap3A_722, %swap3A_723] {strides = array<i32>} : memref<8x768xf32, #tpu.memory_space<vmem>>, vector<16xf32>,
        tpu.vector_store %arg26[%swap3A_722, %swap3A_723], %add3A_720 {strides = array<i32>} : memref<8x768xf32, #tpu.memory_space<vmem>>, vector<16xf32>,
        %get3A_725 = arith.constant 1 : i32
        %get3A_726 = arith.index_cast %get3A_725 : i32 to index
        %get3A_727 = arith.index_cast %mul3A_707 : i32 to index
        %get3A_728 = tpu.vector_load %arg24[%get3A_726, %get3A_727] {strides = array<i32>} : memref<64x768xf32, #tpu.memory_space<vmem>>, vector<16xf32>,
        %sub3A_729 = vector.broadcast %squeeze3A_663 : f32 to vector<16xf32>
        %sub3A_730 = arith.subf %get3A_728, %sub3A_729 : vector<16xf32>
        %mul3A_731 = vector.broadcast %squeeze3A_679 : f32 to vector<16xf32>
        %mul3A_732 = arith.mulf %mul3A_731, %get3A_708 : vector<16xf32>
        %mul3A_733 = arith.mulf %sub3A_730, %mul3A_732 : vector<16xf32>
        %add3A_734 = arith.addf %mul3A_733, %get3A_710 : vector<16xf32>
        %swap3A_735 = arith.constant 1 : i32
        %swap3A_736 = arith.index_cast %swap3A_735 : i32 to index
        %swap3A_737 = arith.index_cast %mul3A_707 : i32 to index
        %swap3A_738 = tpu.vector_load %arg26[%swap3A_736, %swap3A_737] {strides = array<i32>} : memref<8x768xf32, #tpu.memory_space<vmem>>, vector<16xf32>,
        tpu.vector_store %arg26[%swap3A_736, %swap3A_737], %add3A_734 {strides = array<i32>} : memref<8x768xf32, #tpu.memory_space<vmem>>, vector<16xf32>,
        %get3A_739 = arith.constant 2 : i32
        %get3A_740 = arith.index_cast %get3A_739 : i32 to index
        %get3A_741 = arith.index_cast %mul3A_707 : i32 to index
        %get3A_742 = tpu.vector_load %arg24[%get3A_740, %get3A_741] {strides = array<i32>} : memref<64x768xf32, #tpu.memory_space<vmem>>, vector<16xf32>,
        %sub3A_743 = vector.broadcast %squeeze3A_665 : f32 to vector<16xf32>
        %sub3A_744 = arith.subf %get3A_742, %sub3A_743 : vector<16xf32>
        %mul3A_745 = vector.broadcast %squeeze3A_681 : f32 to vector<16xf32>
        %mul3A_746 = arith.mulf %mul3A_745, %get3A_708 : vector<16xf32>
        %mul3A_747 = arith.mulf %sub3A_744, %mul3A_746 : vector<16xf32>
        %add3A_748 = arith.addf %mul3A_747, %get3A_710 : vector<16xf32>
        %swap3A_749 = arith.constant 2 : i32
        %swap3A_750 = arith.index_cast %swap3A_749 : i32 to index
        %swap3A_751 = arith.index_cast %mul3A_707 : i32 to index
        %swap3A_752 = tpu.vector_load %arg26[%swap3A_750, %swap3A_751] {strides = array<i32>} : memref<8x768xf32, #tpu.memory_space<vmem>>, vector<16xf32>,
        tpu.vector_store %arg26[%swap3A_750, %swap3A_751], %add3A_748 {strides = array<i32>} : memref<8x768xf32, #tpu.memory_space<vmem>>, vector<16xf32>,
        %get3A_753 = arith.constant 3 : i32
        %get3A_754 = arith.index_cast %get3A_753 : i32 to index
        %get3A_755 = arith.index_cast %mul3A_707 : i32 to index
        %get3A_756 = tpu.vector_load %arg24[%get3A_754, %get3A_755] {strides = array<i32>} : memref<64x768xf32, #tpu.memory_space<vmem>>, vector<16xf32>,
        %sub3A_757 = vector.broadcast %squeeze3A_667 : f32 to vector<16xf32>
        %sub3A_758 = arith.subf %get3A_756, %sub3A_757 : vector<16xf32>
        %mul3A_759 = vector.broadcast %squeeze3A_683 : f32 to vector<16xf32>
        %mul3A_760 = arith.mulf %mul3A_759, %get3A_708 : vector<16xf32>
        %mul3A_761 = arith.mulf %sub3A_758, %mul3A_760 : vector<16xf32>
        %add3A_762 = arith.addf %mul3A_761, %get3A_710 : vector<16xf32>
        %swap3A_763 = arith.constant 3 : i32
        %swap3A_764 = arith.index_cast %swap3A_763 : i32 to index
        %swap3A_765 = arith.index_cast %mul3A_707 : i32 to index
        %swap3A_766 = tpu.vector_load %arg26[%swap3A_764, %swap3A_765] {strides = array<i32>} : memref<8x768xf32, #tpu.memory_space<vmem>>, vector<16xf32>,
        tpu.vector_store %arg26[%swap3A_764, %swap3A_765], %add3A_762 {strides = array<i32>} : memref<8x768xf32, #tpu.memory_space<vmem>>, vector<16xf32>,
        %get3A_767 = arith.constant 4 : i32
        %get3A_768 = arith.index_cast %get3A_767 : i32 to index
        %get3A_769 = arith.index_cast %mul3A_707 : i32 to index
        %get3A_770 = tpu.vector_load %arg24[%get3A_768, %get3A_769] {strides = array<i32>} : memref<64x768xf32, #tpu.memory_space<vmem>>, vector<16xf32>,
        %sub3A_771 = vector.broadcast %squeeze3A_669 : f32 to vector<16xf32>
        %sub3A_772 = arith.subf %get3A_770, %sub3A_771 : vector<16xf32>
        %mul3A_773 = vector.broadcast %squeeze3A_685 : f32 to vector<16xf32>
        %mul3A_774 = arith.mulf %mul3A_773, %get3A_708 : vector<16xf32>
        %mul3A_775 = arith.mulf %sub3A_772, %mul3A_774 : vector<16xf32>
        %add3A_776 = arith.addf %mul3A_775, %get3A_710 : vector<16xf32>
        %swap3A_777 = arith.constant 4 : i32
        %swap3A_778 = arith.index_cast %swap3A_777 : i32 to index
        %swap3A_779 = arith.index_cast %mul3A_707 : i32 to index
        %swap3A_780 = tpu.vector_load %arg26[%swap3A_778, %swap3A_779] {strides = array<i32>} : memref<8x768xf32, #tpu.memory_space<vmem>>, vector<16xf32>,
        tpu.vector_store %arg26[%swap3A_778, %swap3A_779], %add3A_776 {strides = array<i32>} : memref<8x768xf32, #tpu.memory_space<vmem>>, vector<16xf32>,
        %get3A_781 = arith.constant 5 : i32
        %get3A_782 = arith.index_cast %get3A_781 : i32 to index
        %get3A_783 = arith.index_cast %mul3A_707 : i32 to index
        %get3A_784 = tpu.vector_load %arg24[%get3A_782, %get3A_783] {strides = array<i32>} : memref<64x768xf32, #tpu.memory_space<vmem>>, vector<16xf32>,
        %sub3A_785 = vector.broadcast %squeeze3A_671 : f32 to vector<16xf32>
        %sub3A_786 = arith.subf %get3A_784, %sub3A_785 : vector<16xf32>
        %mul3A_787 = vector.broadcast %squeeze3A_687 : f32 to vector<16xf32>
        %mul3A_788 = arith.mulf %mul3A_787, %get3A_708 : vector<16xf32>
        %mul3A_789 = arith.mulf %sub3A_786, %mul3A_788 : vector<16xf32>
        %add3A_790 = arith.addf %mul3A_789, %get3A_710 : vector<16xf32>
        %swap3A_791 = arith.constant 5 : i32
        %swap3A_792 = arith.index_cast %swap3A_791 : i32 to index
        %swap3A_793 = arith.index_cast %mul3A_707 : i32 to index
        %swap3A_794 = tpu.vector_load %arg26[%swap3A_792, %swap3A_793] {strides = array<i32>} : memref<8x768xf32, #tpu.memory_space<vmem>>, vector<16xf32>,
        tpu.vector_store %arg26[%swap3A_792, %swap3A_793], %add3A_790 {strides = array<i32>} : memref<8x768xf32, #tpu.memory_space<vmem>>, vector<16xf32>,
        %get3A_795 = arith.constant 6 : i32
        %get3A_796 = arith.index_cast %get3A_795 : i32 to index
        %get3A_797 = arith.index_cast %mul3A_707 : i32 to index
        %get3A_798 = tpu.vector_load %arg24[%get3A_796, %get3A_797] {strides = array<i32>} : memref<64x768xf32, #tpu.memory_space<vmem>>, vector<16xf32>,
        %sub3A_799 = vector.broadcast %squeeze3A_673 : f32 to vector<16xf32>
        %sub3A_800 = arith.subf %get3A_798, %sub3A_799 : vector<16xf32>
        %mul3A_801 = vector.broadcast %squeeze3A_689 : f32 to vector<16xf32>
        %mul3A_802 = arith.mulf %mul3A_801, %get3A_708 : vector<16xf32>
        %mul3A_803 = arith.mulf %sub3A_800, %mul3A_802 : vector<16xf32>
        %add3A_804 = arith.addf %mul3A_803, %get3A_710 : vector<16xf32>
        %swap3A_805 = arith.constant 6 : i32
        %swap3A_806 = arith.index_cast %swap3A_805 : i32 to index
        %swap3A_807 = arith.index_cast %mul3A_707 : i32 to index
        %swap3A_808 = tpu.vector_load %arg26[%swap3A_806, %swap3A_807] {strides = array<i32>} : memref<8x768xf32, #tpu.memory_space<vmem>>, vector<16xf32>,
        tpu.vector_store %arg26[%swap3A_806, %swap3A_807], %add3A_804 {strides = array<i32>} : memref<8x768xf32, #tpu.memory_space<vmem>>, vector<16xf32>,
        %get3A_809 = arith.constant 7 : i32
        %get3A_810 = arith.index_cast %get3A_809 : i32 to index
        %get3A_811 = arith.index_cast %mul3A_707 : i32 to index
        %get3A_812 = tpu.vector_load %arg24[%get3A_810, %get3A_811] {strides = array<i32>} : memref<64x768xf32, #tpu.memory_space<vmem>>, vector<16xf32>,
        %sub3A_813 = vector.broadcast %squeeze3A_675 : f32 to vector<16xf32>
        %sub3A_814 = arith.subf %get3A_812, %sub3A_813 : vector<16xf32>
        %mul3A_815 = vector.broadcast %squeeze3A_691 : f32 to vector<16xf32>
        %mul3A_816 = arith.mulf %mul3A_815, %get3A_708 : vector<16xf32>
        %mul3A_817 = arith.mulf %sub3A_814, %mul3A_816 : vector<16xf32>
        %add3A_818 = arith.addf %mul3A_817, %get3A_710 : vector<16xf32>
        %swap3A_819 = arith.constant 7 : i32
        %swap3A_820 = arith.index_cast %swap3A_819 : i32 to index
        %swap3A_821 = arith.index_cast %mul3A_707 : i32 to index
        %swap3A_822 = tpu.vector_load %arg26[%swap3A_820, %swap3A_821] {strides = array<i32>} : memref<8x768xf32, #tpu.memory_space<vmem>>, vector<16xf32>,
        tpu.vector_store %arg26[%swap3A_820, %swap3A_821], %add3A_818 {strides = array<i32>} : memref<8x768xf32, #tpu.memory_space<vmem>>, vector<16xf32>,
      }
      %scan3A_697 = arith.constant 48 : i32
      %mul3A_698 = arith.constant 8 : i32
      %mul3A_699 = arith.muli %add3A_526, %mul3A_698 : i32
      %add3A_700 = arith.addi %mul3A_2, %mul3A_699 : i32
      %dma_start3A_701 = arith.constant 0 : i32
      %dma_start3A_702 = tpu.memref_slice %arg15[%add3A_700, %dma_start3A_701] : memref<32768x768xf32, #tpu.memory_space<hbm>> -> memref<8x768xf32, #tpu.memory_space<hbm>>
      %dma_start3A_703 = arith.constant 0 : i32
      %dma_start3A_704 = tpu.memref_slice %arg15[%add3A_700, %dma_start3A_703] : memref<32768x768xf32, #tpu.memory_space<hbm>> -> memref<8x768xf32, #tpu.memory_space<hbm>>
      tpu.enqueue_dma source(%arg26 : memref<8x768xf32, #tpu.memory_space<vmem>>) target(%dma_start3A_704 : memref<8x768xf32, #tpu.memory_space<hbm>>) target_semaphore(%arg36 : memref<!tpu.dma_semaphore, #tpu.memory_space<semaphore_mem>>)
    }
    %scan3A_81 = arith.constant 64 : i32
    %dma_wait3A = arith.constant 0 : i32
    %dma_wait3A_82 = arith.constant 0 : i32
    %dma_wait3A_83 = tpu.memref_slice %arg15[%dma_wait3A, %dma_wait3A_82] : memref<32768x768xf32, #tpu.memory_space<hbm>> -> memref<8x768xf32, #tpu.memory_space<hbm>>
    %dma_wait3A_84 = arith.constant 0 : i32
    %dma_wait3A_85 = arith.constant 0 : i32
    %dma_wait3A_86 = tpu.memref_slice %arg15[%dma_wait3A_84, %dma_wait3A_85] : memref<32768x768xf32, #tpu.memory_space<hbm>> -> memref<8x768xf32, #tpu.memory_space<hbm>>
    tpu.wait_dma2 semaphore(%arg35 : memref<!tpu.dma_semaphore, #tpu.memory_space<semaphore_mem>>) src(%arg25 : memref<8x768xf32, #tpu.memory_space<vmem>>) dst(%dma_wait3A_86 : memref<8x768xf32, #tpu.memory_space<hbm>>)
    %dma_wait3A_87 = arith.constant 0 : i32
    %dma_wait3A_88 = arith.constant 0 : i32
    %dma_wait3A_89 = tpu.memref_slice %arg15[%dma_wait3A_87, %dma_wait3A_88] : memref<32768x768xf32, #tpu.memory_space<hbm>> -> memref<8x768xf32, #tpu.memory_space<hbm>>
    %dma_wait3A_90 = arith.constant 0 : i32
    %dma_wait3A_91 = arith.constant 0 : i32
    %dma_wait3A_92 = tpu.memref_slice %arg15[%dma_wait3A_90, %dma_wait3A_91] : memref<32768x768xf32, #tpu.memory_space<hbm>> -> memref<8x768xf32, #tpu.memory_space<hbm>>
    tpu.wait_dma2 semaphore(%arg36 : memref<!tpu.dma_semaphore, #tpu.memory_space<semaphore_mem>>) src(%arg26 : memref<8x768xf32, #tpu.memory_space<vmem>>) dst(%dma_wait3A_92 : memref<8x768xf32, #tpu.memory_space<hbm>>)
    return
  }
}

</mosaic_0001>

<sc_bundles>
// kernel: _sc_call.3.cloned.1.call-start
scs
__scs_entry_jumppad:
0x0: {  	(pc) =	sbr.rel $0x88, $3  }
0x1: {  	(tag) =	ssettag $0x0;
	lr =	simm.s32 $0x1  }
0x2: {  	[smem:$0x3F94] =	sst lr;
	_ =	strace $0xD0000000  }
0x3: {  	_ = 	snop  }
0x4: {  	_ = 	snop  }
0x5: {  	_ = 	snop  }
0x6: {  	_ = 	snop  }
0x7: {  	_ = 	snop  }
__scs_overlays_trampoline_lowered:
0x8: {  	[smem:$0x3FA3] =	sst s0  }
0x9: {  	[smem:$0x3FA4] =	sst s1  }
0xa: {  	[smem:$0x3FA5] =	sst s2  }
0xb: {  	[smem:$0x3FA6] =	sst s3  }
0xc: {  	[smem:$0x3FA7] =	sst s4  }
0xd: {  	[smem:$0x3FA8] =	sst s5  }
0xe: {  	[smem:$0x3FA9] =	sst s6  }
0xf: {  	[smem:$0x3FAA] =	sst s7  }
0x10: {  	[smem:$0x3FAB] =	sst s8  }
0x11: {  	[smem:$0x3FAC] =	sst s9;
	s0 =	simm.s32 @!p0 $0x0  }
0x12: {  	s1 =	sld [smem:$0x3F92];
	s0 =	simm.s32 @p0 $0x1  }
0x13: {  	[smem:$0x3FAD] =	sst s0;
	s0 =	simm.s32 @!p1 $0x0  }
0x14: {  	s2 =	sld [smem:$0x3F91];
	s0 =	simm.s32 @p1 $0x1  }
0x15: {  	[smem:$0x3FAE] =	sst s0;
	s0 =	simm.s32 @!p2 $0x0  }
0x16: {  	s3 =	sld [smem:$0x3FDB];
	s0 =	simm.s32 @p2 $0x1  }
0x17: {  	s4 =	simm.s32 $0x1BF5;
	[smem:$0x3FB0] =	sst s0  }
0x18: {  	s0 =	sld [smem:$0x3F93];
	_ =	swait.ge [sflag:s4], $0x0  }
0x19: {  	s7 =	sld [smem:$0x3F94]  }
0x1a: {  	s8 =	sadd.s32 $0xFFFFE003, lr  }
0x1b: {  	s9 =	sadd.s32 $0xFFFFFEF7, lr;
	s5 =	simm.s32 $0xFFFFFFFF;
	p2 =	slt.u32 s8, $0xFFFFF086  }
0x1c: {  	p1 =	slt.u32 s9, $0xF7A;
	s5 =	simm.s32 @!p2 $0x0  }
0x1d: {  	s5 =	simm.s32 @p1 $0x1;
	p0 =	seq.s32 s7, s2  }
0x1e: {  	s7 =	smul.u32 @!p0 $0xF7A, s2;
	p2 =	seq.s32 @!p0 s5, $0x0  }
0x1f: {  	s9 =	smul.u32 $0xF7A, s1;
	s8 =	simm.s32 @!p0 $0x1BF5;
	p2 =	por !p2, p0  }
0x20: {  	[sflag:s8] =	ssyncset.s32 @!p0 $0xFFFFF086;
	s6 =	sadd.s32 @!p0 s3, s7;
	s7 =	simm.s32 @!p0 $0x108  }
0x21: {  	s3 =	sadd.s32 s3, s9;
	s6 =	sadd.s32 @!p0 $0x88, s6;
	s7 =	simm.s32 @p2 $0x1082  }
0x22: {  	[simem:s7], [sflag:s8] =	dma.local @!p0 [hbm:s6], $0xF7A  }
0x23: {  	s9 =	sor.u32 $0xD0000000, s2;
	s6 =	simm.s32 $0x108;
	_ =	swait.ge @!p0 [sflag:s8], $0x0  }
0x24: {  	s3 =	sadd.s32 $0x88, s3;
	s6 =	simm.s32 @!p1 $0x1082;
	[sflag:s4] =	ssyncset.s32 $0xFFFFF086  }
0x25: {  	[simem:s6], [sflag:s4] =	dma.local [hbm:s3], $0xF7A  }
0x26: {  	[smem:$0x3F94] =	sst s1;
	(tag) =	ssettag s2;
	_ =	strace s9  }
0x27: {  	s1 =	sld [smem:$0x3FA4]  }
0x28: {  	s2 =	sld [smem:$0x3FA5]  }
0x29: {  	s4 =	sld [smem:$0x3FA7]  }
0x2a: {  	p0 =	seq.s32 s5, $0x0;
	s5 =	sld [smem:$0x3FA8]  }
0x2b: {  	s6 =	sld [smem:$0x3FA9]  }
0x2c: {  	s7 =	sld [smem:$0x3FAA]  }
0x2d: {  	s3 =	simm.s32 $0x108;
	s8 =	sld [smem:$0x3FAB]  }
0x2e: {  	s3 =	simm.s32 @!p0 $0x1082;
	s9 =	sld [smem:$0x3FAC]  }
0x2f: {  	lr =	sadd.s32 s0, s3;
	s0 =	sld [smem:$0x3FA3]  }
0x30: {  	s3 =	sld [smem:$0x3FA6]  }
0x31: {  	[smem:$0x3FAF] =	sst s10  }
0x32: {  	s10 =	sld [smem:$0x3FAD];
	_ =	sdelay $0x3  }
0x33: {  	p0 =	seq.s32 s10, $0x1;
	s10 =	sld [smem:$0x3FAF];
	_ =	sdelay $0x3  }
0x34: {  	[smem:$0x3FAF] =	sst s10  }
0x35: {  	s10 =	sld [smem:$0x3FAE];
	_ =	sdelay $0x3  }
0x36: {  	p1 =	seq.s32 s10, $0x1;
	s10 =	sld [smem:$0x3FAF];
	_ =	sdelay $0x3  }
0x37: {  	[smem:$0x3FAF] =	sst s10  }
0x38: {  	s10 =	sld [smem:$0x3FB0]  }
0x39: {  	_ = 	snop;
	(pc) =	sbr.ind lr, $3  }
0x3a: {  	_ = 	snop  }
0x3b: {  	_ = 	snop  }
0x3c: {  	p2 =	seq.s32 s10, $0x1;
	s10 =	sld [smem:$0x3FAF]  }
0x3d: {  	_ =	shalt  }
0x3e: {  	_ =	shalt  }
0x3f: {  	_ =	shalt  }
0x40: {  	_ =	shalt  }
0x41: {  	_ =	shalt  }
0x42: {  	_ =	shalt  }
0x43: {  	_ =	shalt  }
0x44: {  	_ =	shalt  }
0x45: {  	_ =	shalt  }
0x46: {  	_ =	shalt  }
0x47: {  	_ =	shalt  }
0x48: {  	_ =	shalt  }
0x49: {  	_ =	shalt  }
0x4a: {  	_ =	shalt  }
0x4b: {  	_ =	shalt  }
0x4c: {  	_ =	shalt  }
0x4d: {  	_ =	shalt  }
0x4e: {  	_ =	shalt  }
0x4f: {  	_ =	shalt  }
0x50: {  	_ =	shalt  }
0x51: {  	_ =	shalt  }
0x52: {  	_ =	shalt  }
0x53: {  	_ =	shalt  }
0x54: {  	_ =	shalt  }
0x55: {  	_ =	shalt  }
0x56: {  	_ =	shalt  }
0x57: {  	_ =	shalt  }
0x58: {  	_ =	shalt  }
0x59: {  	_ =	shalt  }
0x5a: {  	_ =	shalt  }
0x5b: {  	_ =	shalt  }
0x5c: {  	_ =	shalt  }
0x5d: {  	_ =	shalt  }
0x5e: {  	_ =	shalt  }
0x5f: {  	_ =	shalt  }
0x60: {  	_ =	shalt  }
0x61: {  	_ =	shalt  }
0x62: {  	_ =	shalt  }
0x63: {  	_ =	shalt  }
0x64: {  	_ =	shalt  }
0x65: {  	_ =	shalt  }
0x66: {  	_ =	shalt  }
0x67: {  	_ =	shalt  }
0x68: {  	_ =	shalt  }
0x69: {  	_ =	shalt  }
0x6a: {  	_ =	shalt  }
0x6b: {  	_ =	shalt  }
0x6c: {  	_ =	shalt  }
0x6d: {  	_ =	shalt  }
0x6e: {  	_ =	shalt  }
0x6f: {  	_ =	shalt  }
0x70: {  	_ =	shalt  }
0x71: {  	_ =	shalt  }
0x72: {  	_ =	shalt  }
0x73: {  	_ =	shalt  }
0x74: {  	_ =	shalt  }
0x75: {  	_ =	shalt  }
0x76: {  	_ =	shalt  }
0x77: {  	_ =	shalt  }
0x78: {  	_ =	shalt  }
0x79: {  	_ =	shalt  }
0x7a: {  	_ =	shalt  }
0x7b: {  	_ =	shalt  }
0x7c: {  	_ =	shalt  }
0x7d: {  	_ =	shalt  }
0x7e: {  	_ =	shalt  }
0x7f: {  	_ =	shalt  }
0x80: {  	_ =	shalt  }
0x81: {  	_ =	shalt  }
0x82: {  	_ =	shalt  }
0x83: {  	_ =	shalt  }
0x84: {  	_ =	shalt  }
0x85: {  	_ =	shalt  }
0x86: {  	_ =	shalt  }
0x87: {  	_ =	shalt  }
.Lfunc_end0:
.L_simem_size_0:
called_computation_lowered:
.L_overlay_start_0:
0x88: {  	s2 =	sld [smem:$0x3FD9]  }
0x89: {  	s3 =	sld [smem:$0x3FFE];
	_ =	sdelay $0x1  }
0x8a: {  	s1 =	srdreg.scid  }
0x8b: {  	s0 =	sand.u32 $0x1, s1  }
0x8c: {  	s25 =	sshll.u32 s0, $0xA;
	s2 =	sadd.s32 s3, s2  }
0x8d: {  	s2 =	sadd.s32 s2, s25  }
0x8e: {  	[smem:$0x3FBB] =	sst s2  }
0x8f: {  	_ = 	snop  }
0x90: {  	s2 =	sld [smem:$0x3FC9]  }
0x91: {  	s3 =	sld [smem:$0x3FC8]  }
0x92: {  	s4 =	sld [smem:$0x3FC7]  }
0x93: {  	s5 =	sld [smem:$0x3FC6]  }
0x94: {  	s6 =	sld [smem:$0x3FC5]  }
0x95: {  	s7 =	sld [smem:$0x3FC4]  }
0x96: {  	s8 =	sld [smem:$0x3FC3]  }
0x97: {  	s9 =	sld [smem:$0x3FC2]  }
0x98: {  	s10 =	sld [smem:$0x3FC1]  }
0x99: {  	s11 =	sld [smem:$0x3FC0]  }
0x9a: {  	s12 =	sld [smem:$0x3FBF]  }
0x9b: {  	s13 =	sld [smem:$0x3FBE]  }
0x9c: {  	s14 =	sld [smem:$0x3FBD]  }
0x9d: {  	s15 =	sld [smem:$0x3FD0];
	(tm) =	ssettm $0x1  }
0x9e: {  	s16 =	sld [smem:$0x3FFB];
	_ =	sdelay $0x3  }
0x9f: {  	_ =	strace s16  }
0xa0: {  	s16 =	sld [smem:$0x3FFC];
	_ =	sdelay $0x3  }
0xa1: {  	_ =	strace s16  }
0xa2: {  	s16 =	sld [smem:$0x3FFD];
	_ =	sdelay $0x3  }
0xa3: {  	_ =	strace s16  }
0xa4: {  	_ =	strace $0x8FFFFFFF  }
0xa5: {  	s26 =	sld [smem:$0x3FDB];
	_ =	sdelay $0x1  }
0xa6: {  	s17 =	simm.s32 $_scs_section_size  }
0xa7: {  	s18 =	simm.s32 $_size__tile_task_arg_handler_lowered;
	s19 =	simm.s32 $_tile_task_arg_handler_lowered  }
0xa8: {  	s30 =	simm.s32 $0x1BFF;
	s29 =	sshll.u32 s19, $0x1;
	s17 =	sadd.s32 s17, s26  }
0xa9: {  	s20 =	simm.s32 $0x60;
	s28 =	sshll.u32 s18, $0x1;
	s18 =	sadd.s32 s29, s17  }
0xaa: {  	[timem:s20], [sflag:s30] =	dma.local [hbm:s18], s28  }
0xab: {  	_ =	swait.ge [sflag:s30], s28  }
0xac: {  	s31 =	simm.s32 $_tile_overlayer_lowered;
	s16 =	ssub.s32 $0x0, s28;
	[sflag:s30] =	ssyncset.done $0x0  }
0xad: {  	s20 =	simm.s32 $_size__tile_overlayer_lowered;
	s18 =	sshll.u32 s31, $0x1;
	[sflag:s30] =	ssyncadd.s32 s16  }
0xae: {  	s22 =	simm.s32 $0x0;
	s21 =	sshll.u32 s20, $0x1;
	s18 =	sadd.s32 s18, s17  }
0xaf: {  	[timem:s22], [sflag:s30] =	dma.local [hbm:s18], s21  }
0xb0: {  	_ =	swait.ge [sflag:s30], s21  }
0xb1: {  	s23 =	ssub.s32 $0x0, s21;
	[sflag:s30] =	ssyncset.done $0x0  }
0xb2: {  	[sflag:s30] =	ssyncadd.s32 s23;
	_ =	sdelay $0x1  }
0xb3: {  	s24 =	simm.s32 $0x1B8B  }
0xb4: {  	_ =	swait.ge [sflag:s24], $0x1  }
0xb5: {  	[sflag:s24] =	ssyncset.done $0x0  }
0xb6: {  	s25 =	simm.s32 $0x1B8E;
	[sflag:s24] =	ssyncadd.s32 $0xFFFFFFFF  }
0xb7: {  	s26 =	simm.s32 $execute0_lowered;
	[smem:$0x3FD2] =	sst s25  }
0xb8: {  	s18 =	sshll.u32 s26, $0x1;
	_ =	strace $0x80000046;
	[dreg:$0x1] =	wrdreg $0xFFFFFFFF  }
0xb9: {  	s28 =	simm.s32 $_size_execute0_lowered;
	s17 =	sadd.s32 s17, s18;
	[dreg:$0x0] =	wrdreg $0x0  }
0xba: {  	s18 =	sshll.u32 s28, $0x1;
	[dreg:$0x2] =	wrdreg s17  }
0xbb: {  	[dreg:$0x3] =	wrdreg s18  }
0xbc: {  	[dreg:$0x4] =	wrdreg $0xC0  }
0xbd: {  	_ =	task [dreg:s22], $0x5FFFF  }
0xbe: {  	[dreg:$0x1] =	wrdreg $0xFFFFFFFF  }
0xbf: {  	[dreg:$0x0] =	wrdreg $0x30  }
0xc0: {  	[dreg:$0x2] =	wrdreg $0x0  }
0xc1: {  	[dreg:$0x3] =	wrdreg $0x9  }
0xc2: {  	_ =	task [dreg:s22], $0x4FFFF  }
0xc3: {  	[dreg:$0x1] =	wrdreg $0xFFFFFFFF  }
0xc4: {  	[dreg:$0x0] =	wrdreg $0x60  }
0xc5: {  	[dreg:$0x2] =	wrdreg s2  }
0xc6: {  	[dreg:$0x3] =	wrdreg s3  }
0xc7: {  	[dreg:$0x4] =	wrdreg s4  }
0xc8: {  	[dreg:$0x5] =	wrdreg s5  }
0xc9: {  	[dreg:$0x6] =	wrdreg s6  }
0xca: {  	[dreg:$0x7] =	wrdreg s7  }
0xcb: {  	[dreg:$0x8] =	wrdreg s8  }
0xcc: {  	[dreg:$0x9] =	wrdreg s9  }
0xcd: {  	[dreg:$0xa] =	wrdreg s10  }
0xce: {  	[dreg:$0xb] =	wrdreg s11  }
0xcf: {  	[dreg:$0xc] =	wrdreg s12  }
0xd0: {  	[dreg:$0xd] =	wrdreg s13  }
0xd1: {  	[dreg:$0xe] =	wrdreg s14  }
0xd2: {  	[dreg:$0xf] =	wrdreg s15  }
0xd3: {  	_ =	task.clear_ibuf [dreg:s22], $0x10FFFF;
	_ =	strace $0x90000046  }
0xd4: {  	s29 =	simm.s32 $0x9;
	_ =	strace $0x80000048  }
0xd5: {  	_ =	swait.ge [sflag:s29], $0x1  }
0xd6: {  	[sflag:s29] =	ssyncadd.s32 $0xFFFFFFFF  }
0xd7: {  	_ =	strace $0x90000048  }
0xd8: {  	_ =	sfence  }
0xd9: {  	s30 =	sld [smem:$0x0];
	_ =	sdelay $0x2  }
0xda: {  	s31 =	sshll.u32 s1, $0xD;
	s1 =	sshrl.u32 s1, $0x2  }
0xdb: {  	s3 =	sand.u32 $0x4000, s31;
	s1 =	sadd.s32 s1, s30  }
0xdc: {  	s0 =	sor.u32 s3, s0;
	s1 =	sshll.u32 s1, $0x11  }
0xdd: {  	s0 =	sor.u32 s1, s0  }
0xde: {  	s0 =	sadd.s32 $0x8F2B, s0  }
0xdf: {  	[sflag:s0] =	ssyncadd.remote.s32 $0x1  }
0xe0: {  	_ =	sfence.sel $0xFFFF  }
0xe1: {  	[dreg:$0x0] =	wrdreg $0xFFFFFFFF;
	(pc) =	sbr.abs _section_cstart, $3  }
0xe2: {  	[dreg:$0x1] =	wrdreg $0xFFFFFFFF  }
0xe3: {  	_ =	task.clear_ibuf [dreg:s22], $0x2FFFF;
	_ =	strace $0x9FFFFFFF  }
0xe4: {  	(tm) =	ssettm $0x7FFFFFFF  }
0xe5: {  	_ =	shalt  }
tec
_tile_task_arg_handler_lowered:
.L_overlay_start_1:
0x0: {  	(tag) =	ssettag $0x1  }
0x1: {  	s0 =	rddreg [dreg:$0x0]  }
0x2: {  	s1 =	rddreg [dreg:$0x1]  }
0x3: {  	s2 =	rddreg [dreg:$0x2]  }
0x4: {  	s3 =	rddreg [dreg:$0x3]  }
0x5: {  	s4 =	rddreg [dreg:$0x4]  }
0x6: {  	s5 =	rddreg [dreg:$0x5]  }
0x7: {  	s6 =	rddreg [dreg:$0x6]  }
0x8: {  	s7 =	rddreg [dreg:$0x7]  }
0x9: {  	s8 =	rddreg [dreg:$0x8]  }
0xa: {  	s9 =	rddreg [dreg:$0x9]  }
0xb: {  	s10 =	rddreg [dreg:$0xa]  }
0xc: {  	s11 =	rddreg [dreg:$0xb]  }
0xd: {  	s12 =	rddreg [dreg:$0xc]  }
0xe: {  	s13 =	rddreg [dreg:$0xd]  }
0xf: {  	[smem:s0] =	sst s1  }
0x10: {  	[smem:s0+$0x1] =	sst s2  }
0x11: {  	[smem:s0+$0x2] =	sst s3  }
0x12: {  	[smem:s0+$0x3] =	sst s4  }
0x13: {  	[smem:s0+$0x4] =	sst s5  }
0x14: {  	[smem:s0+$0x5] =	sst s6  }
0x15: {  	[smem:s0+$0x6] =	sst s7  }
0x16: {  	[smem:s0+$0x7] =	sst s8  }
0x17: {  	[smem:s0+$0x8] =	sst s9  }
0x18: {  	[smem:s0+$0x9] =	sst s10  }
0x19: {  	[smem:s0+$0xA] =	sst s11  }
0x1a: {  	[smem:s0+$0xB] =	sst s12  }
0x1b: {  	[smem:s0+$0xC] =	sst s13;
	_ =	shalt  }
.Lfunc_end2:
execute0_lowered:
.L_overlay_start_2:
0x1c: {  	(tag) =	ssettag $0x2  }
0x1d: {  	s0 =	rddreg [dreg:$0x0]  }
0x1e: {  	s1 =	rddreg [dreg:$0x1]  }
0x1f: {  	s4 =	rddreg [dreg:$0x2]  }
0x20: {  	s6 =	rddreg [dreg:$0x3]  }
0x21: {  	s7 =	rddreg [dreg:$0x4]  }
0x22: {  	s5 =	rddreg [dreg:$0x5]  }
0x23: {  	s2 =	rddreg [dreg:$0x7]  }
0x24: {  	s3 =	rddreg [dreg:$0x8]  }
0x25: {  	s14 =	rddreg [dreg:$0x9]  }
0x26: {  	s15 =	rddreg [dreg:$0xa]  }
0x27: {  	s8 =	srdreg.scid;
	s9 =	rddreg [dreg:$0xd]  }
0x28: {  	s10 =	stileid.u32;
	s11 =	simm.s32 $0x0;
	s31 =	simm.s32 $0x1D200  }
0x29: {  	s30 =	simm.s32 $0x0;
	s8 =	sand.u32 $0x1, s8;
	s10 =	sshll.u32 s10, $0xB  }
0x2a: {  	[smem:$0x7FF] =	sst s11;
	s18 =	sadd.s32 $0x100, s5;
	s19 =	sadd.s32 $0x200, s5  }
0x2b: {  	s12 =	sshll.u32 s8, $0xA;
	s8 =	ssub.s32 $0x2, s8;
	s20 =	sld [smem:$0x0]  }
0x2c: {  	s28 =	sadd.s32 $0x100, s15;
	s12 =	sor.u32 s12, s10;
	s21 =	sshrl.u32 s8, $0x1  }
0x2d: {  	s29 =	sadd.s32 $0x200, s15;
	s13 =	sshrl.u32 s12, $0x3;
	s8 =	ssub.s32 s8, s21  }
0x2e: {  	s21 =	sadd.s32 $0x200, s2;
	[dreg:$0xe] =	wrdreg s20;
	s0 =	sadd.s32 s0, s13  }
0x2f: {  	s22 =	sadd.s32 s1, s13;
	_ =	strace $0x80000047;
	[dreg:$0xf] =	wrdreg s0  }
0x30: {  	s23 =	sadd.s32 s4, s13;
	s24 =	sadd.s32 s6, s13;
	[dreg:$0x10] =	wrdreg s22  }
0x31: {  	s25 =	sadd.s32 s7, s13;
	s20 =	sadd.s32 $0x100, s2;
	[dreg:$0x11] =	wrdreg s23  }
0x32: {  	s26 =	smax.u32 s8, $0x1;
	s6 =	simm.s32 $0x1DA00;
	[dreg:$0x12] =	wrdreg s24  }
0x33: {  	v2 =	vlaneseq.u32;
	s7 =	simm.s32 $0x2;
	s4 =	simm.s32 $0x0;
	[dreg:$0x13] =	wrdreg s25  }
0x34: {  	vm0 =	vmmov $0xffff;
	v1 =	vshrl.u32 v2, $0x3;
	s22 =	sadd.s32 $0x100, s3;
	s23 =	sadd.s32 $0x200, s3;
	s24 =	sadd.s32 $0x100, s14  }
0x35: {  	v0 =	vand.u32 $0x7, v2;
	v2 =	vmul.u32 $0x80, v2;
	v1 =	vmul.u32 $0x8, v1;
	[dreg:$0x14] =	wrdreg s26;
	s26 =	sadd.s32 $0x200, s14;
	s25 =	simm.s32 $0x1  }
.LBB3_1:
0x36: {  	s0 =	rddreg [dreg:$0xb];
	s1 =	simm.s32 $0x1CC00  }
0x37: {  	[tilespmem:s1], [sflag:$0x5] =	stream.linear.gather [hbm4b:s0+s11], $0x300, $0x38;
	[tilespmem:$0x1E200] =	vst v63  }
0x38: {  	[dreg:$0x15] =	wrdreg s4;
	s1 =	simm.s32 $0x5  }
0x39: {  	_ =	swait.ge [sflag:s1], $0x300  }
0x3a: {  	[sflag:s1] =	ssyncset.done $0x0  }
0x3b: {  	[sflag:s1] =	ssyncadd.s32 $0xFFFFFD00  }
0x3c: {  	s17 =	simm.s32 $0x1CF00;
	s16 =	rddreg [dreg:$0xc]  }
0x3d: {  	[tilespmem:s17], [sflag:$0x5] =	stream.linear.gather [hbm4b:s16+s11], $0x300, $0x38;
	[tilespmem:$0x1E200] =	vst v63  }
0x3e: {  	_ =	swait.ge [sflag:s1], $0x300  }
0x3f: {  	[sflag:s1] =	ssyncset.done $0x0  }
0x40: {  	s4 =	rddreg [dreg:$0xf];
	[sflag:s1] =	ssyncadd.s32 $0xFFFFFD00  }
0x41: {  	[tilespmem:s11], [sflag:$0x5] =	stream.linear.gather [hbm4b:s4+s11], $0x400, $0x38;
	[tilespmem:$0x1E200] =	vst v63  }
0x42: {  	_ =	swait.ge [sflag:s1], $0x400  }
0x43: {  	[sflag:s1] =	ssyncset.done $0x0  }
0x44: {  	s8 =	simm.s32 $0x400;
	s5 =	rddreg [dreg:$0x10];
	[sflag:s1] =	ssyncadd.s32 $0xFFFFFC00  }
0x45: {  	[tilespmem:s8], [sflag:$0x5] =	stream.linear.gather [hbm4b:s5+s11], $0x400, $0x38;
	[tilespmem:$0x1E200] =	vst v63  }
0x46: {  	_ =	swait.ge [sflag:s1], $0x400  }
0x47: {  	[sflag:s1] =	ssyncset.done $0x0  }
0x48: {  	s13 =	simm.s32 $0x800;
	s10 =	rddreg [dreg:$0x11];
	[sflag:s1] =	ssyncadd.s32 $0xFFFFFC00  }
0x49: {  	[tilespmem:s13], [sflag:$0x5] =	stream.linear.gather [hbm4b:s10+s11], $0x400, $0x38;
	[tilespmem:$0x1E200] =	vst v63  }
0x4a: {  	_ =	swait.ge [sflag:s1], $0x400  }
0x4b: {  	[sflag:s1] =	ssyncset.done $0x0  }
0x4c: {  	s15 =	simm.s32 $0xC00;
	s14 =	rddreg [dreg:$0x12];
	[sflag:s1] =	ssyncadd.s32 $0xFFFFFC00  }
0x4d: {  	[tilespmem:s15], [sflag:$0x5] =	stream.linear.gather [hbm4b:s14+s11], $0x400, $0x38;
	[tilespmem:$0x1E200] =	vst v63  }
0x4e: {  	_ =	swait.ge [sflag:s1], $0x400  }
0x4f: {  	[sflag:s1] =	ssyncset.done $0x0  }
0x50: {  	s17 =	simm.s32 $0x1000;
	s16 =	rddreg [dreg:$0x13];
	[sflag:s1] =	ssyncadd.s32 $0xFFFFFC00  }
0x51: {  	[tilespmem:s17], [sflag:$0x5] =	stream.linear.gather [hbm4b:s16+s11], $0x400, $0x38;
	[tilespmem:$0x1E200] =	vst v63  }
0x52: {  	_ =	swait.ge [sflag:s1], $0x400  }
0x53: {  	[sflag:s1] =	ssyncset.done $0x0  }
0x54: {  	s0 =	simm.s32 $0x0;
	[sflag:s1] =	ssyncadd.s32 $0xFFFFFC00  }
0x55: {  	v3 =	vld [tilespmem:s0+$0xC00]  }
0x56: {  	v5 =	vld [tilespmem:s0+$0x400]  }
0x57: {  	v4 =	vld [tilespmem:s0+$0x1000]  }
0x58: {  	s1 =	simm.s32 $0x40;
	v6 =	vld [tilespmem:s0+$0x800]  }
.LBB3_2:
0x59: {  	p0 =	sne.s32 s1, $0xFC0  }
.Ltmp0:
0x5a: {  	s4 =	sshra.s32 s1, $0x2;
	(pc) =	sbr.rel @p0 .LBB3_2-.Ltmp0, $4  }
0x5b: {  	s1 =	sadd.s32 $0x40, s1;
	v7 =	vsub.s32 v3, v5;
	v3 =	vld [tilespmem:s4+$0xC00]  }
0x5c: {  	v5 =	vld [tilespmem:s4+$0x400];
	[tilespmem:s0+$0x1800] =	vst v7  }
0x5d: {  	v7 =	vsub.s32 v4, v6;
	v4 =	vld [tilespmem:s4+$0x1000]  }
0x5e: {  	v6 =	vld [tilespmem:s4+$0x800];
	[tilespmem:s0+$0x1400] =	vst v7;
	s0 =	smov.u32 s4  }
0x5f: {  	_ =	sdelay $0x2  }
0x60: {  	v3 =	vsub.s32 v3, v5  }
0x61: {  	[tilespmem:s0+$0x1800] =	vst v3;
	v3 =	vsub.s32 v4, v6  }
0x62: {  	s13 =	rddreg [dreg:$0x6];
	s1 =	simm.s32 $0x1C00;
	[tilespmem:s0+$0x1400] =	vst v3  }
0x63: {  	[tilespmem:s1], [sflag:$0x1] =	stream.linear.gather [hbm4b:s13+s30], $0x1800, $0x38;
	[tilespmem:$0x1E200] =	vst v63  }
0x64: {  	v3 =	vld.msk [tilespmem:$0x0], $0xff;
	_ =	sdelay $0x4  }
0x65: {  	v57 =	vshrl.u32 v3, $0x3  }
0x66: {  	v4 =	vmul.u32 $0x30, v57  }
0x67: {  	v3 =	vand.u32 $0x7, v3  }
0x68: {  	v3 =	vor.u32 v3, v4  }
0x69: {  	v3 =	vperm.xlane v3, v0;
	_ =	sdelay $0x1  }
0x6a: {  	v3 =	vadd.s32 v1, v3;
	_ =	sdelay $0x3  }
0x6b: {  	s14 =	rddreg [dreg:$0x5];
	s15 =	simm.s32 $0x3400  }
0x6c: {  	[tilespmem:s15], [sflag:$0x1] =	stream.indirect_vreg.gather [hbm4b:s14+s30], $0x80, v3, vm0, $0xb8;
	[tilespmem:$0x1E200] =	vst v63  }
0x6d: {  	s16 =	simm.s32 $0x3C00  }
0x6e: {  	[tilespmem:s16], [sflag:$0x1] =	stream.indirect_vreg.gather [hbm4b:s18+s30], $0x80, v3, vm0, $0xb8;
	[tilespmem:$0x1E200] =	vst v63  }
0x6f: {  	s17 =	simm.s32 $0x4400  }
0x70: {  	[tilespmem:s17], [sflag:$0x1] =	stream.indirect_vreg.gather [hbm4b:s19+s30], $0x80, v3, vm0, $0xb8;
	[tilespmem:$0x1E200] =	vst v63  }
0x71: {  	v3 =	vld.msk [tilespmem:$0x400], $0xff;
	_ =	sdelay $0x4  }
0x72: {  	v58 =	vshrl.u32 v3, $0x3  }
0x73: {  	v4 =	vmul.u32 $0x30, v58  }
0x74: {  	v3 =	vand.u32 $0x7, v3  }
0x75: {  	v3 =	vor.u32 v3, v4  }
0x76: {  	v3 =	vperm.xlane v3, v0;
	_ =	sdelay $0x1  }
0x77: {  	v3 =	vadd.s32 v1, v3;
	_ =	sdelay $0x3  }
0x78: {  	s1 =	simm.s32 $0x4C00  }
0x79: {  	[tilespmem:s1], [sflag:$0x1] =	stream.indirect_vreg.gather [hbm4b:s2+s30], $0x80, v3, vm0, $0xb8;
	[tilespmem:$0x1E200] =	vst v63  }
0x7a: {  	s4 =	simm.s32 $0x5400  }
0x7b: {  	[tilespmem:s4], [sflag:$0x1] =	stream.indirect_vreg.gather [hbm4b:s20+s30], $0x80, v3, vm0, $0xb8;
	[tilespmem:$0x1E200] =	vst v63  }
0x7c: {  	s5 =	simm.s32 $0x5C00  }
0x7d: {  	[tilespmem:s5], [sflag:$0x1] =	stream.indirect_vreg.gather [hbm4b:s21+s30], $0x80, v3, vm0, $0xb8;
	[tilespmem:$0x1E200] =	vst v63  }
0x7e: {  	v3 =	vld.msk [tilespmem:$0x800], $0xff;
	_ =	sdelay $0x4  }
0x7f: {  	v59 =	vshrl.u32 v3, $0x3  }
0x80: {  	v4 =	vmul.u32 $0x30, v59  }
0x81: {  	v3 =	vand.u32 $0x7, v3  }
0x82: {  	v3 =	vor.u32 v3, v4  }
0x83: {  	v3 =	vperm.xlane v3, v0;
	_ =	sdelay $0x1  }
0x84: {  	v3 =	vadd.s32 v1, v3;
	_ =	sdelay $0x3  }
0x85: {  	s8 =	simm.s32 $0x6400  }
0x86: {  	[tilespmem:s8], [sflag:$0x1] =	stream.indirect_vreg.gather [hbm4b:s3+s30], $0x80, v3, vm0, $0xb8;
	[tilespmem:$0x1E200] =	vst v63  }
0x87: {  	s10 =	simm.s32 $0x6C00  }
0x88: {  	[tilespmem:s10], [sflag:$0x1] =	stream.indirect_vreg.gather [hbm4b:s22+s30], $0x80, v3, vm0, $0xb8;
	[tilespmem:$0x1E200] =	vst v63  }
0x89: {  	s13 =	simm.s32 $0x7400  }
0x8a: {  	[tilespmem:s13], [sflag:$0x1] =	stream.indirect_vreg.gather [hbm4b:s23+s30], $0x80, v3, vm0, $0xb8;
	[tilespmem:$0x1E200] =	vst v63  }
0x8b: {  	v3 =	vld.msk [tilespmem:$0xC00], $0xff;
	_ =	sdelay $0x4  }
0x8c: {  	v60 =	vshrl.u32 v3, $0x3  }
0x8d: {  	v4 =	vmul.u32 $0x30, v60  }
0x8e: {  	v3 =	vand.u32 $0x7, v3  }
0x8f: {  	v3 =	vor.u32 v3, v4  }
0x90: {  	v3 =	vperm.xlane v3, v0;
	_ =	sdelay $0x1  }
0x91: {  	v3 =	vadd.s32 v1, v3;
	_ =	sdelay $0x3  }
0x92: {  	s14 =	simm.s32 $0x7C00  }
0x93: {  	[tilespmem:s14], [sflag:$0x1] =	stream.indirect_vreg.gather [hbm4b:s2+s30], $0x80, v3, vm0, $0xb8;
	[tilespmem:$0x1E200] =	vst v63  }
0x94: {  	s15 =	simm.s32 $0x8400  }
0x95: {  	[tilespmem:s15], [sflag:$0x1] =	stream.indirect_vreg.gather [hbm4b:s20+s30], $0x80, v3, vm0, $0xb8;
	[tilespmem:$0x1E200] =	vst v63  }
0x96: {  	s16 =	simm.s32 $0x8C00  }
0x97: {  	[tilespmem:s16], [sflag:$0x1] =	stream.indirect_vreg.gather [hbm4b:s21+s30], $0x80, v3, vm0, $0xb8;
	[tilespmem:$0x1E200] =	vst v63  }
0x98: {  	v3 =	vld.msk [tilespmem:$0x1000], $0xff;
	_ =	sdelay $0x4  }
0x99: {  	v61 =	vshrl.u32 v3, $0x3  }
0x9a: {  	v4 =	vmul.u32 $0x30, v61  }
0x9b: {  	v3 =	vand.u32 $0x7, v3  }
0x9c: {  	v3 =	vor.u32 v3, v4  }
0x9d: {  	v3 =	vperm.xlane v3, v0;
	_ =	sdelay $0x1  }
0x9e: {  	v3 =	vadd.s32 v1, v3;
	_ =	sdelay $0x3  }
0x9f: {  	s17 =	simm.s32 $0x9400  }
0xa0: {  	[tilespmem:s17], [sflag:$0x1] =	stream.indirect_vreg.gather [hbm4b:s3+s30], $0x80, v3, vm0, $0xb8;
	[tilespmem:$0x1E200] =	vst v63  }
0xa1: {  	s1 =	simm.s32 $0x9C00  }
0xa2: {  	[tilespmem:s1], [sflag:$0x1] =	stream.indirect_vreg.gather [hbm4b:s22+s30], $0x80, v3, vm0, $0xb8;
	[tilespmem:$0x1E200] =	vst v63  }
0xa3: {  	s4 =	simm.s32 $0xA400  }
0xa4: {  	[tilespmem:s4], [sflag:$0x1] =	stream.indirect_vreg.gather [hbm4b:s23+s30], $0x80, v3, vm0, $0xb8;
	[tilespmem:$0x1E200] =	vst v63  }
0xa5: {  	v3 =	vld.msk [tilespmem:$0x1400], $0xff;
	_ =	sdelay $0x4  }
0xa6: {  	v62 =	vshrl.u32 v3, $0x3  }
0xa7: {  	v4 =	vmul.u32 $0x30, v62  }
0xa8: {  	v3 =	vand.u32 $0x7, v3  }
0xa9: {  	v3 =	vor.u32 v3, v4  }
0xaa: {  	v3 =	vperm.xlane v3, v0;
	_ =	sdelay $0x1  }
0xab: {  	v3 =	vadd.s32 v1, v3;
	_ =	sdelay $0x3  }
0xac: {  	s5 =	rddreg [dreg:$0x9];
	s8 =	simm.s32 $0xAC00  }
0xad: {  	[tilespmem:s8], [sflag:$0x1] =	stream.indirect_vreg.gather [hbm4b:s5+s30], $0x80, v3, vm0, $0xb8;
	[tilespmem:$0x1E200] =	vst v63  }
0xae: {  	s10 =	simm.s32 $0xB400  }
0xaf: {  	[tilespmem:s10], [sflag:$0x1] =	stream.indirect_vreg.gather [hbm4b:s24+s30], $0x80, v3, vm0, $0xb8;
	[tilespmem:$0x1E200] =	vst v63  }
0xb0: {  	s13 =	simm.s32 $0xBC00  }
0xb1: {  	[tilespmem:s13], [sflag:$0x1] =	stream.indirect_vreg.gather [hbm4b:s26+s30], $0x80, v3, vm0, $0xb8;
	[tilespmem:$0x1E200] =	vst v63  }
0xb2: {  	v3 =	vld.msk [tilespmem:$0x1800], $0xff;
	_ =	sdelay $0x4  }
0xb3: {  	v63 =	vshrl.u32 v3, $0x3  }
0xb4: {  	v4 =	vmul.u32 $0x30, v63  }
0xb5: {  	v3 =	vand.u32 $0x7, v3  }
0xb6: {  	v3 =	vor.u32 v3, v4  }
0xb7: {  	v3 =	vperm.xlane v3, v0;
	_ =	sdelay $0x1  }
0xb8: {  	v3 =	vadd.s32 v1, v3;
	_ =	sdelay $0x3  }
0xb9: {  	s14 =	rddreg [dreg:$0xa];
	s15 =	simm.s32 $0xC400  }
0xba: {  	[tilespmem:s15], [sflag:$0x1] =	stream.indirect_vreg.gather [hbm4b:s14+s30], $0x80, v3, vm0, $0xb8;
	[tilespmem:$0x1E200] =	vst v63  }
0xbb: {  	s16 =	simm.s32 $0xCC00  }
0xbc: {  	[tilespmem:s16], [sflag:$0x1] =	stream.indirect_vreg.gather [hbm4b:s28+s30], $0x80, v3, vm0, $0xb8;
	[tilespmem:$0x1E200] =	vst v63  }
0xbd: {  	s17 =	simm.s32 $0xD400;
	s13 =	simm.s32 $0x0  }
0xbe: {  	[tilespmem:s17], [sflag:$0x1] =	stream.indirect_vreg.gather [hbm4b:s29+s30], $0x80, v3, vm0, $0xb8;
	[tilespmem:$0x1E200] =	vst v63  }
.LBB3_4:
0xbf: {  	s15 =	sshll.u32 s13, $0x4  }
0xc0: {  	s10 =	sor.u32 $0x8, s15  }
0xc1: {  	s0 =	sshrl.u32 s10, $0x3  }
0xc2: {  	s0 =	sand.u32 $0x3F, s0  }
0xc3: {  	s0 =	smul.u32 $0x300, s0  }
0xc4: {  	s1 =	rddreg [dreg:$0x6]  }
0xc5: {  	s5 =	simm.s32 $0xDC00;
	s0 =	sadd.s32 s1, s0  }
0xc6: {  	[tilespmem:s5], [sflag:$0x2] =	stream.linear.gather [hbm4b:s0+s11], $0x1800, $0x38;
	[tilespmem:$0x1E200] =	vst v63  }
0xc7: {  	v3 =	vld.msk [tilespmem:s10+$0x0], $0xff;
	_ =	sdelay $0x4  }
0xc8: {  	v4 =	vshrl.u32 v3, $0x3  }
0xc9: {  	v4 =	vmul.u32 $0x30, v4  }
0xca: {  	v3 =	vand.u32 $0x7, v3  }
0xcb: {  	v3 =	vor.u32 v3, v4  }
0xcc: {  	v3 =	vperm.xlane v3, v0;
	_ =	sdelay $0x1  }
0xcd: {  	v3 =	vadd.s32 v1, v3;
	_ =	sdelay $0x3  }
0xce: {  	s8 =	rddreg [dreg:$0x5];
	s14 =	simm.s32 $0xF400  }
0xcf: {  	[tilespmem:s14], [sflag:$0x2] =	stream.indirect_vreg.gather [hbm4b:s8+s11], $0x80, v3, vm0, $0xb8;
	[tilespmem:$0x1E200] =	vst v63  }
0xd0: {  	s16 =	simm.s32 $0xFC00  }
0xd1: {  	[tilespmem:s16], [sflag:$0x2] =	stream.indirect_vreg.gather [hbm4b:s18+s11], $0x80, v3, vm0, $0xb8;
	[tilespmem:$0x1E200] =	vst v63  }
0xd2: {  	s17 =	simm.s32 $0x10400  }
0xd3: {  	[tilespmem:s17], [sflag:$0x2] =	stream.indirect_vreg.gather [hbm4b:s19+s11], $0x80, v3, vm0, $0xb8;
	[tilespmem:$0x1E200] =	vst v63  }
0xd4: {  	v3 =	vld.msk [tilespmem:s15+$0x408], $0xff;
	_ =	sdelay $0x4  }
0xd5: {  	v4 =	vshrl.u32 v3, $0x3  }
0xd6: {  	v4 =	vmul.u32 $0x30, v4  }
0xd7: {  	v3 =	vand.u32 $0x7, v3  }
0xd8: {  	v3 =	vor.u32 v3, v4  }
0xd9: {  	v3 =	vperm.xlane v3, v0;
	_ =	sdelay $0x1  }
0xda: {  	v3 =	vadd.s32 v1, v3;
	_ =	sdelay $0x3  }
0xdb: {  	s1 =	simm.s32 $0x10C00  }
0xdc: {  	[tilespmem:s1], [sflag:$0x2] =	stream.indirect_vreg.gather [hbm4b:s2+s11], $0x80, v3, vm0, $0xb8;
	[tilespmem:$0x1E200] =	vst v63  }
0xdd: {  	s4 =	simm.s32 $0x11400  }
0xde: {  	[tilespmem:s4], [sflag:$0x2] =	stream.indirect_vreg.gather [hbm4b:s20+s11], $0x80, v3, vm0, $0xb8;
	[tilespmem:$0x1E200] =	vst v63  }
0xdf: {  	s5 =	simm.s32 $0x11C00  }
0xe0: {  	[tilespmem:s5], [sflag:$0x2] =	stream.indirect_vreg.gather [hbm4b:s21+s11], $0x80, v3, vm0, $0xb8;
	[tilespmem:$0x1E200] =	vst v63  }
0xe1: {  	v3 =	vld.msk [tilespmem:s15+$0x808], $0xff;
	_ =	sdelay $0x4  }
0xe2: {  	v4 =	vshrl.u32 v3, $0x3  }
0xe3: {  	v4 =	vmul.u32 $0x30, v4  }
0xe4: {  	v3 =	vand.u32 $0x7, v3  }
0xe5: {  	v3 =	vor.u32 v3, v4  }
0xe6: {  	v3 =	vperm.xlane v3, v0;
	_ =	sdelay $0x1  }
0xe7: {  	v3 =	vadd.s32 v1, v3;
	_ =	sdelay $0x3  }
0xe8: {  	s8 =	simm.s32 $0x12400  }
0xe9: {  	[tilespmem:s8], [sflag:$0x2] =	stream.indirect_vreg.gather [hbm4b:s3+s11], $0x80, v3, vm0, $0xb8;
	[tilespmem:$0x1E200] =	vst v63  }
0xea: {  	s14 =	simm.s32 $0x12C00  }
0xeb: {  	[tilespmem:s14], [sflag:$0x2] =	stream.indirect_vreg.gather [hbm4b:s22+s11], $0x80, v3, vm0, $0xb8;
	[tilespmem:$0x1E200] =	vst v63  }
0xec: {  	s16 =	simm.s32 $0x13400  }
0xed: {  	[tilespmem:s16], [sflag:$0x2] =	stream.indirect_vreg.gather [hbm4b:s23+s11], $0x80, v3, vm0, $0xb8;
	[tilespmem:$0x1E200] =	vst v63  }
0xee: {  	v3 =	vld.msk [tilespmem:s15+$0xC08], $0xff;
	_ =	sdelay $0x4  }
0xef: {  	v4 =	vshrl.u32 v3, $0x3  }
0xf0: {  	v4 =	vmul.u32 $0x30, v4  }
0xf1: {  	v3 =	vand.u32 $0x7, v3  }
0xf2: {  	v3 =	vor.u32 v3, v4  }
0xf3: {  	v3 =	vperm.xlane v3, v0;
	_ =	sdelay $0x1  }
0xf4: {  	v3 =	vadd.s32 v1, v3;
	_ =	sdelay $0x3  }
0xf5: {  	s17 =	simm.s32 $0x13C00  }
0xf6: {  	[tilespmem:s17], [sflag:$0x2] =	stream.indirect_vreg.gather [hbm4b:s2+s11], $0x80, v3, vm0, $0xb8;
	[tilespmem:$0x1E200] =	vst v63  }
0xf7: {  	s1 =	simm.s32 $0x14400  }
0xf8: {  	[tilespmem:s1], [sflag:$0x2] =	stream.indirect_vreg.gather [hbm4b:s20+s11], $0x80, v3, vm0, $0xb8;
	[tilespmem:$0x1E200] =	vst v63  }
0xf9: {  	s4 =	simm.s32 $0x14C00  }
0xfa: {  	[tilespmem:s4], [sflag:$0x2] =	stream.indirect_vreg.gather [hbm4b:s21+s11], $0x80, v3, vm0, $0xb8;
	[tilespmem:$0x1E200] =	vst v63  }
0xfb: {  	v3 =	vld.msk [tilespmem:s15+$0x1008], $0xff;
	_ =	sdelay $0x4  }
0xfc: {  	v4 =	vshrl.u32 v3, $0x3  }
0xfd: {  	v4 =	vmul.u32 $0x30, v4  }
0xfe: {  	v3 =	vand.u32 $0x7, v3  }
0xff: {  	v3 =	vor.u32 v3, v4  }
0x100: {  	v3 =	vperm.xlane v3, v0;
	_ =	sdelay $0x1  }
0x101: {  	v3 =	vadd.s32 v1, v3;
	_ =	sdelay $0x3  }
0x102: {  	s5 =	simm.s32 $0x15400  }
0x103: {  	[tilespmem:s5], [sflag:$0x2] =	stream.indirect_vreg.gather [hbm4b:s3+s11], $0x80, v3, vm0, $0xb8;
	[tilespmem:$0x1E200] =	vst v63  }
0x104: {  	s8 =	simm.s32 $0x15C00  }
0x105: {  	[tilespmem:s8], [sflag:$0x2] =	stream.indirect_vreg.gather [hbm4b:s22+s11], $0x80, v3, vm0, $0xb8;
	[tilespmem:$0x1E200] =	vst v63  }
0x106: {  	s14 =	simm.s32 $0x16400  }
0x107: {  	[tilespmem:s14], [sflag:$0x2] =	stream.indirect_vreg.gather [hbm4b:s23+s11], $0x80, v3, vm0, $0xb8;
	[tilespmem:$0x1E200] =	vst v63  }
0x108: {  	v3 =	vld.msk [tilespmem:s15+$0x1408], $0xff;
	_ =	sdelay $0x4  }
0x109: {  	v4 =	vshrl.u32 v3, $0x3  }
0x10a: {  	v4 =	vmul.u32 $0x30, v4  }
0x10b: {  	v3 =	vand.u32 $0x7, v3  }
0x10c: {  	v3 =	vor.u32 v3, v4  }
0x10d: {  	v3 =	vperm.xlane v3, v0;
	_ =	sdelay $0x1  }
0x10e: {  	v3 =	vadd.s32 v1, v3;
	_ =	sdelay $0x3  }
0x10f: {  	s16 =	rddreg [dreg:$0x9];
	s17 =	simm.s32 $0x16C00  }
0x110: {  	[tilespmem:s17], [sflag:$0x2] =	stream.indirect_vreg.gather [hbm4b:s16+s11], $0x80, v3, vm0, $0xb8;
	[tilespmem:$0x1E200] =	vst v63  }
0x111: {  	s1 =	simm.s32 $0x17400  }
0x112: {  	[tilespmem:s1], [sflag:$0x2] =	stream.indirect_vreg.gather [hbm4b:s24+s11], $0x80, v3, vm0, $0xb8;
	[tilespmem:$0x1E200] =	vst v63  }
0x113: {  	s4 =	simm.s32 $0x17C00  }
0x114: {  	[tilespmem:s4], [sflag:$0x2] =	stream.indirect_vreg.gather [hbm4b:s26+s11], $0x80, v3, vm0, $0xb8;
	[tilespmem:$0x1E200] =	vst v63  }
0x115: {  	v3 =	vld.msk [tilespmem:s15+$0x1808], $0xff;
	_ =	sdelay $0x4  }
0x116: {  	v4 =	vshrl.u32 v3, $0x3  }
0x117: {  	v4 =	vmul.u32 $0x30, v4  }
0x118: {  	v3 =	vand.u32 $0x7, v3  }
0x119: {  	v3 =	vor.u32 v3, v4  }
0x11a: {  	v3 =	vperm.xlane v3, v0;
	_ =	sdelay $0x1  }
0x11b: {  	v3 =	vadd.s32 v1, v3;
	_ =	sdelay $0x3  }
0x11c: {  	s5 =	rddreg [dreg:$0xa];
	s8 =	simm.s32 $0x18400  }
0x11d: {  	[tilespmem:s8], [sflag:$0x2] =	stream.indirect_vreg.gather [hbm4b:s5+s11], $0x80, v3, vm0, $0xb8;
	[tilespmem:$0x1E200] =	vst v63  }
0x11e: {  	s14 =	simm.s32 $0x18C00  }
0x11f: {  	[tilespmem:s14], [sflag:$0x2] =	stream.indirect_vreg.gather [hbm4b:s28+s11], $0x80, v3, vm0, $0xb8;
	[tilespmem:$0x1E200] =	vst v63  }
0x120: {  	s16 =	simm.s32 $0x19400  }
0x121: {  	[tilespmem:s16], [sflag:$0x2] =	stream.indirect_vreg.gather [hbm4b:s29+s11], $0x80, v3, vm0, $0xb8;
	[tilespmem:$0x1E200] =	vst v63  }
0x122: {  	_ =	swait.ge [sflag:s25], $0x1800  }
0x123: {  	[sflag:s25] =	ssyncset.done $0x0  }
0x124: {  	[sflag:s25] =	ssyncadd.s32 $0xFFFFE800  }
0x125: {  	_ =	swait.ge [sflag:s25], $0x1800  }
0x126: {  	[sflag:s25] =	ssyncset.done $0x0  }
0x127: {  	[sflag:s25] =	ssyncadd.s32 $0xFFFFE800  }
0x128: {  	_ =	swait.ge [sflag:s25], $0x1800  }
0x129: {  	[sflag:s25] =	ssyncset.done $0x0  }
0x12a: {  	[sflag:s25] =	ssyncadd.s32 $0xFFFFE800  }
0x12b: {  	_ =	swait.ge [sflag:s25], $0x1800  }
0x12c: {  	[sflag:s25] =	ssyncset.done $0x0  }
0x12d: {  	[sflag:s25] =	ssyncadd.s32 $0xFFFFE800  }
0x12e: {  	_ =	swait.ge [sflag:s25], $0x1800  }
0x12f: {  	[sflag:s25] =	ssyncset.done $0x0  }
0x130: {  	[sflag:s25] =	ssyncadd.s32 $0xFFFFE800  }
0x131: {  	_ =	swait.ge [sflag:s25], $0x1800  }
0x132: {  	[sflag:s25] =	ssyncset.done $0x0  }
0x133: {  	[sflag:s25] =	ssyncadd.s32 $0xFFFFE800  }
0x134: {  	_ =	swait.ge [sflag:s25], $0x1800  }
0x135: {  	[sflag:s25] =	ssyncset.done $0x0  }
0x136: {  	[sflag:s25] =	ssyncadd.s32 $0xFFFFE800  }
0x137: {  	_ =	swait.ge [sflag:s25], $0x1800  }
0x138: {  	p0 =	seq.s32 s13, $0x0;
	[sflag:s25] =	ssyncset.done $0x0  }
0x139: {  	s0 =	simm.s32 @!p0 $0x3;
	[sflag:s25] =	ssyncadd.s32 $0xFFFFE800  }
0x13a: {  	_ =	swait.ge @!p0 [sflag:s0], $0x1800  }
0x13b: {  	s17 =	sand.u32 $0x70, s30;
	s4 =	sand.u32 $0x1C00, s30;
	[sflag:s0] =	ssyncset.done @!p0 $0x0  }
0x13c: {  	s16 =	sor.u32 s17, s4;
	[sflag:s0] =	ssyncadd.s32 @!p0 $0xFFFFE800  }
0x13d: {  	v11 =	vld [tilespmem:s16+$0x3400]  }
0x13e: {  	v4 =	vld [tilespmem:s16+$0x4C00]  }
0x13f: {  	v5 =	vld [tilespmem:s16+$0x6400]  }
0x140: {  	v6 =	vld [tilespmem:s16+$0x7C00]  }
0x141: {  	v7 =	vld [tilespmem:s16+$0x9400]  }
0x142: {  	v8 =	vld [tilespmem:s16+$0xAC00]  }
0x143: {  	v9 =	vld [tilespmem:s16+$0xC400]  }
0x144: {  	v12 =	vld [tilespmem:s16+$0x3480]  }
0x145: {  	v10 =	vld [tilespmem:s16+$0x4C80]  }
0x146: {  	v17 =	vld [tilespmem:s16+$0x6480]  }
0x147: {  	v14 =	vld [tilespmem:s16+$0x7C80]  }
0x148: {  	v16 =	vld [tilespmem:s16+$0x9480]  }
0x149: {  	v18 =	vld [tilespmem:s16+$0xAC80]  }
0x14a: {  	v19 =	vld [tilespmem:s16+$0xC480]  }
0x14b: {  	v13 =	vld [tilespmem:s16+$0x3500]  }
0x14c: {  	v20 =	vld [tilespmem:s16+$0x4D00]  }
0x14d: {  	v23 =	vld [tilespmem:s16+$0x6500]  }
0x14e: {  	v24 =	vld [tilespmem:s16+$0x7D00]  }
0x14f: {  	v28 =	vld [tilespmem:s16+$0x9500]  }
0x150: {  	v22 =	vld [tilespmem:s16+$0xAD00]  }
0x151: {  	v25 =	vld [tilespmem:s16+$0xC500]  }
0x152: {  	v26 =	vld [tilespmem:s16+$0x4D80]  }
0x153: {  	v29 =	vld [tilespmem:s16+$0x6580]  }
0x154: {  	v27 =	vld [tilespmem:s16+$0x7D80]  }
0x155: {  	v3 =	vimm.f32 $0.0e+00;
	v30 =	vld [tilespmem:s16+$0x9580];
	v15 =	vadd.f32 v5, v4;
	v31 =	vadd.f32 v7, v6  }
0x156: {  	v32 =	vld [tilespmem:s16+$0xAD80];
	v33 =	vadd.f32 v9, v8;
	v17 =	vadd.f32 v17, v10;
	v7 =	vimm.f32 $0.0e+00  }
0x157: {  	v34 =	vld [tilespmem:s16+$0xC580];
	v10 =	vimm.f32 $0.0e+00;
	v4 =	vimm.f32 $0.0e+00;
	v8 =	vimm.f32 $0.0e+00  }
0x158: {  	s8 =	simm.s32 $0x10;
	s14 =	sor.u32 s12, s10;
	s10 =	simm.s32 $0x0;
	v21 =	vld [tilespmem:s16+$0x3580];
	v5 =	vimm.f32 $0.0e+00;
	v9 =	vimm.f32 $0.0e+00;
	v6 =	vimm.f32 $0.0e+00  }
.LBB3_5:
0x159: {  	p1 =	sne.s32 s8, $0x2F0;
	v35 =	vld [tilespmem:s16+$0x1C00];
	v14 =	vadd.f32 v16, v14;
	v16 =	vadd.f32 v19, v18  }
0x15a: {  	v19 =	vadd.f32 v23, v20;
	v20 =	vadd.f32 v28, v24;
	s10 =	sadd.s32 $0x80, s10;
	v18 =	vld [tilespmem:s16+$0x1C80]  }
0x15b: {  	s0 =	sand.u32 $0x70, s8;
	v22 =	vadd.f32 v25, v22;
	v24 =	vadd.f32 v29, v26;
	s1 =	sand.u32 $0x1C00, s10;
	v23 =	vld [tilespmem:s16+$0x1D00]  }
0x15c: {  	v26 =	vadd.f32 v30, v27;
	s0 =	sor.u32 s0, s1;
	v25 =	vld [tilespmem:s16+$0x1D80];
	v27 =	vadd.f32 v34, v32  }
0x15d: {  	v29 =	vadd.f32 v33, v31;
	v14 =	vadd.f32 v16, v14;
	v28 =	vld [tilespmem:s0+$0x3400]  }
0x15e: {  	v16 =	vadd.f32 v22, v20;
	v31 =	vld [tilespmem:s0+$0x4C00];
	v11 =	vadd.f32 v11, v35  }
0x15f: {  	v33 =	vld [tilespmem:s0+$0x6400];
	v12 =	vadd.f32 v12, v18;
	v18 =	vadd.f32 v27, v26  }
0x160: {  	v34 =	vld [tilespmem:s0+$0x7C00];
	v22 =	vadd.f32 v15, v11;
	v13 =	vadd.f32 v13, v23  }
0x161: {  	v35 =	vld [tilespmem:s0+$0x9400];
	v12 =	vadd.f32 v17, v12;
	v15 =	vadd.f32 v21, v25  }
0x162: {  	v17 =	vld [tilespmem:s0+$0xAC00];
	v20 =	vadd.f32 v29, v22;
	v13 =	vadd.f32 v19, v13;
	v11 =	vmov v28  }
0x163: {  	v21 =	vld [tilespmem:s0+$0xC400];
	v14 =	vadd.f32 v14, v12;
	v15 =	vadd.f32 v24, v15  }
0x164: {  	v12 =	vld [tilespmem:s0+$0x3480];
	[tilespmem:s16+$0x1C00] =	vst v20;
	v3 =	vadd.f32 v20, v3;
	v19 =	vmul.f32 v20, v20;
	v13 =	vadd.f32 v16, v13  }
0x165: {  	v36 =	vld [tilespmem:s0+$0x4C80];
	[tilespmem:s16+$0x1C80] =	vst v14;
	v7 =	vadd.f32 v14, v7;
	v16 =	vmul.f32 v14, v14;
	v15 =	vadd.f32 v18, v15  }
0x166: {  	v37 =	vld [tilespmem:s0+$0x6480];
	v10 =	vadd.f32 v19, v10;
	[tilespmem:s16+$0x1D00] =	vst v13;
	v4 =	vadd.f32 v13, v4;
	v13 =	vmul.f32 v13, v13  }
0x167: {  	v14 =	vld [tilespmem:s0+$0x7C80];
	v8 =	vadd.f32 v16, v8;
	[tilespmem:s16+$0x1D80] =	vst v15;
	v5 =	vadd.f32 v15, v5;
	v15 =	vmul.f32 v15, v15;
	s16 =	smov.u32 s0  }
0x168: {  	v16 =	vld [tilespmem:s16+$0x9480];
	v9 =	vadd.f32 v13, v9  }
0x169: {  	v18 =	vld [tilespmem:s16+$0xAC80];
	v6 =	vadd.f32 v15, v6  }
0x16a: {  	v19 =	vld [tilespmem:s16+$0xC480]  }
0x16b: {  	v13 =	vld [tilespmem:s16+$0x3500]  }
0x16c: {  	v20 =	vld [tilespmem:s16+$0x4D00]  }
0x16d: {  	v23 =	vld [tilespmem:s16+$0x6500]  }
0x16e: {  	v24 =	vld [tilespmem:s16+$0x7D00]  }
0x16f: {  	v28 =	vld [tilespmem:s16+$0x9500]  }
0x170: {  	v22 =	vld [tilespmem:s16+$0xAD00]  }
0x171: {  	v25 =	vld [tilespmem:s16+$0xC500]  }
0x172: {  	v26 =	vld [tilespmem:s16+$0x4D80]  }
0x173: {  	v29 =	vld [tilespmem:s16+$0x6580]  }
.Ltmp1:
0x174: {  	v27 =	vld [tilespmem:s16+$0x7D80];
	(pc) =	sbr.rel @p1 .LBB3_5-.Ltmp1, $4  }
0x175: {  	v30 =	vld [tilespmem:s16+$0x9580]  }
0x176: {  	v32 =	vld [tilespmem:s16+$0xAD80]  }
0x177: {  	v15 =	vadd.f32 v33, v31;
	v31 =	vadd.f32 v35, v34;
	v34 =	vld [tilespmem:s16+$0xC580]  }
0x178: {  	s8 =	sadd.s32 $0x10, s8;
	v33 =	vadd.f32 v21, v17;
	v17 =	vadd.f32 v37, v36;
	v21 =	vld [tilespmem:s16+$0x3580]  }
0x179: {  	v35 =	vld [tilespmem:s16+$0x1C00];
	v14 =	vadd.f32 v16, v14;
	v16 =	vadd.f32 v19, v18  }
0x17a: {  	v18 =	vld [tilespmem:s16+$0x1C80];
	v19 =	vadd.f32 v23, v20;
	v20 =	vadd.f32 v28, v24  }
0x17b: {  	v23 =	vld [tilespmem:s16+$0x1D00];
	v22 =	vadd.f32 v25, v22;
	v24 =	vadd.f32 v29, v26  }
0x17c: {  	v25 =	vld [tilespmem:s16+$0x1D80];
	v26 =	vadd.f32 v30, v27;
	v28 =	vadd.f32 v33, v31  }
0x17d: {  	v14 =	vadd.f32 v16, v14;
	v27 =	vadd.f32 v34, v32  }
0x17e: {  	v16 =	vadd.f32 v22, v20;
	v11 =	vadd.f32 v11, v35  }
0x17f: {  	v12 =	vadd.f32 v12, v18;
	v18 =	vadd.f32 v27, v26  }
0x180: {  	v13 =	vadd.f32 v13, v23;
	v11 =	vadd.f32 v15, v11  }
0x181: {  	v12 =	vadd.f32 v17, v12;
	v15 =	vadd.f32 v21, v25  }
0x182: {  	v13 =	vadd.f32 v19, v13;
	v11 =	vadd.f32 v28, v11  }
0x183: {  	v12 =	vadd.f32 v14, v12;
	v14 =	vadd.f32 v24, v15  }
0x184: {  	v13 =	vadd.f32 v16, v13;
	[tilespmem:s16+$0x1C00] =	vst v11  }
0x185: {  	[tilespmem:s16+$0x1C80] =	vst v12;
	v14 =	vadd.f32 v18, v14  }
0x186: {  	v3 =	vadd.f32 v11, v3;
	[tilespmem:s16+$0x1D00] =	vst v13  }
0x187: {  	v15 =	vmul.f32 v11, v11;
	v7 =	vadd.f32 v12, v7;
	[tilespmem:s16+$0x1D80] =	vst v14  }
0x188: {  	v11 =	vmul.f32 v12, v12;
	v4 =	vadd.f32 v13, v4;
	[tilespmem:$0x1D200] =	vst v3  }
0x189: {  	v10 =	vadd.f32 v15, v10;
	[tilespmem:$0x1D280] =	vst v7  }
0x18a: {  	v8 =	vadd.f32 v11, v8;
	v3 =	vmul.f32 v13, v13;
	[tilespmem:$0x1D300] =	vst v4  }
0x18b: {  	v5 =	vadd.f32 v14, v5;
	v7 =	vmul.f32 v14, v14;
	[tilespmem:$0x1DA00] =	vst v10  }
0x18c: {  	[tilespmem:$0x1DA80] =	vst v8;
	v3 =	vadd.f32 v3, v9  }
0x18d: {  	s16 =	simm.s32 $0x0;
	[tilespmem:$0x1D380] =	vst v5;
	v4 =	vadd.f32 v7, v6  }
0x18e: {  	s0 =	sand.u32 $0x70, s16;
	s1 =	sand.u32 $0x1C00, s16;
	[tilespmem:$0x1DB00] =	vst v3  }
0x18f: {  	s17 =	sor.u32 s0, s1;
	[tilespmem:$0x1DB80] =	vst v4  }
0x190: {  	v3 =	vld [tilespmem:s17+$0x3600]  }
0x191: {  	v4 =	vld [tilespmem:s17+$0x1E00]  }
0x192: {  	v5 =	vld [tilespmem:s17+$0x4E00]  }
0x193: {  	v6 =	vld [tilespmem:s17+$0x6600]  }
0x194: {  	v18 =	vld [tilespmem:s17+$0x7E00]  }
0x195: {  	v20 =	vld [tilespmem:s17+$0x9600]  }
0x196: {  	v22 =	vld [tilespmem:s17+$0xAE00]  }
0x197: {  	v24 =	vld [tilespmem:s17+$0xC600]  }
0x198: {  	v11 =	vld [tilespmem:s17+$0x1E80]  }
0x199: {  	v12 =	vld [tilespmem:s17+$0x3680]  }
0x19a: {  	v13 =	vld [tilespmem:s17+$0x4E80]  }
0x19b: {  	v15 =	vld [tilespmem:s17+$0x6680]  }
0x19c: {  	v14 =	vld [tilespmem:s17+$0x7E80]  }
0x19d: {  	v16 =	vld [tilespmem:s17+$0x9680]  }
0x19e: {  	v17 =	vld [tilespmem:s17+$0xAE80]  }
0x19f: {  	v19 =	vld [tilespmem:s17+$0xC680]  }
0x1a0: {  	v10 =	vimm.f32 $0.0e+00;
	v21 =	vld [tilespmem:s17+$0x1F00]  }
0x1a1: {  	v8 =	vimm.f32 $0.0e+00;
	v7 =	vimm.f32 $0.0e+00;
	v9 =	vimm.f32 $0.0e+00;
	v23 =	vld [tilespmem:s17+$0x3700]  }
0x1a2: {  	v25 =	vld [tilespmem:s17+$0x4F00];
	v27 =	vadd.f32 v3, v4;
	v28 =	vadd.f32 v6, v5;
	v5 =	vimm.f32 $0.0e+00  }
0x1a3: {  	s8 =	simm.s32 $0x10;
	s10 =	simm.s32 $0x0;
	v26 =	vld [tilespmem:s17+$0x6700];
	v6 =	vimm.f32 $0.0e+00;
	v4 =	vimm.f32 $0.0e+00;
	v3 =	vimm.f32 $0.0e+00  }
.LBB3_7:
0x1a4: {  	p1 =	sne.s32 s8, $0x2F0;
	v18 =	vadd.f32 v20, v18;
	v20 =	vadd.f32 v24, v22;
	v22 =	vld [tilespmem:s17+$0x7F00]  }
0x1a5: {  	v24 =	vld [tilespmem:s17+$0x9700]  }
0x1a6: {  	v27 =	vadd.f32 v28, v27;
	v18 =	vadd.f32 v20, v18;
	v20 =	vld [tilespmem:s17+$0xAF00]  }
0x1a7: {  	v28 =	vld [tilespmem:s17+$0xC700]  }
0x1a8: {  	v18 =	vadd.f32 v18, v27  }
0x1a9: {  	v11 =	vadd.f32 v12, v11;
	v12 =	vadd.f32 v15, v13  }
0x1aa: {  	v14 =	vadd.f32 v16, v14;
	v15 =	vadd.f32 v19, v17;
	v13 =	vmul.f32 v18, v18  }
0x1ab: {  	v16 =	vadd.f32 v23, v21;
	v17 =	vadd.f32 v26, v25  }
0x1ac: {  	v19 =	vadd.f32 v24, v22;
	v20 =	vadd.f32 v28, v20;
	v21 =	vld [tilespmem:s17+$0x3780]  }
0x1ad: {  	v11 =	vadd.f32 v12, v11;
	v12 =	vadd.f32 v15, v14;
	v14 =	vld [tilespmem:s17+$0x4F80]  }
0x1ae: {  	v15 =	vadd.f32 v17, v16;
	v16 =	vadd.f32 v20, v19;
	v17 =	vld [tilespmem:s17+$0x6780]  }
0x1af: {  	v11 =	vadd.f32 v12, v11;
	v7 =	vadd.f32 v13, v7;
	v12 =	vld [tilespmem:s17+$0x7F80]  }
0x1b0: {  	v10 =	vadd.f32 v18, v10;
	[tilespmem:s17+$0x1E00] =	vst v18;
	v13 =	vadd.f32 v16, v15;
	v15 =	vld [tilespmem:s17+$0x9780]  }
0x1b1: {  	s0 =	sor.u32 s10, s16;
	s16 =	smov.u32 s8;
	v9 =	vadd.f32 v11, v9;
	[tilespmem:s17+$0x1E80] =	vst v11;
	v11 =	vmul.f32 v11, v11;
	v16 =	vld [tilespmem:s17+$0xAF80]  }
0x1b2: {  	s0 =	sor.u32 $0x380, s0;
	[tilespmem:s17+$0x1F00] =	vst v13;
	v5 =	vadd.f32 v13, v5;
	v13 =	vmul.f32 v13, v13;
	v18 =	vld [tilespmem:s17+$0xC780]  }
0x1b3: {  	v8 =	vadd.f32 v11, v8;
	v11 =	vld [tilespmem:s0+$0x1C00]  }
0x1b4: {  	v6 =	vadd.f32 v13, v6;
	_ =	sdelay $0x2  }
0x1b5: {  	v13 =	vadd.f32 v17, v14;
	v12 =	vadd.f32 v15, v12  }
0x1b6: {  	v14 =	vadd.f32 v18, v16;
	v11 =	vadd.f32 v21, v11;
	_ =	sdelay $0x1  }
0x1b7: {  	v12 =	vadd.f32 v14, v12;
	v11 =	vadd.f32 v13, v11;
	_ =	sdelay $0x1  }
0x1b8: {  	s10 =	sadd.s32 $0x80, s10;
	v11 =	vadd.f32 v12, v11  }
0x1b9: {  	s1 =	sand.u32 $0x70, s8;
	s4 =	sand.u32 $0x1C00, s10  }
0x1ba: {  	s17 =	sor.u32 s1, s4;
	[tilespmem:s0+$0x1C00] =	vst v11;
	v4 =	vadd.f32 v11, v4;
	v11 =	vmul.f32 v11, v11  }
0x1bb: {  	v26 =	vld [tilespmem:s17+$0x3600]  }
0x1bc: {  	v27 =	vld [tilespmem:s17+$0x1E00];
	v3 =	vadd.f32 v11, v3  }
0x1bd: {  	v28 =	vld [tilespmem:s17+$0x4E00]  }
0x1be: {  	v29 =	vld [tilespmem:s17+$0x6600]  }
0x1bf: {  	v18 =	vld [tilespmem:s17+$0x7E00]  }
0x1c0: {  	v20 =	vld [tilespmem:s17+$0x9600]  }
0x1c1: {  	v22 =	vld [tilespmem:s17+$0xAE00]  }
0x1c2: {  	v24 =	vld [tilespmem:s17+$0xC600]  }
0x1c3: {  	v11 =	vld [tilespmem:s17+$0x1E80]  }
0x1c4: {  	v12 =	vld [tilespmem:s17+$0x3680]  }
0x1c5: {  	v13 =	vld [tilespmem:s17+$0x4E80]  }
0x1c6: {  	v15 =	vld [tilespmem:s17+$0x6680]  }
0x1c7: {  	v14 =	vld [tilespmem:s17+$0x7E80]  }
0x1c8: {  	v16 =	vld [tilespmem:s17+$0x9680]  }
0x1c9: {  	v17 =	vld [tilespmem:s17+$0xAE80]  }
.Ltmp2:
0x1ca: {  	v19 =	vld [tilespmem:s17+$0xC680];
	(pc) =	sbr.rel @p1 .LBB3_7-.Ltmp2, $4  }
0x1cb: {  	v21 =	vld [tilespmem:s17+$0x1F00]  }
0x1cc: {  	v23 =	vld [tilespmem:s17+$0x3700]  }
0x1cd: {  	v25 =	vld [tilespmem:s17+$0x4F00]  }
0x1ce: {  	s8 =	sadd.s32 $0x10, s8;
	v27 =	vadd.f32 v26, v27;
	v28 =	vadd.f32 v29, v28;
	v26 =	vld [tilespmem:s17+$0x6700]  }
0x1cf: {  	v39 =	vld [tilespmem:s17+$0x7F00]  }
0x1d0: {  	v40 =	vld [tilespmem:s17+$0x9700]  }
0x1d1: {  	v18 =	vadd.f32 v20, v18;
	v41 =	vld [tilespmem:s17+$0xAF00]  }
0x1d2: {  	v38 =	vadd.f32 v24, v22;
	v42 =	vld [tilespmem:s17+$0xC700];
	v11 =	vadd.f32 v12, v11  }
0x1d3: {  	v43 =	vadd.f32 v15, v13;
	v44 =	vadd.f32 v16, v14  }
0x1d4: {  	v45 =	vadd.f32 v19, v17;
	v27 =	vadd.f32 v28, v27  }
0x1d5: {  	v18 =	vadd.f32 v38, v18;
	v46 =	vadd.f32 v23, v21  }
0x1d6: {  	v11 =	vadd.f32 v43, v11;
	v47 =	vadd.f32 v26, v25  }
0x1d7: {  	v48 =	vld [tilespmem:s17+$0x3780];
	v49 =	vadd.f32 v40, v39;
	v20 =	vadd.f32 v42, v41  }
0x1d8: {  	v50 =	vld [tilespmem:s17+$0x4F80];
	v51 =	vadd.f32 v45, v44;
	v18 =	vadd.f32 v18, v27  }
0x1d9: {  	v52 =	vld [tilespmem:s17+$0x6780];
	v53 =	vadd.f32 v47, v46;
	v55 =	vadd.f32 v20, v49  }
0x1da: {  	v54 =	vld [tilespmem:s17+$0x7F80];
	v11 =	vadd.f32 v51, v11  }
0x1db: {  	v56 =	vld [tilespmem:s17+$0x9780];
	[tilespmem:s17+$0x1E00] =	vst v18;
	v14 =	vadd.f32 v55, v53  }
0x1dc: {  	v57 =	vld [tilespmem:s17+$0xAF80];
	s0 =	sor.u32 s10, s16;
	[tilespmem:s17+$0x1E80] =	vst v11  }
0x1dd: {  	v58 =	vld [tilespmem:s17+$0xC780];
	s0 =	sor.u32 $0x380, s0;
	[tilespmem:s17+$0x1F00] =	vst v14  }
0x1de: {  	v59 =	vld [tilespmem:s0+$0x1C00];
	_ =	sdelay $0x3  }
0x1df: {  	v13 =	vadd.f32 v52, v50;
	v12 =	vadd.f32 v56, v54  }
0x1e0: {  	v16 =	vadd.f32 v58, v57;
	v60 =	vadd.f32 v48, v59;
	_ =	sdelay $0x1  }
0x1e1: {  	v12 =	vadd.f32 v16, v12;
	v13 =	vadd.f32 v13, v60;
	_ =	sdelay $0x1  }
0x1e2: {  	v61 =	vmul.f32 v18, v18;
	v12 =	vadd.f32 v12, v13  }
0x1e3: {  	s1 =	simm.s32 $0x0;
	v10 =	vadd.f32 v18, v10  }
0x1e4: {  	v63 =	vmov s1;
	v7 =	vadd.f32 v61, v7;
	[tilespmem:s0+$0x1C00] =	vst v12  }
0x1e5: {  	s10 =	simm.s32 $0x1;
	v62 =	vmul.f32 v11, v11;
	v9 =	vadd.f32 v11, v9;
	[tilespmem:$0x1D400] =	vst v10;
	v10 =	vand.u32 $0x7C, v63  }
0x1e6: {  	[tilespmem:$0x1DC00] =	vst v7;
	v7 =	vbroadcast v10, $0x0;
	v10 =	vmov s10  }
0x1e7: {  	v8 =	vadd.f32 v62, v8;
	[tilespmem:$0x1D480] =	vst v9;
	v9 =	vand.u32 $0x7D, v10;
	v10 =	vmul.f32 v12, v12  }
0x1e8: {  	v4 =	vadd.f32 v12, v4  }
0x1e9: {  	s16 =	simm.s32 $0x2;
	v11 =	vmul.f32 v14, v14;
	[tilespmem:$0x1DC80] =	vst v8;
	v3 =	vadd.f32 v10, v3  }
0x1ea: {  	[tilespmem:$0x1D580] =	vst v4;
	v4 =	vmov s16;
	v7 =	vor.u32 v2, v7;
	v8 =	vbroadcast v9, $0x0  }
0x1eb: {  	v5 =	vadd.f32 v14, v5;
	s17 =	simm.s32 $0x3;
	v6 =	vadd.f32 v11, v6;
	[tilespmem:$0x1DD80] =	vst v3;
	v3 =	vand.u32 $0x7E, v4  }
0x1ec: {  	v10 =	vor.u32 v2, v8;
	v4 =	vmov s17;
	v3 =	vbroadcast v3, $0x0  }
0x1ed: {  	[tilespmem:$0x1D500] =	vst v5;
	v5 =	vand.u32 $0x7F, v4  }
0x1ee: {  	[tilespmem:$0x1DD00] =	vst v6;
	v6 =	vbroadcast v5, $0x0;
	v8 =	vor.u32 v2, v3  }
0x1ef: {  	v4 =	vld.idx.msk [tilespmem:v7+s31+$0x0], $0xffff  }
0x1f0: {  	s1 =	simm.s32 $0x4;
	v5 =	vld.idx.msk [tilespmem:v7+s6+$0x0], $0xffff;
	v6 =	vor.u32 v2, v6  }
0x1f1: {  	v7 =	vmov s1;
	v3 =	vld.idx.msk [tilespmem:v10+s31+$0x0], $0xffff  }
0x1f2: {  	s4 =	simm.s32 $0x5;
	s0 =	simm.s32 $0x8;
	v9 =	vimm.f32 $0.0e+00;
	v11 =	vand.u32 $0x7C, v7;
	v7 =	vld.idx.msk [tilespmem:v10+s6+$0x0], $0xffff;
	v10 =	vimm.f32 $0.0e+00  }
.LBB3_9:
0x1f3: {  	p1 =	slt.u32 s0, $0xC;
	v11 =	vbroadcast v11, $0x0;
	v12 =	vmov s4;
	v13 =	vld.idx.msk [tilespmem:v8+s31+$0x0], $0xffff  }
0x1f4: {  	s4 =	sadd.s32 $0x2, s1;
	v12 =	vand.u32 $0x7D, v12;
	v14 =	vld.idx.msk [tilespmem:v8+s6+$0x0], $0xffff  }
0x1f5: {  	v11 =	vor.u32 v2, v11;
	v8 =	vbroadcast v12, $0x0;
	v12 =	vmov s4;
	v15 =	vld.idx.msk [tilespmem:v6+s31+$0x0], $0xffff  }
0x1f6: {  	v4 =	vadd.f32 v4, v9;
	s4 =	sadd.s32 $0x3, s1;
	v5 =	vadd.f32 v5, v10;
	s1 =	smov.u32 s0;
	v12 =	vand.u32 $0x7E, v12;
	v10 =	vld.idx.msk [tilespmem:v6+s6+$0x0], $0xffff  }
0x1f7: {  	v16 =	vor.u32 v2, v8;
	v6 =	vbroadcast v12, $0x0;
	v8 =	vmov s4  }
0x1f8: {  	v3 =	vadd.f32 v3, v4;
	v5 =	vadd.f32 v7, v5;
	v9 =	vand.u32 $0x7F, v8  }
.Ltmp3:
0x1f9: {  	v8 =	vor.u32 v2, v6;
	v6 =	vbroadcast v9, $0x0;
	(pc) =	sbr.rel @p1 .LBB3_9-.Ltmp3, $4  }
0x1fa: {  	v7 =	vadd.f32 v13, v3;
	v12 =	vadd.f32 v14, v5;
	v4 =	vld.idx.msk [tilespmem:v11+s31+$0x0], $0xffff  }
0x1fb: {  	v5 =	vld.idx.msk [tilespmem:v11+s6+$0x0], $0xffff;
	v6 =	vor.u32 v2, v6  }
0x1fc: {  	v9 =	vadd.f32 v15, v7;
	v11 =	vmov s0;
	v10 =	vadd.f32 v10, v12;
	v3 =	vld.idx.msk [tilespmem:v16+s31+$0x0], $0xffff  }
0x1fd: {  	s4 =	sadd.s32 $0x1, s1;
	s0 =	sadd.s32 $0x4, s0;
	v11 =	vand.u32 $0x7C, v11;
	v7 =	vld.idx.msk [tilespmem:v16+s6+$0x0], $0xffff  }
0x1fe: {  	_ = 	snop  }
0x1ff: {  	v11 =	vbroadcast v11, $0x0;
	v12 =	vmov s4  }
0x200: {  	s0 =	sadd.s32 $0x2, s1;
	v12 =	vand.u32 $0x7D, v12  }
0x201: {  	v13 =	vmov s0;
	v11 =	vor.u32 v2, v11;
	v12 =	vbroadcast v12, $0x0  }
0x202: {  	v14 =	vld.idx.msk [tilespmem:v8+s31+$0x0], $0xffff;
	s1 =	sadd.s32 $0x3, s1;
	v4 =	vadd.f32 v4, v9;
	v13 =	vand.u32 $0x7E, v13  }
0x203: {  	v8 =	vld.idx.msk [tilespmem:v8+s6+$0x0], $0xffff;
	v9 =	vor.u32 v2, v12;
	v12 =	vbroadcast v13, $0x0;
	v13 =	vmov s1  }
0x204: {  	v15 =	vld.idx.msk [tilespmem:v6+s31+$0x0], $0xffff;
	v5 =	vadd.f32 v5, v10;
	v10 =	vand.u32 $0x7F, v13  }
0x205: {  	v6 =	vld.idx.msk [tilespmem:v6+s6+$0x0], $0xffff;
	v3 =	vadd.f32 v3, v4;
	v4 =	vor.u32 v2, v12;
	v10 =	vbroadcast v10, $0x0  }
0x206: {  	v12 =	vld.idx.msk [tilespmem:v11+s31+$0x0], $0xffff  }
0x207: {  	v5 =	vadd.f32 v7, v5;
	v3 =	vadd.f32 v14, v3;
	v7 =	vld.idx.msk [tilespmem:v11+s6+$0x0], $0xffff;
	v10 =	vor.u32 v2, v10  }
0x208: {  	v11 =	vld.idx.msk [tilespmem:v9+s31+$0x0], $0xffff  }
0x209: {  	v5 =	vadd.f32 v8, v5;
	v3 =	vadd.f32 v15, v3;
	v8 =	vld.idx.msk [tilespmem:v9+s6+$0x0], $0xffff  }
0x20a: {  	v9 =	vld.idx.msk [tilespmem:v4+s31+$0x0], $0xffff  }
0x20b: {  	v5 =	vadd.f32 v6, v5;
	v4 =	vld.idx.msk [tilespmem:v4+s6+$0x0], $0xffff;
	v3 =	vadd.f32 v12, v3  }
0x20c: {  	v6 =	vld.idx.msk [tilespmem:v10+s31+$0x0], $0xffff  }
0x20d: {  	v5 =	vadd.f32 v7, v5;
	v3 =	vadd.f32 v11, v3  }
0x20e: {  	v7 =	vld.idx.msk [tilespmem:v10+s6+$0x0], $0xffff  }
0x20f: {  	v5 =	vadd.f32 v8, v5;
	v3 =	vadd.f32 v9, v3;
	_ =	sdelay $0x1  }
0x210: {  	v4 =	vadd.f32 v4, v5;
	v3 =	vadd.f32 v6, v3;
	_ =	sdelay $0x1  }
0x211: {  	v4 =	vadd.f32 v7, v4;
	v19 =	vmul.f32 $1.302083370e-03, v3;
	_ =	sdelay $0x1  }
0x212: {  	v3 =	vmul.f32 $1.302083370e-03, v4;
	v4 =	vmul.f32 v19, v19;
	_ =	sdelay $0x1  }
0x213: {  	v3 =	vsub.f32 v3, v4;
	_ =	sdelay $0x1  }
0x214: {  	v3 =	vadd.f32 $9.999999960e-13, v3;
	_ =	sdelay $0x1  }
0x215: {  	v4 =	vshrl.u32 v3, $0x1;
	v3 =	vmul.f32 $5.000000000e-01, v3  }
0x216: {  	v4 =	vsub.s32 $0x5F3759DF, v4  }
0x217: {  	v5 =	vmul.f32 v4, v3;
	_ =	sdelay $0x1  }
0x218: {  	v5 =	vmul.f32 v4, v5;
	_ =	sdelay $0x1  }
0x219: {  	v5 =	vsub.f32 $1.500000000e+00, v5;
	_ =	sdelay $0x1  }
0x21a: {  	v4 =	vmul.f32 v4, v5;
	_ =	sdelay $0x1  }
0x21b: {  	v5 =	vmul.f32 v4, v3;
	_ =	sdelay $0x1  }
0x21c: {  	v5 =	vmul.f32 v5, v4;
	_ =	sdelay $0x1  }
0x21d: {  	v5 =	vsub.f32 $1.500000000e+00, v5;
	_ =	sdelay $0x1  }
0x21e: {  	v4 =	vmul.f32 v5, v4  }
0x21f: {  	s10 =	simm.s32 $0x0  }
0x220: {  	s4 =	sand.u32 $0x70, s10;
	s5 =	sand.u32 $0x1C00, s10;
	v3 =	vmul.f32 v4, v3  }
0x221: {  	s0 =	sor.u32 s4, s5  }
0x222: {  	v18 =	vld [tilespmem:s0+$0x1F00];
	v3 =	vmul.f32 v3, v4  }
0x223: {  	v21 =	vld [tilespmem:s0+$0x1E80]  }
0x224: {  	v22 =	vld [tilespmem:s0+$0x1E00];
	v7 =	vbroadcast v19, $0x2;
	v3 =	vsub.f32 $1.500000000e+00, v3  }
0x225: {  	s16 =	simm.s32 $0x1CC00;
	v23 =	vld [tilespmem:s0+$0x1D00];
	v9 =	vbroadcast v19, $0x3;
	v11 =	vbroadcast v19, $0x5  }
0x226: {  	v15 =	vld [tilespmem:s16+$0x0];
	v12 =	vbroadcast v19, $0x6;
	v20 =	vmul.f32 v3, v4  }
0x227: {  	v28 =	vld [tilespmem:s0+$0x1D80];
	v16 =	vbroadcast v19, $0x4;
	v5 =	vbroadcast v19, $0x1  }
0x228: {  	v29 =	vld [tilespmem:s0+$0x1C80];
	v25 =	vsub.f32 v18, v12;
	v3 =	vbroadcast v19, $0x0;
	v4 =	vbroadcast v20, $0x0  }
0x229: {  	s17 =	simm.s32 $0x1CF00;
	v24 =	vld [tilespmem:s0+$0x1C00];
	v21 =	vsub.f32 v21, v11;
	v6 =	vbroadcast v20, $0x1;
	v13 =	vbroadcast v20, $0x5  }
0x22a: {  	v18 =	vld [tilespmem:s17+$0x0];
	v22 =	vsub.f32 v22, v16;
	v8 =	vbroadcast v20, $0x2;
	v17 =	vbroadcast v20, $0x4  }
0x22b: {  	v23 =	vsub.f32 v23, v7;
	v10 =	vbroadcast v20, $0x3;
	v27 =	vmul.f32 v15, v13  }
0x22c: {  	v60 =	vsub.f32 v28, v9;
	v14 =	vbroadcast v20, $0x6;
	v31 =	vmul.f32 v15, v17  }
0x22d: {  	v62 =	vsub.f32 v29, v5;
	v32 =	vmul.f32 v15, v8;
	v21 =	vmul.f32 v21, v27  }
0x22e: {  	v24 =	vsub.f32 v24, v3;
	v59 =	vmul.f32 v15, v4;
	v22 =	vmul.f32 v22, v31  }
0x22f: {  	v26 =	vmul.f32 v15, v14;
	v23 =	vmul.f32 v23, v32;
	v21 =	vadd.f32 v21, v18  }
0x230: {  	v30 =	vmul.f32 v15, v10;
	v24 =	vmul.f32 v24, v59;
	v22 =	vadd.f32 v22, v18  }
0x231: {  	v61 =	vmul.f32 v15, v6;
	v25 =	vmul.f32 v25, v26;
	v23 =	vadd.f32 v23, v18;
	[tilespmem:s0+$0x19E80] =	vst v21  }
0x232: {  	v63 =	vmul.f32 v60, v30;
	v21 =	vadd.f32 v24, v18;
	[tilespmem:s0+$0x19E00] =	vst v22  }
0x233: {  	v25 =	vadd.f32 v25, v18;
	v22 =	vmul.f32 v62, v61;
	[tilespmem:s0+$0x19D00] =	vst v23  }
0x234: {  	[tilespmem:s0+$0x19C00] =	vst v21;
	v21 =	vadd.f32 v63, v18  }
0x235: {  	[tilespmem:s0+$0x19F00] =	vst v25;
	v22 =	vadd.f32 v22, v18  }
0x236: {  	s8 =	sor.u32 s10, s10;
	[tilespmem:s0+$0x19D80] =	vst v21  }
0x237: {  	s4 =	sor.u32 $0x380, s8;
	[tilespmem:s0+$0x19C80] =	vst v22  }
0x238: {  	s8 =	simm.s32 $0x10;
	v19 =	vbroadcast v19, $0x7;
	v20 =	vbroadcast v20, $0x7;
	v21 =	vld [tilespmem:s4+$0x1C00]  }
.LBB3_11:
0x239: {  	_ =	sdelay $0x1  }
0x23a: {  	s10 =	sadd.s32 $0x80, s10;
	s16 =	sadd.s32 $0x10, s16;
	s17 =	sadd.s32 $0x10, s17  }
0x23b: {  	p1 =	sne.s32 s8, $0x2F0;
	v15 =	vmul.f32 v15, v20;
	s1 =	smov.u32 s8;
	s8 =	sadd.s32 $0x10, s8  }
0x23c: {  	v21 =	vsub.f32 v21, v19;
	_ =	sdelay $0x1  }
0x23d: {  	v15 =	vmul.f32 v21, v15;
	_ =	sdelay $0x1  }
0x23e: {  	v15 =	vadd.f32 v15, v18;
	_ =	sdelay $0x1  }
0x23f: {  	s0 =	sand.u32 $0x70, s1;
	s5 =	sand.u32 $0x1C00, s10;
	[tilespmem:s4+$0x19C00] =	vst v15  }
0x240: {  	s0 =	sor.u32 s0, s5;
	v15 =	vld [tilespmem:s16+$0x0]  }
0x241: {  	v18 =	vld [tilespmem:s0+$0x1F00]  }
0x242: {  	v21 =	vld [tilespmem:s0+$0x1E80]  }
0x243: {  	v22 =	vld [tilespmem:s0+$0x1C80]  }
0x244: {  	v23 =	vld [tilespmem:s0+$0x1E00]  }
0x245: {  	v24 =	vld [tilespmem:s0+$0x1D00]  }
0x246: {  	v27 =	vmul.f32 v15, v14;
	v25 =	vld [tilespmem:s0+$0x1C00];
	v26 =	vsub.f32 v18, v12  }
0x247: {  	v28 =	vmul.f32 v15, v10;
	v29 =	vmul.f32 v15, v13;
	v18 =	vld [tilespmem:s17+$0x0];
	v21 =	vsub.f32 v21, v11  }
0x248: {  	v30 =	vmul.f32 v15, v8;
	v31 =	vld [tilespmem:s0+$0x1D80];
	v26 =	vmul.f32 v26, v27  }
0x249: {  	v32 =	vmul.f32 v15, v17;
	v27 =	vmul.f32 v15, v6;
	v23 =	vsub.f32 v23, v16  }
0x24a: {  	v22 =	vsub.f32 v22, v5;
	v21 =	vmul.f32 v21, v29;
	v24 =	vsub.f32 v24, v7  }
0x24b: {  	v29 =	vmul.f32 v15, v4;
	v25 =	vsub.f32 v25, v3;
	v23 =	vmul.f32 v23, v32  }
0x24c: {  	v22 =	vmul.f32 v22, v27;
	v24 =	vmul.f32 v24, v30;
	v21 =	vadd.f32 v21, v18  }
0x24d: {  	v25 =	vmul.f32 v25, v29;
	v27 =	vsub.f32 v31, v9;
	v23 =	vadd.f32 v23, v18  }
0x24e: {  	v22 =	vadd.f32 v22, v18;
	v24 =	vadd.f32 v24, v18;
	[tilespmem:s0+$0x19E80] =	vst v21  }
0x24f: {  	v21 =	vadd.f32 v25, v18;
	v25 =	vmul.f32 v27, v28;
	[tilespmem:s0+$0x19E00] =	vst v23;
	v23 =	vadd.f32 v26, v18  }
0x250: {  	[tilespmem:s0+$0x19D00] =	vst v24  }
.Ltmp4:
0x251: {  	[tilespmem:s0+$0x19C00] =	vst v21;
	v21 =	vadd.f32 v25, v18;
	(pc) =	sbr.rel @p1 .LBB3_11-.Ltmp4, $4  }
0x252: {  	s1 =	sor.u32 s10, s1;
	[tilespmem:s0+$0x19F00] =	vst v23  }
0x253: {  	s4 =	sor.u32 $0x380, s1;
	[tilespmem:s0+$0x19D80] =	vst v21  }
0x254: {  	[tilespmem:s0+$0x19C80] =	vst v22  }
0x255: {  	v21 =	vld [tilespmem:s4+$0x1C00]  }
0x256: {  	_ =	sdelay $0x3  }
0x257: {  	v3 =	vmul.f32 v15, v20;
	v4 =	vsub.f32 v21, v19;
	_ =	sdelay $0x1  }
0x258: {  	s0 =	sor.u32 s12, s15;
	p1 =	seq.s32 s13, $0x3F;
	v3 =	vmul.f32 v4, v3  }
.Ltmp5:
0x259: {  	s0 =	sshrl.u32 s0, $0x3;
	(pc) =	sbr.rel @p1 .LBB3_14-.Ltmp5, $3  }
0x25a: {  	s0 =	smul.u32 $0x300, s0;
	v3 =	vadd.f32 v3, v18;
	_ =	sdelay $0x1  }
0x25b: {  	s1 =	simm.s32 $0x19C00;
	s0 =	sadd.s32 s9, s0;
	[tilespmem:s4+$0x19C00] =	vst v3  }
0x25c: {  	[hbm4b:s0+s11] =	stream.linear.scatter [tilespmem:s1], [sflag:$0x3], $0x1800, $0x38;
	[tilespmem:$0x1E200] =	vst v63  }
0x25d: {  	s0 =	sadd.s32 $0x10, s15  }
0x25e: {  	s0 =	sshrl.u32 s0, $0x3  }
0x25f: {  	s0 =	sand.u32 $0x3E, s0  }
0x260: {  	s0 =	smul.u32 $0x300, s0  }
0x261: {  	s1 =	rddreg [dreg:$0x6]  }
0x262: {  	s10 =	simm.s32 $0x1C00;
	s0 =	sadd.s32 s1, s0  }
0x263: {  	[tilespmem:s10], [sflag:$0x1] =	stream.linear.gather [hbm4b:s0+s11], $0x1800, $0x38;
	[tilespmem:$0x1E200] =	vst v63  }
0x264: {  	v3 =	vld.msk [tilespmem:s15+$0x10], $0xff;
	_ =	sdelay $0x4  }
0x265: {  	v4 =	vshrl.u32 v3, $0x3  }
0x266: {  	v4 =	vmul.u32 $0x30, v4  }
0x267: {  	v3 =	vand.u32 $0x7, v3  }
0x268: {  	v3 =	vor.u32 v3, v4  }
0x269: {  	v3 =	vperm.xlane v3, v0;
	_ =	sdelay $0x1  }
0x26a: {  	v3 =	vadd.s32 v1, v3;
	_ =	sdelay $0x3  }
0x26b: {  	s16 =	rddreg [dreg:$0x5];
	s17 =	simm.s32 $0x3400  }
0x26c: {  	[tilespmem:s17], [sflag:$0x1] =	stream.indirect_vreg.gather [hbm4b:s16+s11], $0x80, v3, vm0, $0xb8;
	[tilespmem:$0x1E200] =	vst v63  }
0x26d: {  	s1 =	simm.s32 $0x3C00  }
0x26e: {  	[tilespmem:s1], [sflag:$0x1] =	stream.indirect_vreg.gather [hbm4b:s18+s11], $0x80, v3, vm0, $0xb8;
	[tilespmem:$0x1E200] =	vst v63  }
0x26f: {  	s4 =	simm.s32 $0x4400  }
0x270: {  	[tilespmem:s4], [sflag:$0x1] =	stream.indirect_vreg.gather [hbm4b:s19+s11], $0x80, v3, vm0, $0xb8;
	[tilespmem:$0x1E200] =	vst v63  }
0x271: {  	v3 =	vld.msk [tilespmem:s15+$0x410], $0xff;
	_ =	sdelay $0x4  }
0x272: {  	v58 =	vshrl.u32 v3, $0x3  }
0x273: {  	v4 =	vmul.u32 $0x30, v58  }
0x274: {  	v3 =	vand.u32 $0x7, v3  }
0x275: {  	v3 =	vor.u32 v3, v4  }
0x276: {  	v3 =	vperm.xlane v3, v0;
	_ =	sdelay $0x1  }
0x277: {  	v3 =	vadd.s32 v1, v3;
	_ =	sdelay $0x3  }
0x278: {  	s5 =	simm.s32 $0x4C00  }
0x279: {  	[tilespmem:s5], [sflag:$0x1] =	stream.indirect_vreg.gather [hbm4b:s2+s11], $0x80, v3, vm0, $0xb8;
	[tilespmem:$0x1E200] =	vst v63  }
0x27a: {  	s8 =	simm.s32 $0x5400  }
0x27b: {  	[tilespmem:s8], [sflag:$0x1] =	stream.indirect_vreg.gather [hbm4b:s20+s11], $0x80, v3, vm0, $0xb8;
	[tilespmem:$0x1E200] =	vst v63  }
0x27c: {  	s10 =	simm.s32 $0x5C00  }
0x27d: {  	[tilespmem:s10], [sflag:$0x1] =	stream.indirect_vreg.gather [hbm4b:s21+s11], $0x80, v3, vm0, $0xb8;
	[tilespmem:$0x1E200] =	vst v63  }
0x27e: {  	v3 =	vld.msk [tilespmem:s15+$0x810], $0xff;
	_ =	sdelay $0x4  }
0x27f: {  	v59 =	vshrl.u32 v3, $0x3  }
0x280: {  	v4 =	vmul.u32 $0x30, v59  }
0x281: {  	v3 =	vand.u32 $0x7, v3  }
0x282: {  	v3 =	vor.u32 v3, v4  }
0x283: {  	v3 =	vperm.xlane v3, v0;
	_ =	sdelay $0x1  }
0x284: {  	v3 =	vadd.s32 v1, v3;
	_ =	sdelay $0x3  }
0x285: {  	s16 =	simm.s32 $0x6400  }
0x286: {  	[tilespmem:s16], [sflag:$0x1] =	stream.indirect_vreg.gather [hbm4b:s3+s11], $0x80, v3, vm0, $0xb8;
	[tilespmem:$0x1E200] =	vst v63  }
0x287: {  	s17 =	simm.s32 $0x6C00  }
0x288: {  	[tilespmem:s17], [sflag:$0x1] =	stream.indirect_vreg.gather [hbm4b:s22+s11], $0x80, v3, vm0, $0xb8;
	[tilespmem:$0x1E200] =	vst v63  }
0x289: {  	s1 =	simm.s32 $0x7400  }
0x28a: {  	[tilespmem:s1], [sflag:$0x1] =	stream.indirect_vreg.gather [hbm4b:s23+s11], $0x80, v3, vm0, $0xb8;
	[tilespmem:$0x1E200] =	vst v63  }
0x28b: {  	v3 =	vld.msk [tilespmem:s15+$0xC10], $0xff;
	_ =	sdelay $0x4  }
0x28c: {  	v60 =	vshrl.u32 v3, $0x3  }
0x28d: {  	v4 =	vmul.u32 $0x30, v60  }
0x28e: {  	v3 =	vand.u32 $0x7, v3  }
0x28f: {  	v3 =	vor.u32 v3, v4  }
0x290: {  	v3 =	vperm.xlane v3, v0;
	_ =	sdelay $0x1  }
0x291: {  	v3 =	vadd.s32 v1, v3;
	_ =	sdelay $0x3  }
0x292: {  	s4 =	simm.s32 $0x7C00  }
0x293: {  	[tilespmem:s4], [sflag:$0x1] =	stream.indirect_vreg.gather [hbm4b:s2+s11], $0x80, v3, vm0, $0xb8;
	[tilespmem:$0x1E200] =	vst v63  }
0x294: {  	s5 =	simm.s32 $0x8400  }
0x295: {  	[tilespmem:s5], [sflag:$0x1] =	stream.indirect_vreg.gather [hbm4b:s20+s11], $0x80, v3, vm0, $0xb8;
	[tilespmem:$0x1E200] =	vst v63  }
0x296: {  	s8 =	simm.s32 $0x8C00  }
0x297: {  	[tilespmem:s8], [sflag:$0x1] =	stream.indirect_vreg.gather [hbm4b:s21+s11], $0x80, v3, vm0, $0xb8;
	[tilespmem:$0x1E200] =	vst v63  }
0x298: {  	v3 =	vld.msk [tilespmem:s15+$0x1010], $0xff;
	_ =	sdelay $0x4  }
0x299: {  	v61 =	vshrl.u32 v3, $0x3  }
0x29a: {  	v4 =	vmul.u32 $0x30, v61  }
0x29b: {  	v3 =	vand.u32 $0x7, v3  }
0x29c: {  	v3 =	vor.u32 v3, v4  }
0x29d: {  	v3 =	vperm.xlane v3, v0;
	_ =	sdelay $0x1  }
0x29e: {  	v3 =	vadd.s32 v1, v3;
	_ =	sdelay $0x3  }
0x29f: {  	s10 =	simm.s32 $0x9400  }
0x2a0: {  	[tilespmem:s10], [sflag:$0x1] =	stream.indirect_vreg.gather [hbm4b:s3+s11], $0x80, v3, vm0, $0xb8;
	[tilespmem:$0x1E200] =	vst v63  }
0x2a1: {  	s16 =	simm.s32 $0x9C00  }
0x2a2: {  	[tilespmem:s16], [sflag:$0x1] =	stream.indirect_vreg.gather [hbm4b:s22+s11], $0x80, v3, vm0, $0xb8;
	[tilespmem:$0x1E200] =	vst v63  }
0x2a3: {  	s17 =	simm.s32 $0xA400  }
0x2a4: {  	[tilespmem:s17], [sflag:$0x1] =	stream.indirect_vreg.gather [hbm4b:s23+s11], $0x80, v3, vm0, $0xb8;
	[tilespmem:$0x1E200] =	vst v63  }
0x2a5: {  	v3 =	vld.msk [tilespmem:s15+$0x1410], $0xff;
	_ =	sdelay $0x4  }
0x2a6: {  	v62 =	vshrl.u32 v3, $0x3  }
0x2a7: {  	v4 =	vmul.u32 $0x30, v62  }
0x2a8: {  	v3 =	vand.u32 $0x7, v3  }
0x2a9: {  	v3 =	vor.u32 v3, v4  }
0x2aa: {  	v3 =	vperm.xlane v3, v0;
	_ =	sdelay $0x1  }
0x2ab: {  	v3 =	vadd.s32 v1, v3;
	_ =	sdelay $0x3  }
0x2ac: {  	s1 =	rddreg [dreg:$0x9];
	s4 =	simm.s32 $0xAC00  }
0x2ad: {  	[tilespmem:s4], [sflag:$0x1] =	stream.indirect_vreg.gather [hbm4b:s1+s11], $0x80, v3, vm0, $0xb8;
	[tilespmem:$0x1E200] =	vst v63  }
0x2ae: {  	s5 =	simm.s32 $0xB400  }
0x2af: {  	[tilespmem:s5], [sflag:$0x1] =	stream.indirect_vreg.gather [hbm4b:s24+s11], $0x80, v3, vm0, $0xb8;
	[tilespmem:$0x1E200] =	vst v63  }
0x2b0: {  	s8 =	simm.s32 $0xBC00  }
0x2b1: {  	[tilespmem:s8], [sflag:$0x1] =	stream.indirect_vreg.gather [hbm4b:s26+s11], $0x80, v3, vm0, $0xb8;
	[tilespmem:$0x1E200] =	vst v63  }
0x2b2: {  	v3 =	vld.msk [tilespmem:s15+$0x1810], $0xff;
	_ =	sdelay $0x4  }
0x2b3: {  	v63 =	vshrl.u32 v3, $0x3  }
0x2b4: {  	v4 =	vmul.u32 $0x30, v63  }
0x2b5: {  	v3 =	vand.u32 $0x7, v3  }
0x2b6: {  	v3 =	vor.u32 v3, v4  }
0x2b7: {  	v3 =	vperm.xlane v3, v0;
	_ =	sdelay $0x1  }
0x2b8: {  	v3 =	vadd.s32 v1, v3;
	_ =	sdelay $0x3  }
0x2b9: {  	s10 =	rddreg [dreg:$0xa];
	s15 =	simm.s32 $0xC400  }
0x2ba: {  	[tilespmem:s15], [sflag:$0x1] =	stream.indirect_vreg.gather [hbm4b:s10+s11], $0x80, v3, vm0, $0xb8;
	[tilespmem:$0x1E200] =	vst v63  }
0x2bb: {  	s16 =	simm.s32 $0xCC00  }
0x2bc: {  	[tilespmem:s16], [sflag:$0x1] =	stream.indirect_vreg.gather [hbm4b:s28+s11], $0x80, v3, vm0, $0xb8;
	[tilespmem:$0x1E200] =	vst v63  }
0x2bd: {  	s17 =	simm.s32 $0xD400  }
0x2be: {  	[tilespmem:s17], [sflag:$0x1] =	stream.indirect_vreg.gather [hbm4b:s29+s11], $0x80, v3, vm0, $0xb8;
	[tilespmem:$0x1E200] =	vst v63  }
.LBB3_14:
0x2bf: {  	_ =	swait.ge [sflag:s7], $0x1800  }
0x2c0: {  	[sflag:s7] =	ssyncset.done $0x0  }
0x2c1: {  	[sflag:s7] =	ssyncadd.s32 $0xFFFFE800  }
0x2c2: {  	_ =	swait.ge [sflag:s7], $0x1800  }
0x2c3: {  	[sflag:s7] =	ssyncset.done $0x0  }
0x2c4: {  	[sflag:s7] =	ssyncadd.s32 $0xFFFFE800  }
0x2c5: {  	_ =	swait.ge [sflag:s7], $0x1800  }
0x2c6: {  	[sflag:s7] =	ssyncset.done $0x0  }
0x2c7: {  	[sflag:s7] =	ssyncadd.s32 $0xFFFFE800  }
0x2c8: {  	_ =	swait.ge [sflag:s7], $0x1800  }
0x2c9: {  	[sflag:s7] =	ssyncset.done $0x0  }
0x2ca: {  	[sflag:s7] =	ssyncadd.s32 $0xFFFFE800  }
0x2cb: {  	_ =	swait.ge [sflag:s7], $0x1800  }
0x2cc: {  	[sflag:s7] =	ssyncset.done $0x0  }
0x2cd: {  	[sflag:s7] =	ssyncadd.s32 $0xFFFFE800  }
0x2ce: {  	_ =	swait.ge [sflag:s7], $0x1800  }
0x2cf: {  	[sflag:s7] =	ssyncset.done $0x0  }
0x2d0: {  	[sflag:s7] =	ssyncadd.s32 $0xFFFFE800  }
0x2d1: {  	_ =	swait.ge [sflag:s7], $0x1800  }
0x2d2: {  	[sflag:s7] =	ssyncset.done $0x0  }
0x2d3: {  	[sflag:s7] =	ssyncadd.s32 $0xFFFFE800  }
0x2d4: {  	_ =	swait.ge [sflag:s7], $0x1800  }
0x2d5: {  	[sflag:s7] =	ssyncset.done $0x0  }
0x2d6: {  	s0 =	simm.s32 @!p0 $0x4;
	[sflag:s7] =	ssyncadd.s32 $0xFFFFE800  }
0x2d7: {  	s10 =	simm.s32 $0x0;
	_ =	swait.ge @!p0 [sflag:s0], $0x1800  }
0x2d8: {  	s1 =	sand.u32 $0x70, s10;
	s4 =	sand.u32 $0x1C00, s10;
	[sflag:s0] =	ssyncset.done @!p0 $0x0  }
0x2d9: {  	s15 =	sor.u32 s1, s4;
	[sflag:s0] =	ssyncadd.s32 @!p0 $0xFFFFE800  }
0x2da: {  	v11 =	vld [tilespmem:s15+$0xF400]  }
0x2db: {  	v3 =	vld [tilespmem:s15+$0x10C00]  }
0x2dc: {  	v4 =	vld [tilespmem:s15+$0x12400]  }
0x2dd: {  	v6 =	vld [tilespmem:s15+$0x13C00]  }
0x2de: {  	v7 =	vld [tilespmem:s15+$0x15400]  }
0x2df: {  	v8 =	vld [tilespmem:s15+$0x16C00]  }
0x2e0: {  	v9 =	vld [tilespmem:s15+$0x18400]  }
0x2e1: {  	v12 =	vld [tilespmem:s15+$0xF480]  }
0x2e2: {  	v10 =	vld [tilespmem:s15+$0x10C80]  }
0x2e3: {  	v17 =	vld [tilespmem:s15+$0x12480]  }
0x2e4: {  	v14 =	vld [tilespmem:s15+$0x13C80]  }
0x2e5: {  	v16 =	vld [tilespmem:s15+$0x15480]  }
0x2e6: {  	v18 =	vld [tilespmem:s15+$0x16C80]  }
0x2e7: {  	v19 =	vld [tilespmem:s15+$0x18480]  }
0x2e8: {  	v13 =	vld [tilespmem:s15+$0xF500]  }
0x2e9: {  	v21 =	vld [tilespmem:s15+$0x10D00]  }
0x2ea: {  	v23 =	vld [tilespmem:s15+$0x12500]  }
0x2eb: {  	v24 =	vld [tilespmem:s15+$0x13D00]  }
0x2ec: {  	v28 =	vld [tilespmem:s15+$0x15500]  }
0x2ed: {  	v22 =	vld [tilespmem:s15+$0x16D00]  }
0x2ee: {  	v25 =	vld [tilespmem:s15+$0x18500]  }
0x2ef: {  	v26 =	vld [tilespmem:s15+$0x10D80]  }
0x2f0: {  	v29 =	vld [tilespmem:s15+$0x12580]  }
0x2f1: {  	v27 =	vld [tilespmem:s15+$0x13D80]  }
0x2f2: {  	v5 =	vimm.f32 $0.0e+00;
	v30 =	vld [tilespmem:s15+$0x15580];
	v15 =	vadd.f32 v4, v3;
	v31 =	vadd.f32 v7, v6  }
0x2f3: {  	v32 =	vld [tilespmem:s15+$0x16D80];
	v33 =	vadd.f32 v9, v8;
	v17 =	vadd.f32 v17, v10;
	v7 =	vimm.f32 $0.0e+00  }
0x2f4: {  	v34 =	vld [tilespmem:s15+$0x18580];
	v10 =	vimm.f32 $0.0e+00;
	v6 =	vimm.f32 $0.0e+00;
	v9 =	vimm.f32 $0.0e+00  }
0x2f5: {  	s8 =	simm.s32 $0x10;
	v20 =	vld [tilespmem:s15+$0xF580];
	v3 =	vimm.f32 $0.0e+00;
	v8 =	vimm.f32 $0.0e+00;
	v4 =	vimm.f32 $0.0e+00  }
.LBB3_15:
0x2f6: {  	p0 =	sne.s32 s8, $0x2F0;
	v35 =	vld [tilespmem:s15+$0xDC00];
	v14 =	vadd.f32 v16, v14;
	v16 =	vadd.f32 v19, v18  }
0x2f7: {  	v19 =	vadd.f32 v23, v21;
	v21 =	vadd.f32 v28, v24;
	s10 =	sadd.s32 $0x80, s10;
	v18 =	vld [tilespmem:s15+$0xDC80]  }
0x2f8: {  	s0 =	sand.u32 $0x70, s8;
	v22 =	vadd.f32 v25, v22;
	v24 =	vadd.f32 v29, v26;
	s1 =	sand.u32 $0x1C00, s10;
	v23 =	vld [tilespmem:s15+$0xDD00]  }
0x2f9: {  	v26 =	vadd.f32 v30, v27;
	s0 =	sor.u32 s0, s1;
	v25 =	vld [tilespmem:s15+$0xDD80];
	v27 =	vadd.f32 v34, v32  }
0x2fa: {  	v29 =	vadd.f32 v33, v31;
	v14 =	vadd.f32 v16, v14;
	v28 =	vld [tilespmem:s0+$0xF400]  }
0x2fb: {  	v16 =	vadd.f32 v22, v21;
	v31 =	vld [tilespmem:s0+$0x10C00];
	v11 =	vadd.f32 v11, v35  }
0x2fc: {  	v33 =	vld [tilespmem:s0+$0x12400];
	v12 =	vadd.f32 v12, v18;
	v18 =	vadd.f32 v27, v26  }
0x2fd: {  	v34 =	vld [tilespmem:s0+$0x13C00];
	v21 =	vadd.f32 v15, v11;
	v13 =	vadd.f32 v13, v23  }
0x2fe: {  	v35 =	vld [tilespmem:s0+$0x15400];
	v12 =	vadd.f32 v17, v12;
	v15 =	vadd.f32 v20, v25  }
0x2ff: {  	v17 =	vld [tilespmem:s0+$0x16C00];
	v20 =	vadd.f32 v29, v21;
	v13 =	vadd.f32 v19, v13;
	v11 =	vmov v28  }
0x300: {  	v36 =	vld [tilespmem:s0+$0x18400];
	v14 =	vadd.f32 v14, v12;
	v15 =	vadd.f32 v24, v15  }
0x301: {  	v12 =	vld [tilespmem:s0+$0xF480];
	[tilespmem:s15+$0xDC00] =	vst v20;
	v5 =	vadd.f32 v20, v5;
	v19 =	vmul.f32 v20, v20;
	v13 =	vadd.f32 v16, v13  }
0x302: {  	v20 =	vld [tilespmem:s0+$0x10C80];
	[tilespmem:s15+$0xDC80] =	vst v14;
	v7 =	vadd.f32 v14, v7;
	v16 =	vmul.f32 v14, v14;
	v15 =	vadd.f32 v18, v15  }
0x303: {  	v37 =	vld [tilespmem:s0+$0x12480];
	v10 =	vadd.f32 v19, v10;
	[tilespmem:s15+$0xDD00] =	vst v13;
	v6 =	vadd.f32 v13, v6;
	v13 =	vmul.f32 v13, v13  }
0x304: {  	v14 =	vld [tilespmem:s0+$0x13C80];
	v9 =	vadd.f32 v16, v9;
	[tilespmem:s15+$0xDD80] =	vst v15;
	v3 =	vadd.f32 v15, v3;
	v15 =	vmul.f32 v15, v15;
	s15 =	smov.u32 s0  }
0x305: {  	v16 =	vld [tilespmem:s15+$0x15480];
	v8 =	vadd.f32 v13, v8  }
0x306: {  	v18 =	vld [tilespmem:s15+$0x16C80];
	v4 =	vadd.f32 v15, v4  }
0x307: {  	v19 =	vld [tilespmem:s15+$0x18480]  }
0x308: {  	v13 =	vld [tilespmem:s15+$0xF500]  }
0x309: {  	v21 =	vld [tilespmem:s15+$0x10D00]  }
0x30a: {  	v23 =	vld [tilespmem:s15+$0x12500]  }
0x30b: {  	v24 =	vld [tilespmem:s15+$0x13D00]  }
0x30c: {  	v28 =	vld [tilespmem:s15+$0x15500]  }
0x30d: {  	v22 =	vld [tilespmem:s15+$0x16D00]  }
0x30e: {  	v25 =	vld [tilespmem:s15+$0x18500]  }
0x30f: {  	v26 =	vld [tilespmem:s15+$0x10D80]  }
0x310: {  	v29 =	vld [tilespmem:s15+$0x12580]  }
.Ltmp6:
0x311: {  	v27 =	vld [tilespmem:s15+$0x13D80];
	(pc) =	sbr.rel @p0 .LBB3_15-.Ltmp6, $4  }
0x312: {  	v30 =	vld [tilespmem:s15+$0x15580]  }
0x313: {  	v32 =	vld [tilespmem:s15+$0x16D80]  }
0x314: {  	v15 =	vadd.f32 v33, v31;
	v31 =	vadd.f32 v35, v34;
	v34 =	vld [tilespmem:s15+$0x18580]  }
0x315: {  	s8 =	sadd.s32 $0x10, s8;
	v33 =	vadd.f32 v36, v17;
	v17 =	vadd.f32 v37, v20;
	v20 =	vld [tilespmem:s15+$0xF580]  }
0x316: {  	v35 =	vld [tilespmem:s15+$0xDC00];
	v14 =	vadd.f32 v16, v14;
	v16 =	vadd.f32 v19, v18  }
0x317: {  	v18 =	vld [tilespmem:s15+$0xDC80];
	v19 =	vadd.f32 v23, v21;
	v21 =	vadd.f32 v28, v24  }
0x318: {  	v23 =	vld [tilespmem:s15+$0xDD00];
	v22 =	vadd.f32 v25, v22;
	v24 =	vadd.f32 v29, v26  }
0x319: {  	v25 =	vld [tilespmem:s15+$0xDD80];
	v26 =	vadd.f32 v30, v27;
	v28 =	vadd.f32 v33, v31  }
0x31a: {  	v14 =	vadd.f32 v16, v14;
	v27 =	vadd.f32 v34, v32  }
0x31b: {  	v16 =	vadd.f32 v22, v21;
	v11 =	vadd.f32 v11, v35  }
0x31c: {  	v12 =	vadd.f32 v12, v18;
	v18 =	vadd.f32 v27, v26  }
0x31d: {  	v13 =	vadd.f32 v13, v23;
	v11 =	vadd.f32 v15, v11  }
0x31e: {  	v12 =	vadd.f32 v17, v12;
	v15 =	vadd.f32 v20, v25  }
0x31f: {  	v13 =	vadd.f32 v19, v13;
	v11 =	vadd.f32 v28, v11  }
0x320: {  	v12 =	vadd.f32 v14, v12;
	v14 =	vadd.f32 v24, v15  }
0x321: {  	v13 =	vadd.f32 v16, v13;
	[tilespmem:s15+$0xDC00] =	vst v11  }
0x322: {  	[tilespmem:s15+$0xDC80] =	vst v12;
	v14 =	vadd.f32 v18, v14  }
0x323: {  	v5 =	vadd.f32 v11, v5;
	[tilespmem:s15+$0xDD00] =	vst v13  }
0x324: {  	v15 =	vmul.f32 v11, v11;
	v7 =	vadd.f32 v12, v7;
	[tilespmem:s15+$0xDD80] =	vst v14  }
0x325: {  	v11 =	vmul.f32 v12, v12;
	v6 =	vadd.f32 v13, v6;
	[tilespmem:$0x1D200] =	vst v5  }
0x326: {  	v10 =	vadd.f32 v15, v10;
	[tilespmem:$0x1D280] =	vst v7  }
0x327: {  	v9 =	vadd.f32 v11, v9;
	v5 =	vmul.f32 v13, v13;
	[tilespmem:$0x1D300] =	vst v6  }
0x328: {  	v3 =	vadd.f32 v14, v3;
	v7 =	vmul.f32 v14, v14;
	[tilespmem:$0x1DA00] =	vst v10  }
0x329: {  	[tilespmem:$0x1DA80] =	vst v9;
	v5 =	vadd.f32 v5, v8  }
0x32a: {  	s15 =	simm.s32 $0x0;
	[tilespmem:$0x1D380] =	vst v3;
	v4 =	vadd.f32 v7, v4  }
0x32b: {  	s0 =	sand.u32 $0x70, s15;
	s1 =	sand.u32 $0x1C00, s15;
	[tilespmem:$0x1DB00] =	vst v5  }
0x32c: {  	s16 =	sor.u32 s0, s1;
	[tilespmem:$0x1DB80] =	vst v4  }
0x32d: {  	v3 =	vld [tilespmem:s16+$0xF600]  }
0x32e: {  	v4 =	vld [tilespmem:s16+$0xDE00]  }
0x32f: {  	v5 =	vld [tilespmem:s16+$0x10E00]  }
0x330: {  	v6 =	vld [tilespmem:s16+$0x12600]  }
0x331: {  	v18 =	vld [tilespmem:s16+$0x13E00]  }
0x332: {  	v20 =	vld [tilespmem:s16+$0x15600]  }
0x333: {  	v22 =	vld [tilespmem:s16+$0x16E00]  }
0x334: {  	v24 =	vld [tilespmem:s16+$0x18600]  }
0x335: {  	v11 =	vld [tilespmem:s16+$0xDE80]  }
0x336: {  	v12 =	vld [tilespmem:s16+$0xF680]  }
0x337: {  	v13 =	vld [tilespmem:s16+$0x10E80]  }
0x338: {  	v15 =	vld [tilespmem:s16+$0x12680]  }
0x339: {  	v14 =	vld [tilespmem:s16+$0x13E80]  }
0x33a: {  	v16 =	vld [tilespmem:s16+$0x15680]  }
0x33b: {  	v17 =	vld [tilespmem:s16+$0x16E80]  }
0x33c: {  	v19 =	vld [tilespmem:s16+$0x18680]  }
0x33d: {  	v10 =	vimm.f32 $0.0e+00;
	v21 =	vld [tilespmem:s16+$0xDF00]  }
0x33e: {  	v9 =	vimm.f32 $0.0e+00;
	v7 =	vimm.f32 $0.0e+00;
	v8 =	vimm.f32 $0.0e+00;
	v23 =	vld [tilespmem:s16+$0xF700]  }
0x33f: {  	v25 =	vld [tilespmem:s16+$0x10F00];
	v27 =	vadd.f32 v3, v4;
	v28 =	vadd.f32 v6, v5;
	v5 =	vimm.f32 $0.0e+00  }
0x340: {  	s8 =	simm.s32 $0x10;
	s10 =	simm.s32 $0x0;
	v26 =	vld [tilespmem:s16+$0x12700];
	v6 =	vimm.f32 $0.0e+00;
	v4 =	vimm.f32 $0.0e+00;
	v3 =	vimm.f32 $0.0e+00  }
.LBB3_17:
0x341: {  	p0 =	sne.s32 s8, $0x2F0;
	v18 =	vadd.f32 v20, v18;
	v20 =	vadd.f32 v24, v22;
	v22 =	vld [tilespmem:s16+$0x13F00]  }
0x342: {  	v24 =	vld [tilespmem:s16+$0x15700]  }
0x343: {  	v27 =	vadd.f32 v28, v27;
	v18 =	vadd.f32 v20, v18;
	v20 =	vld [tilespmem:s16+$0x16F00]  }
0x344: {  	v28 =	vld [tilespmem:s16+$0x18700]  }
0x345: {  	v18 =	vadd.f32 v18, v27  }
0x346: {  	v11 =	vadd.f32 v12, v11;
	v12 =	vadd.f32 v15, v13  }
0x347: {  	v14 =	vadd.f32 v16, v14;
	v15 =	vadd.f32 v19, v17;
	v13 =	vmul.f32 v18, v18  }
0x348: {  	v16 =	vadd.f32 v23, v21;
	v17 =	vadd.f32 v26, v25  }
0x349: {  	v19 =	vadd.f32 v24, v22;
	v20 =	vadd.f32 v28, v20;
	v21 =	vld [tilespmem:s16+$0xF780]  }
0x34a: {  	v11 =	vadd.f32 v12, v11;
	v12 =	vadd.f32 v15, v14;
	v14 =	vld [tilespmem:s16+$0x10F80]  }
0x34b: {  	v15 =	vadd.f32 v17, v16;
	v16 =	vadd.f32 v20, v19;
	v17 =	vld [tilespmem:s16+$0x12780]  }
0x34c: {  	v11 =	vadd.f32 v12, v11;
	v7 =	vadd.f32 v13, v7;
	v12 =	vld [tilespmem:s16+$0x13F80]  }
0x34d: {  	v10 =	vadd.f32 v18, v10;
	[tilespmem:s16+$0xDE00] =	vst v18;
	v13 =	vadd.f32 v16, v15;
	v15 =	vld [tilespmem:s16+$0x15780]  }
0x34e: {  	s0 =	sor.u32 s10, s15;
	s15 =	smov.u32 s8;
	v9 =	vadd.f32 v11, v9;
	[tilespmem:s16+$0xDE80] =	vst v11;
	v11 =	vmul.f32 v11, v11;
	v16 =	vld [tilespmem:s16+$0x16F80]  }
0x34f: {  	s0 =	sor.u32 $0x380, s0;
	[tilespmem:s16+$0xDF00] =	vst v13;
	v5 =	vadd.f32 v13, v5;
	v13 =	vmul.f32 v13, v13;
	v18 =	vld [tilespmem:s16+$0x18780]  }
0x350: {  	v8 =	vadd.f32 v11, v8;
	v11 =	vld [tilespmem:s0+$0xDC00]  }
0x351: {  	v6 =	vadd.f32 v13, v6;
	_ =	sdelay $0x2  }
0x352: {  	v13 =	vadd.f32 v17, v14;
	v12 =	vadd.f32 v15, v12  }
0x353: {  	v14 =	vadd.f32 v18, v16;
	v11 =	vadd.f32 v21, v11;
	_ =	sdelay $0x1  }
0x354: {  	v12 =	vadd.f32 v14, v12;
	v11 =	vadd.f32 v13, v11;
	_ =	sdelay $0x1  }
0x355: {  	s10 =	sadd.s32 $0x80, s10;
	v11 =	vadd.f32 v12, v11  }
0x356: {  	s1 =	sand.u32 $0x70, s8;
	s4 =	sand.u32 $0x1C00, s10  }
0x357: {  	s16 =	sor.u32 s1, s4;
	[tilespmem:s0+$0xDC00] =	vst v11;
	v4 =	vadd.f32 v11, v4;
	v11 =	vmul.f32 v11, v11  }
0x358: {  	v26 =	vld [tilespmem:s16+$0xF600]  }
0x359: {  	v27 =	vld [tilespmem:s16+$0xDE00];
	v3 =	vadd.f32 v11, v3  }
0x35a: {  	v28 =	vld [tilespmem:s16+$0x10E00]  }
0x35b: {  	v29 =	vld [tilespmem:s16+$0x12600]  }
0x35c: {  	v18 =	vld [tilespmem:s16+$0x13E00]  }
0x35d: {  	v20 =	vld [tilespmem:s16+$0x15600]  }
0x35e: {  	v22 =	vld [tilespmem:s16+$0x16E00]  }
0x35f: {  	v24 =	vld [tilespmem:s16+$0x18600]  }
0x360: {  	v11 =	vld [tilespmem:s16+$0xDE80]  }
0x361: {  	v12 =	vld [tilespmem:s16+$0xF680]  }
0x362: {  	v13 =	vld [tilespmem:s16+$0x10E80]  }
0x363: {  	v15 =	vld [tilespmem:s16+$0x12680]  }
0x364: {  	v14 =	vld [tilespmem:s16+$0x13E80]  }
0x365: {  	v16 =	vld [tilespmem:s16+$0x15680]  }
0x366: {  	v17 =	vld [tilespmem:s16+$0x16E80]  }
.Ltmp7:
0x367: {  	v19 =	vld [tilespmem:s16+$0x18680];
	(pc) =	sbr.rel @p0 .LBB3_17-.Ltmp7, $4  }
0x368: {  	v21 =	vld [tilespmem:s16+$0xDF00]  }
0x369: {  	v23 =	vld [tilespmem:s16+$0xF700]  }
0x36a: {  	v25 =	vld [tilespmem:s16+$0x10F00]  }
0x36b: {  	s8 =	sadd.s32 $0x10, s8;
	v27 =	vadd.f32 v26, v27;
	v28 =	vadd.f32 v29, v28;
	v26 =	vld [tilespmem:s16+$0x12700]  }
0x36c: {  	v39 =	vld [tilespmem:s16+$0x13F00]  }
0x36d: {  	v40 =	vld [tilespmem:s16+$0x15700]  }
0x36e: {  	v18 =	vadd.f32 v20, v18;
	v41 =	vld [tilespmem:s16+$0x16F00]  }
0x36f: {  	v38 =	vadd.f32 v24, v22;
	v42 =	vld [tilespmem:s16+$0x18700];
	v11 =	vadd.f32 v12, v11  }
0x370: {  	v43 =	vadd.f32 v15, v13;
	v44 =	vadd.f32 v16, v14  }
0x371: {  	v45 =	vadd.f32 v19, v17;
	v27 =	vadd.f32 v28, v27  }
0x372: {  	v18 =	vadd.f32 v38, v18;
	v46 =	vadd.f32 v23, v21  }
0x373: {  	v11 =	vadd.f32 v43, v11;
	v47 =	vadd.f32 v26, v25  }
0x374: {  	v48 =	vld [tilespmem:s16+$0xF780];
	v49 =	vadd.f32 v40, v39;
	v20 =	vadd.f32 v42, v41  }
0x375: {  	v50 =	vld [tilespmem:s16+$0x10F80];
	v51 =	vadd.f32 v45, v44;
	v18 =	vadd.f32 v18, v27  }
0x376: {  	v52 =	vld [tilespmem:s16+$0x12780];
	v53 =	vadd.f32 v47, v46;
	v55 =	vadd.f32 v20, v49  }
0x377: {  	v54 =	vld [tilespmem:s16+$0x13F80];
	v11 =	vadd.f32 v51, v11  }
0x378: {  	v56 =	vld [tilespmem:s16+$0x15780];
	[tilespmem:s16+$0xDE00] =	vst v18;
	v14 =	vadd.f32 v55, v53  }
0x379: {  	v57 =	vld [tilespmem:s16+$0x16F80];
	s0 =	sor.u32 s10, s15;
	[tilespmem:s16+$0xDE80] =	vst v11  }
0x37a: {  	v58 =	vld [tilespmem:s16+$0x18780];
	s0 =	sor.u32 $0x380, s0;
	[tilespmem:s16+$0xDF00] =	vst v14  }
0x37b: {  	v59 =	vld [tilespmem:s0+$0xDC00];
	_ =	sdelay $0x3  }
0x37c: {  	v13 =	vadd.f32 v52, v50;
	v12 =	vadd.f32 v56, v54  }
0x37d: {  	v16 =	vadd.f32 v58, v57;
	v60 =	vadd.f32 v48, v59;
	_ =	sdelay $0x1  }
0x37e: {  	v12 =	vadd.f32 v16, v12;
	v13 =	vadd.f32 v13, v60;
	_ =	sdelay $0x1  }
0x37f: {  	v61 =	vmul.f32 v18, v18;
	v12 =	vadd.f32 v12, v13  }
0x380: {  	s1 =	simm.s32 $0x0;
	v10 =	vadd.f32 v18, v10  }
0x381: {  	v63 =	vmov s1;
	v7 =	vadd.f32 v61, v7;
	[tilespmem:s0+$0xDC00] =	vst v12  }
0x382: {  	s15 =	simm.s32 $0x1;
	v62 =	vmul.f32 v11, v11;
	v9 =	vadd.f32 v11, v9;
	[tilespmem:$0x1D400] =	vst v10;
	v10 =	vand.u32 $0x7C, v63  }
0x383: {  	[tilespmem:$0x1DC00] =	vst v7;
	v7 =	vbroadcast v10, $0x0;
	v10 =	vmov s15  }
0x384: {  	v8 =	vadd.f32 v62, v8;
	[tilespmem:$0x1D480] =	vst v9;
	v9 =	vand.u32 $0x7D, v10;
	v10 =	vmul.f32 v12, v12  }
0x385: {  	v4 =	vadd.f32 v12, v4  }
0x386: {  	v11 =	vmul.f32 v14, v14;
	s16 =	simm.s32 $0x2;
	[tilespmem:$0x1DC80] =	vst v8;
	v3 =	vadd.f32 v10, v3  }
0x387: {  	[tilespmem:$0x1D580] =	vst v4;
	v4 =	vmov s16;
	v7 =	vor.u32 v2, v7;
	v8 =	vbroadcast v9, $0x0  }
0x388: {  	s17 =	simm.s32 $0x3;
	v5 =	vadd.f32 v14, v5;
	v6 =	vadd.f32 v11, v6;
	[tilespmem:$0x1DD80] =	vst v3;
	v3 =	vand.u32 $0x7E, v4  }
0x389: {  	v10 =	vor.u32 v2, v8;
	v4 =	vmov s17;
	v3 =	vbroadcast v3, $0x0  }
0x38a: {  	[tilespmem:$0x1D500] =	vst v5;
	v5 =	vand.u32 $0x7F, v4  }
0x38b: {  	[tilespmem:$0x1DD00] =	vst v6;
	v6 =	vbroadcast v5, $0x0;
	v8 =	vor.u32 v2, v3  }
0x38c: {  	v4 =	vld.idx.msk [tilespmem:v7+s31+$0x0], $0xffff  }
0x38d: {  	s1 =	simm.s32 $0x4;
	v5 =	vld.idx.msk [tilespmem:v7+s6+$0x0], $0xffff;
	v6 =	vor.u32 v2, v6  }
0x38e: {  	v7 =	vmov s1;
	v3 =	vld.idx.msk [tilespmem:v10+s31+$0x0], $0xffff  }
0x38f: {  	s4 =	simm.s32 $0x5;
	s0 =	simm.s32 $0x8;
	v9 =	vimm.f32 $0.0e+00;
	v11 =	vand.u32 $0x7C, v7;
	v7 =	vld.idx.msk [tilespmem:v10+s6+$0x0], $0xffff;
	v10 =	vimm.f32 $0.0e+00  }
.LBB3_19:
0x390: {  	p0 =	slt.u32 s0, $0xC;
	v11 =	vbroadcast v11, $0x0;
	v12 =	vmov s4;
	v13 =	vld.idx.msk [tilespmem:v8+s31+$0x0], $0xffff  }
0x391: {  	s4 =	sadd.s32 $0x2, s1;
	v12 =	vand.u32 $0x7D, v12;
	v14 =	vld.idx.msk [tilespmem:v8+s6+$0x0], $0xffff  }
0x392: {  	v11 =	vor.u32 v2, v11;
	v8 =	vbroadcast v12, $0x0;
	v12 =	vmov s4;
	v15 =	vld.idx.msk [tilespmem:v6+s31+$0x0], $0xffff  }
0x393: {  	v4 =	vadd.f32 v4, v9;
	s4 =	sadd.s32 $0x3, s1;
	v5 =	vadd.f32 v5, v10;
	s1 =	smov.u32 s0;
	v12 =	vand.u32 $0x7E, v12;
	v10 =	vld.idx.msk [tilespmem:v6+s6+$0x0], $0xffff  }
0x394: {  	v16 =	vor.u32 v2, v8;
	v6 =	vbroadcast v12, $0x0;
	v8 =	vmov s4  }
0x395: {  	v3 =	vadd.f32 v3, v4;
	v5 =	vadd.f32 v7, v5;
	v9 =	vand.u32 $0x7F, v8  }
.Ltmp8:
0x396: {  	v8 =	vor.u32 v2, v6;
	v6 =	vbroadcast v9, $0x0;
	(pc) =	sbr.rel @p0 .LBB3_19-.Ltmp8, $4  }
0x397: {  	v7 =	vadd.f32 v13, v3;
	v12 =	vadd.f32 v14, v5;
	v4 =	vld.idx.msk [tilespmem:v11+s31+$0x0], $0xffff  }
0x398: {  	v5 =	vld.idx.msk [tilespmem:v11+s6+$0x0], $0xffff;
	v6 =	vor.u32 v2, v6  }
0x399: {  	v9 =	vadd.f32 v15, v7;
	v11 =	vmov s0;
	v10 =	vadd.f32 v10, v12;
	v3 =	vld.idx.msk [tilespmem:v16+s31+$0x0], $0xffff  }
0x39a: {  	s4 =	sadd.s32 $0x1, s1;
	s0 =	sadd.s32 $0x4, s0;
	v11 =	vand.u32 $0x7C, v11;
	v7 =	vld.idx.msk [tilespmem:v16+s6+$0x0], $0xffff  }
0x39b: {  	_ = 	snop  }
0x39c: {  	v11 =	vbroadcast v11, $0x0;
	v12 =	vmov s4  }
0x39d: {  	s0 =	sadd.s32 $0x2, s1;
	v12 =	vand.u32 $0x7D, v12  }
0x39e: {  	v13 =	vmov s0;
	v11 =	vor.u32 v2, v11;
	v12 =	vbroadcast v12, $0x0  }
0x39f: {  	v14 =	vld.idx.msk [tilespmem:v8+s31+$0x0], $0xffff;
	s5 =	sadd.s32 $0x3, s1;
	v4 =	vadd.f32 v4, v9;
	v13 =	vand.u32 $0x7E, v13  }
0x3a0: {  	v8 =	vld.idx.msk [tilespmem:v8+s6+$0x0], $0xffff;
	v9 =	vor.u32 v2, v12;
	v12 =	vbroadcast v13, $0x0;
	v13 =	vmov s5  }
0x3a1: {  	v15 =	vld.idx.msk [tilespmem:v6+s31+$0x0], $0xffff;
	v5 =	vadd.f32 v5, v10;
	v10 =	vand.u32 $0x7F, v13  }
0x3a2: {  	v6 =	vld.idx.msk [tilespmem:v6+s6+$0x0], $0xffff;
	v3 =	vadd.f32 v3, v4;
	v4 =	vor.u32 v2, v12;
	v10 =	vbroadcast v10, $0x0  }
0x3a3: {  	v12 =	vld.idx.msk [tilespmem:v11+s31+$0x0], $0xffff  }
0x3a4: {  	v5 =	vadd.f32 v7, v5;
	v3 =	vadd.f32 v14, v3;
	v7 =	vld.idx.msk [tilespmem:v11+s6+$0x0], $0xffff;
	v10 =	vor.u32 v2, v10  }
0x3a5: {  	v11 =	vld.idx.msk [tilespmem:v9+s31+$0x0], $0xffff  }
0x3a6: {  	v5 =	vadd.f32 v8, v5;
	v3 =	vadd.f32 v15, v3;
	v8 =	vld.idx.msk [tilespmem:v9+s6+$0x0], $0xffff  }
0x3a7: {  	v9 =	vld.idx.msk [tilespmem:v4+s31+$0x0], $0xffff  }
0x3a8: {  	v5 =	vadd.f32 v6, v5;
	v4 =	vld.idx.msk [tilespmem:v4+s6+$0x0], $0xffff;
	v3 =	vadd.f32 v12, v3  }
0x3a9: {  	v6 =	vld.idx.msk [tilespmem:v10+s31+$0x0], $0xffff  }
0x3aa: {  	v5 =	vadd.f32 v7, v5;
	v3 =	vadd.f32 v11, v3  }
0x3ab: {  	v7 =	vld.idx.msk [tilespmem:v10+s6+$0x0], $0xffff  }
0x3ac: {  	v5 =	vadd.f32 v8, v5;
	v3 =	vadd.f32 v9, v3;
	_ =	sdelay $0x1  }
0x3ad: {  	v4 =	vadd.f32 v4, v5;
	v3 =	vadd.f32 v6, v3;
	_ =	sdelay $0x1  }
0x3ae: {  	v4 =	vadd.f32 v7, v4;
	v19 =	vmul.f32 $1.302083370e-03, v3;
	_ =	sdelay $0x1  }
0x3af: {  	v3 =	vmul.f32 $1.302083370e-03, v4;
	v4 =	vmul.f32 v19, v19;
	_ =	sdelay $0x1  }
0x3b0: {  	v3 =	vsub.f32 v3, v4;
	_ =	sdelay $0x1  }
0x3b1: {  	v3 =	vadd.f32 $9.999999960e-13, v3;
	_ =	sdelay $0x1  }
0x3b2: {  	v4 =	vshrl.u32 v3, $0x1;
	v3 =	vmul.f32 $5.000000000e-01, v3  }
0x3b3: {  	v4 =	vsub.s32 $0x5F3759DF, v4  }
0x3b4: {  	v5 =	vmul.f32 v4, v3;
	_ =	sdelay $0x1  }
0x3b5: {  	v5 =	vmul.f32 v4, v5;
	_ =	sdelay $0x1  }
0x3b6: {  	v5 =	vsub.f32 $1.500000000e+00, v5;
	_ =	sdelay $0x1  }
0x3b7: {  	v4 =	vmul.f32 v4, v5;
	_ =	sdelay $0x1  }
0x3b8: {  	v5 =	vmul.f32 v4, v3;
	_ =	sdelay $0x1  }
0x3b9: {  	v5 =	vmul.f32 v5, v4;
	_ =	sdelay $0x1  }
0x3ba: {  	v5 =	vsub.f32 $1.500000000e+00, v5;
	_ =	sdelay $0x1  }
0x3bb: {  	v4 =	vmul.f32 v5, v4  }
0x3bc: {  	s10 =	simm.s32 $0x0  }
0x3bd: {  	s8 =	sand.u32 $0x70, s10;
	s16 =	sand.u32 $0x1C00, s10;
	v3 =	vmul.f32 v4, v3  }
0x3be: {  	s0 =	sor.u32 s8, s16  }
0x3bf: {  	v18 =	vld [tilespmem:s0+$0xDF00];
	v3 =	vmul.f32 v3, v4  }
0x3c0: {  	v21 =	vld [tilespmem:s0+$0xDE80]  }
0x3c1: {  	v22 =	vld [tilespmem:s0+$0xDE00];
	v7 =	vbroadcast v19, $0x2;
	v3 =	vsub.f32 $1.500000000e+00, v3  }
0x3c2: {  	s15 =	simm.s32 $0x1CC00;
	v23 =	vld [tilespmem:s0+$0xDD00];
	v9 =	vbroadcast v19, $0x3;
	v11 =	vbroadcast v19, $0x5  }
0x3c3: {  	v15 =	vld [tilespmem:s15+$0x0];
	v12 =	vbroadcast v19, $0x6;
	v20 =	vmul.f32 v3, v4  }
0x3c4: {  	v28 =	vld [tilespmem:s0+$0xDD80];
	v16 =	vbroadcast v19, $0x4;
	v5 =	vbroadcast v19, $0x1  }
0x3c5: {  	v29 =	vld [tilespmem:s0+$0xDC80];
	v25 =	vsub.f32 v18, v12;
	v3 =	vbroadcast v19, $0x0;
	v4 =	vbroadcast v20, $0x0  }
0x3c6: {  	s16 =	simm.s32 $0x1CF00;
	v24 =	vld [tilespmem:s0+$0xDC00];
	v21 =	vsub.f32 v21, v11;
	v6 =	vbroadcast v20, $0x1;
	v13 =	vbroadcast v20, $0x5  }
0x3c7: {  	v18 =	vld [tilespmem:s16+$0x0];
	v22 =	vsub.f32 v22, v16;
	v8 =	vbroadcast v20, $0x2;
	v17 =	vbroadcast v20, $0x4  }
0x3c8: {  	v23 =	vsub.f32 v23, v7;
	v10 =	vbroadcast v20, $0x3;
	v27 =	vmul.f32 v15, v13  }
0x3c9: {  	v60 =	vsub.f32 v28, v9;
	v14 =	vbroadcast v20, $0x6;
	v31 =	vmul.f32 v15, v17  }
0x3ca: {  	v62 =	vsub.f32 v29, v5;
	v32 =	vmul.f32 v15, v8;
	v21 =	vmul.f32 v21, v27  }
0x3cb: {  	v24 =	vsub.f32 v24, v3;
	v59 =	vmul.f32 v15, v4;
	v22 =	vmul.f32 v22, v31  }
0x3cc: {  	v26 =	vmul.f32 v15, v14;
	v23 =	vmul.f32 v23, v32;
	v21 =	vadd.f32 v21, v18  }
0x3cd: {  	v30 =	vmul.f32 v15, v10;
	v24 =	vmul.f32 v24, v59;
	v22 =	vadd.f32 v22, v18  }
0x3ce: {  	v61 =	vmul.f32 v15, v6;
	v25 =	vmul.f32 v25, v26;
	v23 =	vadd.f32 v23, v18;
	[tilespmem:s0+$0x1B680] =	vst v21  }
0x3cf: {  	v63 =	vmul.f32 v60, v30;
	v21 =	vadd.f32 v24, v18;
	[tilespmem:s0+$0x1B600] =	vst v22  }
0x3d0: {  	v25 =	vadd.f32 v25, v18;
	v22 =	vmul.f32 v62, v61;
	[tilespmem:s0+$0x1B500] =	vst v23  }
0x3d1: {  	[tilespmem:s0+$0x1B400] =	vst v21;
	v21 =	vadd.f32 v63, v18  }
0x3d2: {  	[tilespmem:s0+$0x1B700] =	vst v25;
	v22 =	vadd.f32 v22, v18  }
0x3d3: {  	s17 =	sor.u32 s10, s10;
	[tilespmem:s0+$0x1B580] =	vst v21  }
0x3d4: {  	s4 =	sor.u32 $0x380, s17;
	[tilespmem:s0+$0x1B480] =	vst v22  }
0x3d5: {  	s8 =	simm.s32 $0x10;
	v19 =	vbroadcast v19, $0x7;
	v20 =	vbroadcast v20, $0x7;
	v21 =	vld [tilespmem:s4+$0xDC00]  }
.LBB3_21:
0x3d6: {  	_ =	sdelay $0x1  }
0x3d7: {  	s10 =	sadd.s32 $0x80, s10;
	s15 =	sadd.s32 $0x10, s15;
	s16 =	sadd.s32 $0x10, s16  }
0x3d8: {  	p0 =	sne.s32 s8, $0x2F0;
	v15 =	vmul.f32 v15, v20;
	s1 =	smov.u32 s8;
	s8 =	sadd.s32 $0x10, s8  }
0x3d9: {  	v21 =	vsub.f32 v21, v19;
	_ =	sdelay $0x1  }
0x3da: {  	v15 =	vmul.f32 v21, v15;
	_ =	sdelay $0x1  }
0x3db: {  	v15 =	vadd.f32 v15, v18;
	_ =	sdelay $0x1  }
0x3dc: {  	s0 =	sand.u32 $0x70, s1;
	s5 =	sand.u32 $0x1C00, s10;
	[tilespmem:s4+$0x1B400] =	vst v15  }
0x3dd: {  	s0 =	sor.u32 s0, s5;
	v15 =	vld [tilespmem:s15+$0x0]  }
0x3de: {  	v18 =	vld [tilespmem:s0+$0xDF00]  }
0x3df: {  	v21 =	vld [tilespmem:s0+$0xDE80]  }
0x3e0: {  	v22 =	vld [tilespmem:s0+$0xDC80]  }
0x3e1: {  	v23 =	vld [tilespmem:s0+$0xDE00]  }
0x3e2: {  	v24 =	vld [tilespmem:s0+$0xDD00]  }
0x3e3: {  	v27 =	vmul.f32 v15, v14;
	v25 =	vld [tilespmem:s0+$0xDC00];
	v26 =	vsub.f32 v18, v12  }
0x3e4: {  	v28 =	vmul.f32 v15, v10;
	v29 =	vmul.f32 v15, v13;
	v18 =	vld [tilespmem:s16+$0x0];
	v21 =	vsub.f32 v21, v11  }
0x3e5: {  	v30 =	vmul.f32 v15, v8;
	v31 =	vld [tilespmem:s0+$0xDD80];
	v26 =	vmul.f32 v26, v27  }
0x3e6: {  	v32 =	vmul.f32 v15, v17;
	v27 =	vmul.f32 v15, v6;
	v23 =	vsub.f32 v23, v16  }
0x3e7: {  	v22 =	vsub.f32 v22, v5;
	v21 =	vmul.f32 v21, v29;
	v24 =	vsub.f32 v24, v7  }
0x3e8: {  	v29 =	vmul.f32 v15, v4;
	v25 =	vsub.f32 v25, v3;
	v23 =	vmul.f32 v23, v32  }
0x3e9: {  	v22 =	vmul.f32 v22, v27;
	v24 =	vmul.f32 v24, v30;
	v21 =	vadd.f32 v21, v18  }
0x3ea: {  	v25 =	vmul.f32 v25, v29;
	v27 =	vsub.f32 v31, v9;
	v23 =	vadd.f32 v23, v18  }
0x3eb: {  	v22 =	vadd.f32 v22, v18;
	v24 =	vadd.f32 v24, v18;
	[tilespmem:s0+$0x1B680] =	vst v21  }
0x3ec: {  	v21 =	vadd.f32 v25, v18;
	v25 =	vmul.f32 v27, v28;
	[tilespmem:s0+$0x1B600] =	vst v23;
	v23 =	vadd.f32 v26, v18  }
0x3ed: {  	[tilespmem:s0+$0x1B500] =	vst v24  }
.Ltmp9:
0x3ee: {  	[tilespmem:s0+$0x1B400] =	vst v21;
	v21 =	vadd.f32 v25, v18;
	(pc) =	sbr.rel @p0 .LBB3_21-.Ltmp9, $4  }
0x3ef: {  	s1 =	sor.u32 s10, s1;
	[tilespmem:s0+$0x1B700] =	vst v23  }
0x3f0: {  	s4 =	sor.u32 $0x380, s1;
	[tilespmem:s0+$0x1B580] =	vst v21  }
0x3f1: {  	[tilespmem:s0+$0x1B480] =	vst v22  }
0x3f2: {  	v21 =	vld [tilespmem:s4+$0xDC00]  }
0x3f3: {  	_ =	sdelay $0x3  }
0x3f4: {  	v3 =	vmul.f32 v15, v20;
	v4 =	vsub.f32 v21, v19  }
0x3f5: {  	s13 =	sadd.s32 $0x1, s13  }
0x3f6: {  	p0 =	sne.s32 s13, $0x40;
	v3 =	vmul.f32 v4, v3  }
.Ltmp10:
0x3f7: {  	s0 =	sshrl.u32 s14, $0x3;
	(pc) =	sbr.rel @p0 .LBB3_4-.Ltmp10, $3  }
0x3f8: {  	s0 =	smul.u32 $0x300, s0;
	v3 =	vadd.f32 v3, v18;
	_ =	sdelay $0x1  }
0x3f9: {  	s1 =	simm.s32 $0x1B400;
	s0 =	sadd.s32 s9, s0;
	[tilespmem:s4+$0x1B400] =	vst v3  }
0x3fa: {  	[hbm4b:s0+s11] =	stream.linear.scatter [tilespmem:s1], [sflag:$0x4], $0x1800, $0x38;
	[tilespmem:$0x1E200] =	vst v63  }
0x3fb: {  	s0 =	simm.s32 $0x3  }
0x3fc: {  	_ =	swait.ge [sflag:s0], $0x1800  }
0x3fd: {  	[sflag:s0] =	ssyncset.done $0x0  }
0x3fe: {  	s1 =	simm.s32 $0x4;
	[sflag:s0] =	ssyncadd.s32 $0xFFFFE800  }
0x3ff: {  	_ =	swait.ge [sflag:s1], $0x1800  }
0x400: {  	s4 =	rddreg [dreg:$0x15]  }
0x401: {  	s17 =	rddreg [dreg:$0x14];
	s4 =	sadd.s32 $0x1, s4  }
0x402: {  	p0 =	sne.s32 s4, s17  }
.Ltmp11:
0x403: {  	_ = 	snop;
	(pc) =	sbr.rel @p0 .LBB3_1-.Ltmp11, $3  }
0x404: {  	_ =	sdelay $0x1  }
0x405: {  	[sflag:s1] =	ssyncset.done $0x0  }
0x406: {  	[sflag:s1] =	ssyncadd.s32 $0xFFFFE800  }
0x407: {  	_ =	sfence.sel $0x180000  }
0x408: {  	[bflag:$0x0] =	sbarrier.arrive $0xFFFF  }
0x409: {  	_ =	strace $0x90000047  }
0x40a: {  	s0 =	stileid.u32;
	[bflag:$0x2] =	sbarrier.arrive $0xFFFF  }
0x40b: {  	p0 =	sne.s32 s0, $0x0;
	s0 =	rddreg [dreg:$0xe]  }
0x40c: {  	s0 =	sadd.s32 @!p0 $0x100000, s0  }
0x40d: {  	[sflag:s0] =	ssyncadd.tile.s32 @!p0 $0x1;
	_ =	shalt  }
.Lfunc_end3:
_tile_overlayer_lowered:
.L_overlay_start_3:
0x40e: {  	(tag) =	ssettag $0x3  }
0x40f: {  	s0 =	rddreg [dreg:$0x0];
	s2 =	stileid.u32  }
0x410: {  	s1 =	rddreg [dreg:$0x1];
	p0 =	sne.s32 s2, $0x0  }
0x411: {  	s3 =	rddreg [dreg:$0x2];
	[bflag:$0x3] =	sbarrier.arrive $0xFFFF;
	s2 =	simm.s32 @!p0 $0x1C05  }
0x412: {  	[timem:s3], [sflag:s2] =	dma.local @!p0 [hbm:s0], s1  }
0x413: {  	s0 =	simm.s32 @!p0 $0x5  }
0x414: {  	_ =	swait.ge @!p0 [sflag:s0], s1  }
0x415: {  	s1 =	ssub.s32 @!p0 $0x0, s1;
	[sflag:s0] =	ssyncset.done @!p0 $0x0  }
0x416: {  	[sflag:s0] =	ssyncadd.s32 @!p0 s1  }
0x417: {  	[bflag:$0x3] =	sbarrier.arrive $0xFFFF  }
0x418: {  	_ =	shalt  }

</sc_bundles>
